<compile_context>
chip_gen: v7x
topology: tpu7x:2x2x1
jax: 0.10.2.dev20260603
libtpu: 0.0.44.dev20260713+nightly
codegen_flags: <defaults>
</compile_context>

<pallas_src>
import functools

import jax
import jax.numpy as jnp
from jax import lax
from jax.experimental import pallas as pl
from jax.experimental.pallas import tpu as pltpu
from jax.experimental.pallas import tpu_sc as plsc

B = 16384
V = 100000
D = 32
NUM_DIM = 16
EMB_DIM = 128
NUM_OUT = 64

NC = 2
NS = 16
NW = NC * NS

CH = 4096
NCHK = B // CH


def _sc_gather_body(tt0, tt1, tt2, tt3, c0, c1, c2, c3,
                    out, idx_v, col_v, out_v, isem, osem):
    wid = lax.axis_index("s") * NC + lax.axis_index("c")
    tabs = (tt0, tt1, tt2, tt3)
    cats = (c0, c1, c2, c3)
    out_cp = None
    for t in range(4):
        col_cp = pltpu.async_copy(tabs[t].at[wid], col_v, isem)
        chunk_cps = [pltpu.async_copy(
            cats[t].at[pl.ds(0, CH)], idx_v.at[0], isem)]
        col_cp.wait()
        if out_cp is not None:
            out_cp.wait()
        for ch in range(NCHK):
            if ch + 1 < NCHK:
                chunk_cps.append(pltpu.async_copy(
                    cats[t].at[pl.ds((ch + 1) * CH, CH)],
                    idx_v.at[(ch + 1) % 2], isem))
            chunk_cps[ch].wait()

            @plsc.parallel_loop(0, CH // 16, unroll=16)
            def _(j, ch=ch, buf=ch % 2):
                off = j * 16
                iv = idx_v[buf, pl.ds(off, 16)]
                out_v[pl.ds(ch * CH + off, 16)] = (
                    plsc.load_gather(col_v, [iv]))
        out_cp = pltpu.async_copy(out_v, out.at[t * D + wid], osem)
    out_cp.wait()


@jax.jit
def _sc_gather(tt0, tt1, tt2, tt3, c0, c1, c2, c3):
    mesh = plsc.VectorSubcoreMesh(core_axis_name="c", subcore_axis_name="s")
    f = functools.partial(
        pl.kernel,
        mesh=mesh,
        out_type=jax.ShapeDtypeStruct((4 * D, B), jnp.float32),
        scratch_types=[
            pltpu.VMEM((2, CH), jnp.int32),
            pltpu.VMEM((V,), jnp.float32),
            pltpu.VMEM((B,), jnp.float32),
            pltpu.SemaphoreType.DMA,
            pltpu.SemaphoreType.DMA,
        ],
        compiler_params=pltpu.CompilerParams(needs_layout_passes=False),
    )(_sc_gather_body)
    return f(tt0, tt1, tt2, tt3, c0, c1, c2, c3)


def _dot_nt(a, b):
    return lax.dot_general(a, b, (((1,), (1,)), ((), ())),
                           preferred_element_type=jnp.float32)


def _stats_body(xf_ref, nw_ref, nb_ref, g_ref, bt_ref, s_ref, t_ref):
    num = _dot_nt(xf_ref[...], nw_ref[...]) + nb_ref[...]
    mean = jnp.mean(num, axis=0, keepdims=True)
    var = jnp.mean((num - mean) ** 2, axis=0, keepdims=True)
    s = g_ref[...] * lax.rsqrt(var + 1e-5)
    s_ref[...] = s
    t_ref[...] = bt_ref[...] - mean * s


@jax.jit
def _tc_stats(x, num_W, nb, g, bt):
    return pl.pallas_call(
        _stats_body,
        out_shape=[jax.ShapeDtypeStruct((1, NUM_OUT), jnp.float32)] * 2,
    )(x, num_W, nb, g, bt)


def _tc_fuse_body(e_ref, x_ref, nw_ref, nb_ref, s_ref, t_ref,
                  fw_ref, fb_ref, out_ref):
    num_blk = _dot_nt(x_ref[...], nw_ref[...]) + nb_ref[...]
    nn = num_blk * s_ref[...] + t_ref[...]
    fw = fw_ref[...]
    acc = _dot_nt(nn, fw[:, 4 * D:])
    acc += lax.dot_general(e_ref[...], fw[:, :4 * D],
                           (((0,), (1,)), ((), ())),
                           preferred_element_type=jnp.float32)
    out_ref[...] = acc + fb_ref[...]


BT = 8192


@jax.jit
def _tc_fuse(e, x, num_W, nb, s, t, fw, fb):
    grid = (B // BT,)
    whole = lambda shape: pl.BlockSpec(shape, lambda i: (0, 0))
    blk = lambda shape: pl.BlockSpec(shape, lambda i: (i, 0))
    return pl.pallas_call(
        _tc_fuse_body,
        grid=grid,
        in_specs=[
            pl.BlockSpec((4 * D, BT), lambda i: (0, i)),
            blk((BT, NUM_DIM)),
            whole((NUM_OUT, NUM_DIM)),
            whole((1, NUM_OUT)),
            whole((1, NUM_OUT)),
            whole((1, NUM_OUT)),
            whole((EMB_DIM, 4 * D + NUM_OUT)),
            whole((1, EMB_DIM)),
        ],
        out_specs=blk((BT, EMB_DIM)),
        out_shape=jax.ShapeDtypeStruct((B, EMB_DIM), jnp.float32),
    )(e, x, num_W, nb, s, t, fw, fb)


def kernel(cat_0, cat_1, cat_2, cat_3, numerical_features,
           table_0, table_1, table_2, table_3,
           num_W, num_b, bn_gamma, bn_beta, final_W, final_b):
    cats = [c.astype(jnp.int32) for c in (cat_0, cat_1, cat_2, cat_3)]
    tts = [jnp.transpose(t) for t in (table_0, table_1, table_2, table_3)]
    e = _sc_gather(*tts, *cats)
    s, t = _tc_stats(numerical_features, num_W, num_b.reshape(1, -1),
                     bn_gamma.reshape(1, -1), bn_beta.reshape(1, -1))
    return _tc_fuse(e, numerical_features, num_W, num_b.reshape(1, -1),
                    s, t, final_W, final_b.reshape(1, -1))

# --- scband reference (transcript-rebuilt; emitter-appended) ---
"""Pipeline reference for scband-multi-feature-embedding-62045097558095 (READ-ONLY COPY).

The authoritative reference and input builder live on the scoring server;
editing this copy changes nothing except your own understanding.
"""

import jax, jax.numpy as jnp
import numpy as np

B = 16384
V = 100000
D = 32
NUM_DIM = 16
EMB_DIM = 128
NUM_OUT = EMB_DIM // 2  # 64
TOTAL = 4 * D + NUM_OUT  # 192


def setup_inputs(seed: int = 0) -> dict:
    key = jax.random.key(seed)
    ks = jax.random.split(key, 16)
    inp = {}
    # forward args per input_specs
    for i in range(4):
        inp[f"cat_{i}"] = jax.random.randint(ks[i], (B,), 0, V, dtype=jnp.int64 if jax.config.jax_enable_x64 else jnp.int32)
    inp["numerical_features"] = jax.random.normal(ks[4], (B, NUM_DIM), dtype=jnp.float32)
    # learned parameters (xavier-ish scale)
    for i in range(4):
        inp[f"table_{i}"] = jax.random.normal(ks[5 + i], (V, D), dtype=jnp.float32) * 0.01
    inp["num_W"] = jax.random.normal(ks[9], (NUM_OUT, NUM_DIM), dtype=jnp.float32) * 0.1
    inp["num_b"] = jnp.zeros((NUM_OUT,), dtype=jnp.float32)
    inp["bn_gamma"] = jnp.ones((NUM_OUT,), dtype=jnp.float32)
    inp["bn_beta"] = jnp.zeros((NUM_OUT,), dtype=jnp.float32)
    inp["final_W"] = jax.random.normal(ks[10], (EMB_DIM, TOTAL), dtype=jnp.float32) * 0.05
    inp["final_b"] = jnp.zeros((EMB_DIM,), dtype=jnp.float32)
    return inp


def reference(cat_0, cat_1, cat_2, cat_3, numerical_features,
              table_0, table_1, table_2, table_3,
              num_W, num_b, bn_gamma, bn_beta, final_W, final_b):
    # categorical embedding lookups (gather -> SparseCore-friendly)
    e0 = jnp.take(table_0, cat_0, axis=0)
    e1 = jnp.take(table_1, cat_1, axis=0)
    e2 = jnp.take(table_2, cat_2, axis=0)
    e3 = jnp.take(table_3, cat_3, axis=0)
    # numerical embedding: Linear + BatchNorm1d (training-mode batch stats, eps=1e-5)
    num = numerical_features @ num_W.T + num_b
    mean = jnp.mean(num, axis=0)
    var = jnp.var(num, axis=0)
    num = (num - mean) / jnp.sqrt(var + 1e-5) * bn_gamma + bn_beta
    # concat + final projection (dropout is identity at inference)
    combined = jnp.concatenate([e0, e1, e2, e3, num], axis=-1)
    out = combined @ final_W.T + final_b
    return out

if __name__ == "__main__":
    import jax
    _d = setup_inputs()
    print(jax.jit(kernel)(*tuple(_d.values())))

</pallas_src>

<mosaic_0001>
#map = affine_map<(d0, d1) -> (0, 0)>
#map1 = affine_map<(d0, d1) -> (0)>
module attributes {stable_mosaic.version = 14 : i64} {
  func.func @_sc_gather_body(%arg0: i32, %arg1: i32, %arg2: memref<32x100000xf32, #tpu.memory_space<hbm>>, %arg3: memref<32x100000xf32, #tpu.memory_space<hbm>>, %arg4: memref<32x100000xf32, #tpu.memory_space<hbm>>, %arg5: memref<32x100000xf32, #tpu.memory_space<hbm>>, %arg6: memref<16384xi32, #tpu.memory_space<hbm>>, %arg7: memref<16384xi32, #tpu.memory_space<hbm>>, %arg8: memref<16384xi32, #tpu.memory_space<hbm>>, %arg9: memref<16384xi32, #tpu.memory_space<hbm>>, %arg10: memref<128x16384xf32, #tpu.memory_space<hbm>>, %arg11: memref<2x4096xi32, #tpu.memory_space<vmem>>, %arg12: memref<100000xf32, #tpu.memory_space<vmem>>, %arg13: memref<16384xf32, #tpu.memory_space<vmem>>, %arg14: memref<!tpu.dma_semaphore, #tpu.memory_space<semaphore_mem>>, %arg15: memref<!tpu.dma_semaphore, #tpu.memory_space<semaphore_mem>>) attributes {dimension_semantics = [#tpu.dimension_semantics<core_parallel>, #tpu.dimension_semantics<subcore_parallel>], iteration_bounds = array<i64: 2, 16>, scalar_prefetch = 0 : i64, scratch_operands = 5 : i64, tpu.core_type = #tpu.core_type<sc_vector_subcore>, window_params = [{transform_indices = #map}, {transform_indices = #map}, {transform_indices = #map}, {transform_indices = #map}, {transform_indices = #map1}, {transform_indices = #map1}, {transform_indices = #map1}, {transform_indices = #map1}, {transform_indices = #map}]} {
    %mul3A = arith.constant 2 : i32
    %mul3A_0 = arith.muli %arg1, %mul3A : i32
    %add3A = arith.addi %mul3A_0, %arg0 : i32
    %dma_start3A = arith.constant 0 : i32
    %dma_start3A_1 = tpu.memref_slice %arg2[%add3A, %dma_start3A] : memref<32x100000xf32, #tpu.memory_space<hbm>> -> memref<1x100000xf32, #tpu.memory_space<hbm>>
    %dma_start3A_2 = tpu.memref_squeeze %dma_start3A_1 : memref<1x100000xf32, #tpu.memory_space<hbm>> -> memref<100000xf32, #tpu.memory_space<hbm>>
    %dma_start3A_3 = arith.constant 0 : i32
    %dma_start3A_4 = tpu.memref_slice %arg2[%add3A, %dma_start3A_3] : memref<32x100000xf32, #tpu.memory_space<hbm>> -> memref<1x100000xf32, #tpu.memory_space<hbm>>
    %dma_start3A_5 = tpu.memref_squeeze %dma_start3A_4 : memref<1x100000xf32, #tpu.memory_space<hbm>> -> memref<100000xf32, #tpu.memory_space<hbm>>
    tpu.enqueue_dma source(%dma_start3A_5 : memref<100000xf32, #tpu.memory_space<hbm>>) target(%arg12 : memref<100000xf32, #tpu.memory_space<vmem>>) target_semaphore(%arg14 : memref<!tpu.dma_semaphore, #tpu.memory_space<semaphore_mem>>)
    %dma_start3A_6 = arith.constant 0 : i32
    %dma_start3A_7 = arith.constant 0 : i32
    %dma_start3A_8 = tpu.memref_slice %arg11[%dma_start3A_6, %dma_start3A_7] : memref<2x4096xi32, #tpu.memory_space<vmem>> -> memref<1x4096xi32, #tpu.memory_space<vmem>>
    %dma_start3A_9 = tpu.memref_squeeze %dma_start3A_8 : memref<1x4096xi32, #tpu.memory_space<vmem>> -> memref<4096xi32, #tpu.memory_space<vmem>>
    %dma_start3A_10 = arith.constant 0 : i32
    %dma_start3A_11 = tpu.memref_slice %arg6[%dma_start3A_10] : memref<16384xi32, #tpu.memory_space<hbm>> -> memref<4096xi32, #tpu.memory_space<hbm>>
    %dma_start3A_12 = arith.constant 0 : i32
    %dma_start3A_13 = tpu.memref_slice %arg11[%dma_start3A_6, %dma_start3A_12] : memref<2x4096xi32, #tpu.memory_space<vmem>> -> memref<1x4096xi32, #tpu.memory_space<vmem>>
    %dma_start3A_14 = tpu.memref_squeeze %dma_start3A_13 : memref<1x4096xi32, #tpu.memory_space<vmem>> -> memref<4096xi32, #tpu.memory_space<vmem>>
    %dma_start3A_15 = arith.constant 0 : i32
    %dma_start3A_16 = tpu.memref_slice %arg6[%dma_start3A_15] : memref<16384xi32, #tpu.memory_space<hbm>> -> memref<4096xi32, #tpu.memory_space<hbm>>
    tpu.enqueue_dma source(%dma_start3A_16 : memref<4096xi32, #tpu.memory_space<hbm>>) target(%dma_start3A_14 : memref<4096xi32, #tpu.memory_space<vmem>>) target_semaphore(%arg14 : memref<!tpu.dma_semaphore, #tpu.memory_space<semaphore_mem>>)
    %dma_wait3A = arith.constant 0 : i32
    %dma_wait3A_17 = tpu.memref_slice %arg2[%add3A, %dma_wait3A] : memref<32x100000xf32, #tpu.memory_space<hbm>> -> memref<1x100000xf32, #tpu.memory_space<hbm>>
    %dma_wait3A_18 = tpu.memref_squeeze %dma_wait3A_17 : memref<1x100000xf32, #tpu.memory_space<hbm>> -> memref<100000xf32, #tpu.memory_space<hbm>>
    %dma_wait3A_19 = arith.constant 0 : i32
    %dma_wait3A_20 = tpu.memref_slice %arg2[%add3A, %dma_wait3A_19] : memref<32x100000xf32, #tpu.memory_space<hbm>> -> memref<1x100000xf32, #tpu.memory_space<hbm>>
    %dma_wait3A_21 = tpu.memref_squeeze %dma_wait3A_20 : memref<1x100000xf32, #tpu.memory_space<hbm>> -> memref<100000xf32, #tpu.memory_space<hbm>>
    tpu.wait_dma2 semaphore(%arg14 : memref<!tpu.dma_semaphore, #tpu.memory_space<semaphore_mem>>) src(%dma_wait3A_21 : memref<100000xf32, #tpu.memory_space<hbm>>) dst(%arg12 : memref<100000xf32, #tpu.memory_space<vmem>>)
    %dma_start3A_22 = arith.constant 1 : i32
    %dma_start3A_23 = arith.constant 0 : i32
    %dma_start3A_24 = tpu.memref_slice %arg11[%dma_start3A_22, %dma_start3A_23] : memref<2x4096xi32, #tpu.memory_space<vmem>> -> memref<1x4096xi32, #tpu.memory_space<vmem>>
    %dma_start3A_25 = tpu.memref_squeeze %dma_start3A_24 : memref<1x4096xi32, #tpu.memory_space<vmem>> -> memref<4096xi32, #tpu.memory_space<vmem>>
    %dma_start3A_26 = arith.constant 4096 : i32
    %dma_start3A_27 = tpu.memref_slice %arg6[%dma_start3A_26] : memref<16384xi32, #tpu.memory_space<hbm>> -> memref<4096xi32, #tpu.memory_space<hbm>>
    %dma_start3A_28 = arith.constant 0 : i32
    %dma_start3A_29 = tpu.memref_slice %arg11[%dma_start3A_22, %dma_start3A_28] : memref<2x4096xi32, #tpu.memory_space<vmem>> -> memref<1x4096xi32, #tpu.memory_space<vmem>>
    %dma_start3A_30 = tpu.memref_squeeze %dma_start3A_29 : memref<1x4096xi32, #tpu.memory_space<vmem>> -> memref<4096xi32, #tpu.memory_space<vmem>>
    %dma_start3A_31 = arith.constant 4096 : i32
    %dma_start3A_32 = tpu.memref_slice %arg6[%dma_start3A_31] : memref<16384xi32, #tpu.memory_space<hbm>> -> memref<4096xi32, #tpu.memory_space<hbm>>
    tpu.enqueue_dma source(%dma_start3A_32 : memref<4096xi32, #tpu.memory_space<hbm>>) target(%dma_start3A_30 : memref<4096xi32, #tpu.memory_space<vmem>>) target_semaphore(%arg14 : memref<!tpu.dma_semaphore, #tpu.memory_space<semaphore_mem>>)
    %dma_wait3A_33 = arith.constant 0 : i32
    %dma_wait3A_34 = arith.constant 0 : i32
    %dma_wait3A_35 = tpu.memref_slice %arg11[%dma_wait3A_33, %dma_wait3A_34] : memref<2x4096xi32, #tpu.memory_space<vmem>> -> memref<1x4096xi32, #tpu.memory_space<vmem>>
    %dma_wait3A_36 = tpu.memref_squeeze %dma_wait3A_35 : memref<1x4096xi32, #tpu.memory_space<vmem>> -> memref<4096xi32, #tpu.memory_space<vmem>>
    %dma_wait3A_37 = arith.constant 0 : i32
    %dma_wait3A_38 = tpu.memref_slice %arg6[%dma_wait3A_37] : memref<16384xi32, #tpu.memory_space<hbm>> -> memref<4096xi32, #tpu.memory_space<hbm>>
    %dma_wait3A_39 = arith.constant 0 : i32
    %dma_wait3A_40 = tpu.memref_slice %arg11[%dma_wait3A_33, %dma_wait3A_39] : memref<2x4096xi32, #tpu.memory_space<vmem>> -> memref<1x4096xi32, #tpu.memory_space<vmem>>
    %dma_wait3A_41 = tpu.memref_squeeze %dma_wait3A_40 : memref<1x4096xi32, #tpu.memory_space<vmem>> -> memref<4096xi32, #tpu.memory_space<vmem>>
    %dma_wait3A_42 = arith.constant 0 : i32
    %dma_wait3A_43 = tpu.memref_slice %arg6[%dma_wait3A_42] : memref<16384xi32, #tpu.memory_space<hbm>> -> memref<4096xi32, #tpu.memory_space<hbm>>
    tpu.wait_dma2 semaphore(%arg14 : memref<!tpu.dma_semaphore, #tpu.memory_space<semaphore_mem>>) src(%dma_wait3A_43 : memref<4096xi32, #tpu.memory_space<hbm>>) dst(%dma_wait3A_41 : memref<4096xi32, #tpu.memory_space<vmem>>)
    %parallel_loop3A = arith.constant 0 : i32
    %parallel_loop3A_44 = arith.constant 256 : i32
    %parallel_loop3A_45 = arith.constant 1 : i32
    scf.for %parallel_loop3A_502 = %parallel_loop3A to %parallel_loop3A_44 step %parallel_loop3A_45  : i32 {
      %parallel_loop3A_503 = arith.constant 16 : i32
      %parallel_loop3A_504 = arith.muli %parallel_loop3A_502, %parallel_loop3A_503 : i32
      %parallel_loop3A_505 = arith.constant 0 : i32
      %parallel_loop3A_506 = arith.index_cast %parallel_loop3A_505 : i32 to index
      %parallel_loop3A_507 = arith.index_cast %parallel_loop3A_504 : i32 to index
      %parallel_loop3A_508 = tpu.vector_load %arg11[%parallel_loop3A_506, %parallel_loop3A_507] {strides = array<i32>} : memref<2x4096xi32, #tpu.memory_space<vmem>>, vector<16xi32>,
      %parallel_loop3A_509 = tpu.vector_load_idx %arg12[%parallel_loop3A_508] : memref<100000xf32, #tpu.memory_space<vmem>>[vector<16xi32>], vector<16xf32>,
      %parallel_loop3A_510 = arith.constant 0 : i32
      %parallel_loop3A_511 = arith.addi %parallel_loop3A_510, %parallel_loop3A_504 : i32
      %parallel_loop3A_512 = arith.index_cast %parallel_loop3A_511 : i32 to index
      %parallel_loop3A_513 = tpu.vector_load %arg13[%parallel_loop3A_512] {strides = array<i32>} : memref<16384xf32, #tpu.memory_space<vmem>>, vector<16xf32>,
      tpu.vector_store %arg13[%parallel_loop3A_512], %parallel_loop3A_509 {strides = array<i32>} : memref<16384xf32, #tpu.memory_space<vmem>>, vector<16xf32>,
    } {sc.loop_unroll_factor = 16 : i64, sc.parallel_access}
    %dma_start3A_46 = arith.constant 0 : i32
    %dma_start3A_47 = arith.constant 0 : i32
    %dma_start3A_48 = tpu.memref_slice %arg11[%dma_start3A_46, %dma_start3A_47] : memref<2x4096xi32, #tpu.memory_space<vmem>> -> memref<1x4096xi32, #tpu.memory_space<vmem>>
    %dma_start3A_49 = tpu.memref_squeeze %dma_start3A_48 : memref<1x4096xi32, #tpu.memory_space<vmem>> -> memref<4096xi32, #tpu.memory_space<vmem>>
    %dma_start3A_50 = arith.constant 8192 : i32
    %dma_start3A_51 = tpu.memref_slice %arg6[%dma_start3A_50] : memref<16384xi32, #tpu.memory_space<hbm>> -> memref<4096xi32, #tpu.memory_space<hbm>>
    %dma_start3A_52 = arith.constant 0 : i32
    %dma_start3A_53 = tpu.memref_slice %arg11[%dma_start3A_46, %dma_start3A_52] : memref<2x4096xi32, #tpu.memory_space<vmem>> -> memref<1x4096xi32, #tpu.memory_space<vmem>>
    %dma_start3A_54 = tpu.memref_squeeze %dma_start3A_53 : memref<1x4096xi32, #tpu.memory_space<vmem>> -> memref<4096xi32, #tpu.memory_space<vmem>>
    %dma_start3A_55 = arith.constant 8192 : i32
    %dma_start3A_56 = tpu.memref_slice %arg6[%dma_start3A_55] : memref<16384xi32, #tpu.memory_space<hbm>> -> memref<4096xi32, #tpu.memory_space<hbm>>
    tpu.enqueue_dma source(%dma_start3A_56 : memref<4096xi32, #tpu.memory_space<hbm>>) target(%dma_start3A_54 : memref<4096xi32, #tpu.memory_space<vmem>>) target_semaphore(%arg14 : memref<!tpu.dma_semaphore, #tpu.memory_space<semaphore_mem>>)
    %dma_wait3A_57 = arith.constant 1 : i32
    %dma_wait3A_58 = arith.constant 0 : i32
    %dma_wait3A_59 = tpu.memref_slice %arg11[%dma_wait3A_57, %dma_wait3A_58] : memref<2x4096xi32, #tpu.memory_space<vmem>> -> memref<1x4096xi32, #tpu.memory_space<vmem>>
    %dma_wait3A_60 = tpu.memref_squeeze %dma_wait3A_59 : memref<1x4096xi32, #tpu.memory_space<vmem>> -> memref<4096xi32, #tpu.memory_space<vmem>>
    %dma_wait3A_61 = arith.constant 4096 : i32
    %dma_wait3A_62 = tpu.memref_slice %arg6[%dma_wait3A_61] : memref<16384xi32, #tpu.memory_space<hbm>> -> memref<4096xi32, #tpu.memory_space<hbm>>
    %dma_wait3A_63 = arith.constant 0 : i32
    %dma_wait3A_64 = tpu.memref_slice %arg11[%dma_wait3A_57, %dma_wait3A_63] : memref<2x4096xi32, #tpu.memory_space<vmem>> -> memref<1x4096xi32, #tpu.memory_space<vmem>>
    %dma_wait3A_65 = tpu.memref_squeeze %dma_wait3A_64 : memref<1x4096xi32, #tpu.memory_space<vmem>> -> memref<4096xi32, #tpu.memory_space<vmem>>
    %dma_wait3A_66 = arith.constant 4096 : i32
    %dma_wait3A_67 = tpu.memref_slice %arg6[%dma_wait3A_66] : memref<16384xi32, #tpu.memory_space<hbm>> -> memref<4096xi32, #tpu.memory_space<hbm>>
    tpu.wait_dma2 semaphore(%arg14 : memref<!tpu.dma_semaphore, #tpu.memory_space<semaphore_mem>>) src(%dma_wait3A_67 : memref<4096xi32, #tpu.memory_space<hbm>>) dst(%dma_wait3A_65 : memref<4096xi32, #tpu.memory_space<vmem>>)
    %parallel_loop3A_68 = arith.constant 0 : i32
    %parallel_loop3A_69 = arith.constant 256 : i32
    %parallel_loop3A_70 = arith.constant 1 : i32
    scf.for %parallel_loop3A_502 = %parallel_loop3A_68 to %parallel_loop3A_69 step %parallel_loop3A_70  : i32 {
      %parallel_loop3A_503 = arith.constant 16 : i32
      %parallel_loop3A_504 = arith.muli %parallel_loop3A_502, %parallel_loop3A_503 : i32
      %parallel_loop3A_505 = arith.constant 1 : i32
      %parallel_loop3A_506 = arith.index_cast %parallel_loop3A_505 : i32 to index
      %parallel_loop3A_507 = arith.index_cast %parallel_loop3A_504 : i32 to index
      %parallel_loop3A_508 = tpu.vector_load %arg11[%parallel_loop3A_506, %parallel_loop3A_507] {strides = array<i32>} : memref<2x4096xi32, #tpu.memory_space<vmem>>, vector<16xi32>,
      %parallel_loop3A_509 = tpu.vector_load_idx %arg12[%parallel_loop3A_508] : memref<100000xf32, #tpu.memory_space<vmem>>[vector<16xi32>], vector<16xf32>,
      %parallel_loop3A_510 = arith.constant 4096 : i32
      %parallel_loop3A_511 = arith.addi %parallel_loop3A_510, %parallel_loop3A_504 : i32
      %parallel_loop3A_512 = arith.index_cast %parallel_loop3A_511 : i32 to index
      %parallel_loop3A_513 = tpu.vector_load %arg13[%parallel_loop3A_512] {strides = array<i32>} : memref<16384xf32, #tpu.memory_space<vmem>>, vector<16xf32>,
      tpu.vector_store %arg13[%parallel_loop3A_512], %parallel_loop3A_509 {strides = array<i32>} : memref<16384xf32, #tpu.memory_space<vmem>>, vector<16xf32>,
    } {sc.loop_unroll_factor = 16 : i64, sc.parallel_access}
    %dma_start3A_71 = arith.constant 1 : i32
    %dma_start3A_72 = arith.constant 0 : i32
    %dma_start3A_73 = tpu.memref_slice %arg11[%dma_start3A_71, %dma_start3A_72] : memref<2x4096xi32, #tpu.memory_space<vmem>> -> memref<1x4096xi32, #tpu.memory_space<vmem>>
    %dma_start3A_74 = tpu.memref_squeeze %dma_start3A_73 : memref<1x4096xi32, #tpu.memory_space<vmem>> -> memref<4096xi32, #tpu.memory_space<vmem>>
    %dma_start3A_75 = arith.constant 12288 : i32
    %dma_start3A_76 = tpu.memref_slice %arg6[%dma_start3A_75] : memref<16384xi32, #tpu.memory_space<hbm>> -> memref<4096xi32, #tpu.memory_space<hbm>>
    %dma_start3A_77 = arith.constant 0 : i32
    %dma_start3A_78 = tpu.memref_slice %arg11[%dma_start3A_71, %dma_start3A_77] : memref<2x4096xi32, #tpu.memory_space<vmem>> -> memref<1x4096xi32, #tpu.memory_space<vmem>>
    %dma_start3A_79 = tpu.memref_squeeze %dma_start3A_78 : memref<1x4096xi32, #tpu.memory_space<vmem>> -> memref<4096xi32, #tpu.memory_space<vmem>>
    %dma_start3A_80 = arith.constant 12288 : i32
    %dma_start3A_81 = tpu.memref_slice %arg6[%dma_start3A_80] : memref<16384xi32, #tpu.memory_space<hbm>> -> memref<4096xi32, #tpu.memory_space<hbm>>
    tpu.enqueue_dma source(%dma_start3A_81 : memref<4096xi32, #tpu.memory_space<hbm>>) target(%dma_start3A_79 : memref<4096xi32, #tpu.memory_space<vmem>>) target_semaphore(%arg14 : memref<!tpu.dma_semaphore, #tpu.memory_space<semaphore_mem>>)
    %dma_wait3A_82 = arith.constant 0 : i32
    %dma_wait3A_83 = arith.constant 0 : i32
    %dma_wait3A_84 = tpu.memref_slice %arg11[%dma_wait3A_82, %dma_wait3A_83] : memref<2x4096xi32, #tpu.memory_space<vmem>> -> memref<1x4096xi32, #tpu.memory_space<vmem>>
    %dma_wait3A_85 = tpu.memref_squeeze %dma_wait3A_84 : memref<1x4096xi32, #tpu.memory_space<vmem>> -> memref<4096xi32, #tpu.memory_space<vmem>>
    %dma_wait3A_86 = arith.constant 8192 : i32
    %dma_wait3A_87 = tpu.memref_slice %arg6[%dma_wait3A_86] : memref<16384xi32, #tpu.memory_space<hbm>> -> memref<4096xi32, #tpu.memory_space<hbm>>
    %dma_wait3A_88 = arith.constant 0 : i32
    %dma_wait3A_89 = tpu.memref_slice %arg11[%dma_wait3A_82, %dma_wait3A_88] : memref<2x4096xi32, #tpu.memory_space<vmem>> -> memref<1x4096xi32, #tpu.memory_space<vmem>>
    %dma_wait3A_90 = tpu.memref_squeeze %dma_wait3A_89 : memref<1x4096xi32, #tpu.memory_space<vmem>> -> memref<4096xi32, #tpu.memory_space<vmem>>
    %dma_wait3A_91 = arith.constant 8192 : i32
    %dma_wait3A_92 = tpu.memref_slice %arg6[%dma_wait3A_91] : memref<16384xi32, #tpu.memory_space<hbm>> -> memref<4096xi32, #tpu.memory_space<hbm>>
    tpu.wait_dma2 semaphore(%arg14 : memref<!tpu.dma_semaphore, #tpu.memory_space<semaphore_mem>>) src(%dma_wait3A_92 : memref<4096xi32, #tpu.memory_space<hbm>>) dst(%dma_wait3A_90 : memref<4096xi32, #tpu.memory_space<vmem>>)
    %parallel_loop3A_93 = arith.constant 0 : i32
    %parallel_loop3A_94 = arith.constant 256 : i32
    %parallel_loop3A_95 = arith.constant 1 : i32
    scf.for %parallel_loop3A_502 = %parallel_loop3A_93 to %parallel_loop3A_94 step %parallel_loop3A_95  : i32 {
      %parallel_loop3A_503 = arith.constant 16 : i32
      %parallel_loop3A_504 = arith.muli %parallel_loop3A_502, %parallel_loop3A_503 : i32
      %parallel_loop3A_505 = arith.constant 0 : i32
      %parallel_loop3A_506 = arith.index_cast %parallel_loop3A_505 : i32 to index
      %parallel_loop3A_507 = arith.index_cast %parallel_loop3A_504 : i32 to index
      %parallel_loop3A_508 = tpu.vector_load %arg11[%parallel_loop3A_506, %parallel_loop3A_507] {strides = array<i32>} : memref<2x4096xi32, #tpu.memory_space<vmem>>, vector<16xi32>,
      %parallel_loop3A_509 = tpu.vector_load_idx %arg12[%parallel_loop3A_508] : memref<100000xf32, #tpu.memory_space<vmem>>[vector<16xi32>], vector<16xf32>,
      %parallel_loop3A_510 = arith.constant 8192 : i32
      %parallel_loop3A_511 = arith.addi %parallel_loop3A_510, %parallel_loop3A_504 : i32
      %parallel_loop3A_512 = arith.index_cast %parallel_loop3A_511 : i32 to index
      %parallel_loop3A_513 = tpu.vector_load %arg13[%parallel_loop3A_512] {strides = array<i32>} : memref<16384xf32, #tpu.memory_space<vmem>>, vector<16xf32>,
      tpu.vector_store %arg13[%parallel_loop3A_512], %parallel_loop3A_509 {strides = array<i32>} : memref<16384xf32, #tpu.memory_space<vmem>>, vector<16xf32>,
    } {sc.loop_unroll_factor = 16 : i64, sc.parallel_access}
    %dma_wait3A_96 = arith.constant 1 : i32
    %dma_wait3A_97 = arith.constant 0 : i32
    %dma_wait3A_98 = tpu.memref_slice %arg11[%dma_wait3A_96, %dma_wait3A_97] : memref<2x4096xi32, #tpu.memory_space<vmem>> -> memref<1x4096xi32, #tpu.memory_space<vmem>>
    %dma_wait3A_99 = tpu.memref_squeeze %dma_wait3A_98 : memref<1x4096xi32, #tpu.memory_space<vmem>> -> memref<4096xi32, #tpu.memory_space<vmem>>
    %dma_wait3A_100 = arith.constant 12288 : i32
    %dma_wait3A_101 = tpu.memref_slice %arg6[%dma_wait3A_100] : memref<16384xi32, #tpu.memory_space<hbm>> -> memref<4096xi32, #tpu.memory_space<hbm>>
    %dma_wait3A_102 = arith.constant 0 : i32
    %dma_wait3A_103 = tpu.memref_slice %arg11[%dma_wait3A_96, %dma_wait3A_102] : memref<2x4096xi32, #tpu.memory_space<vmem>> -> memref<1x4096xi32, #tpu.memory_space<vmem>>
    %dma_wait3A_104 = tpu.memref_squeeze %dma_wait3A_103 : memref<1x4096xi32, #tpu.memory_space<vmem>> -> memref<4096xi32, #tpu.memory_space<vmem>>
    %dma_wait3A_105 = arith.constant 12288 : i32
    %dma_wait3A_106 = tpu.memref_slice %arg6[%dma_wait3A_105] : memref<16384xi32, #tpu.memory_space<hbm>> -> memref<4096xi32, #tpu.memory_space<hbm>>
    tpu.wait_dma2 semaphore(%arg14 : memref<!tpu.dma_semaphore, #tpu.memory_space<semaphore_mem>>) src(%dma_wait3A_106 : memref<4096xi32, #tpu.memory_space<hbm>>) dst(%dma_wait3A_104 : memref<4096xi32, #tpu.memory_space<vmem>>)
    %parallel_loop3A_107 = arith.constant 0 : i32
    %parallel_loop3A_108 = arith.constant 256 : i32
    %parallel_loop3A_109 = arith.constant 1 : i32
    scf.for %parallel_loop3A_502 = %parallel_loop3A_107 to %parallel_loop3A_108 step %parallel_loop3A_109  : i32 {
      %parallel_loop3A_503 = arith.constant 16 : i32
      %parallel_loop3A_504 = arith.muli %parallel_loop3A_502, %parallel_loop3A_503 : i32
      %parallel_loop3A_505 = arith.constant 1 : i32
      %parallel_loop3A_506 = arith.index_cast %parallel_loop3A_505 : i32 to index
      %parallel_loop3A_507 = arith.index_cast %parallel_loop3A_504 : i32 to index
      %parallel_loop3A_508 = tpu.vector_load %arg11[%parallel_loop3A_506, %parallel_loop3A_507] {strides = array<i32>} : memref<2x4096xi32, #tpu.memory_space<vmem>>, vector<16xi32>,
      %parallel_loop3A_509 = tpu.vector_load_idx %arg12[%parallel_loop3A_508] : memref<100000xf32, #tpu.memory_space<vmem>>[vector<16xi32>], vector<16xf32>,
      %parallel_loop3A_510 = arith.constant 12288 : i32
      %parallel_loop3A_511 = arith.addi %parallel_loop3A_510, %parallel_loop3A_504 : i32
      %parallel_loop3A_512 = arith.index_cast %parallel_loop3A_511 : i32 to index
      %parallel_loop3A_513 = tpu.vector_load %arg13[%parallel_loop3A_512] {strides = array<i32>} : memref<16384xf32, #tpu.memory_space<vmem>>, vector<16xf32>,
      tpu.vector_store %arg13[%parallel_loop3A_512], %parallel_loop3A_509 {strides = array<i32>} : memref<16384xf32, #tpu.memory_space<vmem>>, vector<16xf32>,
    } {sc.loop_unroll_factor = 16 : i64, sc.parallel_access}
    %add3A_110 = arith.constant 0 : i32
    %add3A_111 = arith.addi %add3A_110, %add3A : i32
    %dma_start3A_112 = arith.constant 0 : i32
    %dma_start3A_113 = tpu.memref_slice %arg10[%add3A_111, %dma_start3A_112] : memref<128x16384xf32, #tpu.memory_space<hbm>> -> memref<1x16384xf32, #tpu.memory_space<hbm>>
    %dma_start3A_114 = tpu.memref_squeeze %dma_start3A_113 : memref<1x16384xf32, #tpu.memory_space<hbm>> -> memref<16384xf32, #tpu.memory_space<hbm>>
    %dma_start3A_115 = arith.constant 0 : i32
    %dma_start3A_116 = tpu.memref_slice %arg10[%add3A_111, %dma_start3A_115] : memref<128x16384xf32, #tpu.memory_space<hbm>> -> memref<1x16384xf32, #tpu.memory_space<hbm>>
    %dma_start3A_117 = tpu.memref_squeeze %dma_start3A_116 : memref<1x16384xf32, #tpu.memory_space<hbm>> -> memref<16384xf32, #tpu.memory_space<hbm>>
    tpu.enqueue_dma source(%arg13 : memref<16384xf32, #tpu.memory_space<vmem>>) target(%dma_start3A_117 : memref<16384xf32, #tpu.memory_space<hbm>>) target_semaphore(%arg15 : memref<!tpu.dma_semaphore, #tpu.memory_space<semaphore_mem>>)
    %dma_start3A_118 = arith.constant 0 : i32
    %dma_start3A_119 = tpu.memref_slice %arg3[%add3A, %dma_start3A_118] : memref<32x100000xf32, #tpu.memory_space<hbm>> -> memref<1x100000xf32, #tpu.memory_space<hbm>>
    %dma_start3A_120 = tpu.memref_squeeze %dma_start3A_119 : memref<1x100000xf32, #tpu.memory_space<hbm>> -> memref<100000xf32, #tpu.memory_space<hbm>>
    %dma_start3A_121 = arith.constant 0 : i32
    %dma_start3A_122 = tpu.memref_slice %arg3[%add3A, %dma_start3A_121] : memref<32x100000xf32, #tpu.memory_space<hbm>> -> memref<1x100000xf32, #tpu.memory_space<hbm>>
    %dma_start3A_123 = tpu.memref_squeeze %dma_start3A_122 : memref<1x100000xf32, #tpu.memory_space<hbm>> -> memref<100000xf32, #tpu.memory_space<hbm>>
    tpu.enqueue_dma source(%dma_start3A_123 : memref<100000xf32, #tpu.memory_space<hbm>>) target(%arg12 : memref<100000xf32, #tpu.memory_space<vmem>>) target_semaphore(%arg14 : memref<!tpu.dma_semaphore, #tpu.memory_space<semaphore_mem>>)
    %dma_start3A_124 = arith.constant 0 : i32
    %dma_start3A_125 = arith.constant 0 : i32
    %dma_start3A_126 = tpu.memref_slice %arg11[%dma_start3A_124, %dma_start3A_125] : memref<2x4096xi32, #tpu.memory_space<vmem>> -> memref<1x4096xi32, #tpu.memory_space<vmem>>
    %dma_start3A_127 = tpu.memref_squeeze %dma_start3A_126 : memref<1x4096xi32, #tpu.memory_space<vmem>> -> memref<4096xi32, #tpu.memory_space<vmem>>
    %dma_start3A_128 = arith.constant 0 : i32
    %dma_start3A_129 = tpu.memref_slice %arg7[%dma_start3A_128] : memref<16384xi32, #tpu.memory_space<hbm>> -> memref<4096xi32, #tpu.memory_space<hbm>>
    %dma_start3A_130 = arith.constant 0 : i32
    %dma_start3A_131 = tpu.memref_slice %arg11[%dma_start3A_124, %dma_start3A_130] : memref<2x4096xi32, #tpu.memory_space<vmem>> -> memref<1x4096xi32, #tpu.memory_space<vmem>>
    %dma_start3A_132 = tpu.memref_squeeze %dma_start3A_131 : memref<1x4096xi32, #tpu.memory_space<vmem>> -> memref<4096xi32, #tpu.memory_space<vmem>>
    %dma_start3A_133 = arith.constant 0 : i32
    %dma_start3A_134 = tpu.memref_slice %arg7[%dma_start3A_133] : memref<16384xi32, #tpu.memory_space<hbm>> -> memref<4096xi32, #tpu.memory_space<hbm>>
    tpu.enqueue_dma source(%dma_start3A_134 : memref<4096xi32, #tpu.memory_space<hbm>>) target(%dma_start3A_132 : memref<4096xi32, #tpu.memory_space<vmem>>) target_semaphore(%arg14 : memref<!tpu.dma_semaphore, #tpu.memory_space<semaphore_mem>>)
    %dma_wait3A_135 = arith.constant 0 : i32
    %dma_wait3A_136 = tpu.memref_slice %arg3[%add3A, %dma_wait3A_135] : memref<32x100000xf32, #tpu.memory_space<hbm>> -> memref<1x100000xf32, #tpu.memory_space<hbm>>
    %dma_wait3A_137 = tpu.memref_squeeze %dma_wait3A_136 : memref<1x100000xf32, #tpu.memory_space<hbm>> -> memref<100000xf32, #tpu.memory_space<hbm>>
    %dma_wait3A_138 = arith.constant 0 : i32
    %dma_wait3A_139 = tpu.memref_slice %arg3[%add3A, %dma_wait3A_138] : memref<32x100000xf32, #tpu.memory_space<hbm>> -> memref<1x100000xf32, #tpu.memory_space<hbm>>
    %dma_wait3A_140 = tpu.memref_squeeze %dma_wait3A_139 : memref<1x100000xf32, #tpu.memory_space<hbm>> -> memref<100000xf32, #tpu.memory_space<hbm>>
    tpu.wait_dma2 semaphore(%arg14 : memref<!tpu.dma_semaphore, #tpu.memory_space<semaphore_mem>>) src(%dma_wait3A_140 : memref<100000xf32, #tpu.memory_space<hbm>>) dst(%arg12 : memref<100000xf32, #tpu.memory_space<vmem>>)
    %dma_wait3A_141 = arith.constant 0 : i32
    %dma_wait3A_142 = tpu.memref_slice %arg10[%add3A_111, %dma_wait3A_141] : memref<128x16384xf32, #tpu.memory_space<hbm>> -> memref<1x16384xf32, #tpu.memory_space<hbm>>
    %dma_wait3A_143 = tpu.memref_squeeze %dma_wait3A_142 : memref<1x16384xf32, #tpu.memory_space<hbm>> -> memref<16384xf32, #tpu.memory_space<hbm>>
    %dma_wait3A_144 = arith.constant 0 : i32
    %dma_wait3A_145 = tpu.memref_slice %arg10[%add3A_111, %dma_wait3A_144] : memref<128x16384xf32, #tpu.memory_space<hbm>> -> memref<1x16384xf32, #tpu.memory_space<hbm>>
    %dma_wait3A_146 = tpu.memref_squeeze %dma_wait3A_145 : memref<1x16384xf32, #tpu.memory_space<hbm>> -> memref<16384xf32, #tpu.memory_space<hbm>>
    tpu.wait_dma2 semaphore(%arg15 : memref<!tpu.dma_semaphore, #tpu.memory_space<semaphore_mem>>) src(%arg13 : memref<16384xf32, #tpu.memory_space<vmem>>) dst(%dma_wait3A_146 : memref<16384xf32, #tpu.memory_space<hbm>>)
    %dma_start3A_147 = arith.constant 1 : i32
    %dma_start3A_148 = arith.constant 0 : i32
    %dma_start3A_149 = tpu.memref_slice %arg11[%dma_start3A_147, %dma_start3A_148] : memref<2x4096xi32, #tpu.memory_space<vmem>> -> memref<1x4096xi32, #tpu.memory_space<vmem>>
    %dma_start3A_150 = tpu.memref_squeeze %dma_start3A_149 : memref<1x4096xi32, #tpu.memory_space<vmem>> -> memref<4096xi32, #tpu.memory_space<vmem>>
    %dma_start3A_151 = arith.constant 4096 : i32
    %dma_start3A_152 = tpu.memref_slice %arg7[%dma_start3A_151] : memref<16384xi32, #tpu.memory_space<hbm>> -> memref<4096xi32, #tpu.memory_space<hbm>>
    %dma_start3A_153 = arith.constant 0 : i32
    %dma_start3A_154 = tpu.memref_slice %arg11[%dma_start3A_147, %dma_start3A_153] : memref<2x4096xi32, #tpu.memory_space<vmem>> -> memref<1x4096xi32, #tpu.memory_space<vmem>>
    %dma_start3A_155 = tpu.memref_squeeze %dma_start3A_154 : memref<1x4096xi32, #tpu.memory_space<vmem>> -> memref<4096xi32, #tpu.memory_space<vmem>>
    %dma_start3A_156 = arith.constant 4096 : i32
    %dma_start3A_157 = tpu.memref_slice %arg7[%dma_start3A_156] : memref<16384xi32, #tpu.memory_space<hbm>> -> memref<4096xi32, #tpu.memory_space<hbm>>
    tpu.enqueue_dma source(%dma_start3A_157 : memref<4096xi32, #tpu.memory_space<hbm>>) target(%dma_start3A_155 : memref<4096xi32, #tpu.memory_space<vmem>>) target_semaphore(%arg14 : memref<!tpu.dma_semaphore, #tpu.memory_space<semaphore_mem>>)
    %dma_wait3A_158 = arith.constant 0 : i32
    %dma_wait3A_159 = arith.constant 0 : i32
    %dma_wait3A_160 = tpu.memref_slice %arg11[%dma_wait3A_158, %dma_wait3A_159] : memref<2x4096xi32, #tpu.memory_space<vmem>> -> memref<1x4096xi32, #tpu.memory_space<vmem>>
    %dma_wait3A_161 = tpu.memref_squeeze %dma_wait3A_160 : memref<1x4096xi32, #tpu.memory_space<vmem>> -> memref<4096xi32, #tpu.memory_space<vmem>>
    %dma_wait3A_162 = arith.constant 0 : i32
    %dma_wait3A_163 = tpu.memref_slice %arg7[%dma_wait3A_162] : memref<16384xi32, #tpu.memory_space<hbm>> -> memref<4096xi32, #tpu.memory_space<hbm>>
    %dma_wait3A_164 = arith.constant 0 : i32
    %dma_wait3A_165 = tpu.memref_slice %arg11[%dma_wait3A_158, %dma_wait3A_164] : memref<2x4096xi32, #tpu.memory_space<vmem>> -> memref<1x4096xi32, #tpu.memory_space<vmem>>
    %dma_wait3A_166 = tpu.memref_squeeze %dma_wait3A_165 : memref<1x4096xi32, #tpu.memory_space<vmem>> -> memref<4096xi32, #tpu.memory_space<vmem>>
    %dma_wait3A_167 = arith.constant 0 : i32
    %dma_wait3A_168 = tpu.memref_slice %arg7[%dma_wait3A_167] : memref<16384xi32, #tpu.memory_space<hbm>> -> memref<4096xi32, #tpu.memory_space<hbm>>
    tpu.wait_dma2 semaphore(%arg14 : memref<!tpu.dma_semaphore, #tpu.memory_space<semaphore_mem>>) src(%dma_wait3A_168 : memref<4096xi32, #tpu.memory_space<hbm>>) dst(%dma_wait3A_166 : memref<4096xi32, #tpu.memory_space<vmem>>)
    %parallel_loop3A_169 = arith.constant 0 : i32
    %parallel_loop3A_170 = arith.constant 256 : i32
    %parallel_loop3A_171 = arith.constant 1 : i32
    scf.for %parallel_loop3A_502 = %parallel_loop3A_169 to %parallel_loop3A_170 step %parallel_loop3A_171  : i32 {
      %parallel_loop3A_503 = arith.constant 16 : i32
      %parallel_loop3A_504 = arith.muli %parallel_loop3A_502, %parallel_loop3A_503 : i32
      %parallel_loop3A_505 = arith.constant 0 : i32
      %parallel_loop3A_506 = arith.index_cast %parallel_loop3A_505 : i32 to index
      %parallel_loop3A_507 = arith.index_cast %parallel_loop3A_504 : i32 to index
      %parallel_loop3A_508 = tpu.vector_load %arg11[%parallel_loop3A_506, %parallel_loop3A_507] {strides = array<i32>} : memref<2x4096xi32, #tpu.memory_space<vmem>>, vector<16xi32>,
      %parallel_loop3A_509 = tpu.vector_load_idx %arg12[%parallel_loop3A_508] : memref<100000xf32, #tpu.memory_space<vmem>>[vector<16xi32>], vector<16xf32>,
      %parallel_loop3A_510 = arith.constant 0 : i32
      %parallel_loop3A_511 = arith.addi %parallel_loop3A_510, %parallel_loop3A_504 : i32
      %parallel_loop3A_512 = arith.index_cast %parallel_loop3A_511 : i32 to index
      %parallel_loop3A_513 = tpu.vector_load %arg13[%parallel_loop3A_512] {strides = array<i32>} : memref<16384xf32, #tpu.memory_space<vmem>>, vector<16xf32>,
      tpu.vector_store %arg13[%parallel_loop3A_512], %parallel_loop3A_509 {strides = array<i32>} : memref<16384xf32, #tpu.memory_space<vmem>>, vector<16xf32>,
    } {sc.loop_unroll_factor = 16 : i64, sc.parallel_access}
    %dma_start3A_172 = arith.constant 0 : i32
    %dma_start3A_173 = arith.constant 0 : i32
    %dma_start3A_174 = tpu.memref_slice %arg11[%dma_start3A_172, %dma_start3A_173] : memref<2x4096xi32, #tpu.memory_space<vmem>> -> memref<1x4096xi32, #tpu.memory_space<vmem>>
    %dma_start3A_175 = tpu.memref_squeeze %dma_start3A_174 : memref<1x4096xi32, #tpu.memory_space<vmem>> -> memref<4096xi32, #tpu.memory_space<vmem>>
    %dma_start3A_176 = arith.constant 8192 : i32
    %dma_start3A_177 = tpu.memref_slice %arg7[%dma_start3A_176] : memref<16384xi32, #tpu.memory_space<hbm>> -> memref<4096xi32, #tpu.memory_space<hbm>>
    %dma_start3A_178 = arith.constant 0 : i32
    %dma_start3A_179 = tpu.memref_slice %arg11[%dma_start3A_172, %dma_start3A_178] : memref<2x4096xi32, #tpu.memory_space<vmem>> -> memref<1x4096xi32, #tpu.memory_space<vmem>>
    %dma_start3A_180 = tpu.memref_squeeze %dma_start3A_179 : memref<1x4096xi32, #tpu.memory_space<vmem>> -> memref<4096xi32, #tpu.memory_space<vmem>>
    %dma_start3A_181 = arith.constant 8192 : i32
    %dma_start3A_182 = tpu.memref_slice %arg7[%dma_start3A_181] : memref<16384xi32, #tpu.memory_space<hbm>> -> memref<4096xi32, #tpu.memory_space<hbm>>
    tpu.enqueue_dma source(%dma_start3A_182 : memref<4096xi32, #tpu.memory_space<hbm>>) target(%dma_start3A_180 : memref<4096xi32, #tpu.memory_space<vmem>>) target_semaphore(%arg14 : memref<!tpu.dma_semaphore, #tpu.memory_space<semaphore_mem>>)
    %dma_wait3A_183 = arith.constant 1 : i32
    %dma_wait3A_184 = arith.constant 0 : i32
    %dma_wait3A_185 = tpu.memref_slice %arg11[%dma_wait3A_183, %dma_wait3A_184] : memref<2x4096xi32, #tpu.memory_space<vmem>> -> memref<1x4096xi32, #tpu.memory_space<vmem>>
    %dma_wait3A_186 = tpu.memref_squeeze %dma_wait3A_185 : memref<1x4096xi32, #tpu.memory_space<vmem>> -> memref<4096xi32, #tpu.memory_space<vmem>>
    %dma_wait3A_187 = arith.constant 4096 : i32
    %dma_wait3A_188 = tpu.memref_slice %arg7[%dma_wait3A_187] : memref<16384xi32, #tpu.memory_space<hbm>> -> memref<4096xi32, #tpu.memory_space<hbm>>
    %dma_wait3A_189 = arith.constant 0 : i32
    %dma_wait3A_190 = tpu.memref_slice %arg11[%dma_wait3A_183, %dma_wait3A_189] : memref<2x4096xi32, #tpu.memory_space<vmem>> -> memref<1x4096xi32, #tpu.memory_space<vmem>>
    %dma_wait3A_191 = tpu.memref_squeeze %dma_wait3A_190 : memref<1x4096xi32, #tpu.memory_space<vmem>> -> memref<4096xi32, #tpu.memory_space<vmem>>
    %dma_wait3A_192 = arith.constant 4096 : i32
    %dma_wait3A_193 = tpu.memref_slice %arg7[%dma_wait3A_192] : memref<16384xi32, #tpu.memory_space<hbm>> -> memref<4096xi32, #tpu.memory_space<hbm>>
    tpu.wait_dma2 semaphore(%arg14 : memref<!tpu.dma_semaphore, #tpu.memory_space<semaphore_mem>>) src(%dma_wait3A_193 : memref<4096xi32, #tpu.memory_space<hbm>>) dst(%dma_wait3A_191 : memref<4096xi32, #tpu.memory_space<vmem>>)
    %parallel_loop3A_194 = arith.constant 0 : i32
    %parallel_loop3A_195 = arith.constant 256 : i32
    %parallel_loop3A_196 = arith.constant 1 : i32
    scf.for %parallel_loop3A_502 = %parallel_loop3A_194 to %parallel_loop3A_195 step %parallel_loop3A_196  : i32 {
      %parallel_loop3A_503 = arith.constant 16 : i32
      %parallel_loop3A_504 = arith.muli %parallel_loop3A_502, %parallel_loop3A_503 : i32
      %parallel_loop3A_505 = arith.constant 1 : i32
      %parallel_loop3A_506 = arith.index_cast %parallel_loop3A_505 : i32 to index
      %parallel_loop3A_507 = arith.index_cast %parallel_loop3A_504 : i32 to index
      %parallel_loop3A_508 = tpu.vector_load %arg11[%parallel_loop3A_506, %parallel_loop3A_507] {strides = array<i32>} : memref<2x4096xi32, #tpu.memory_space<vmem>>, vector<16xi32>,
      %parallel_loop3A_509 = tpu.vector_load_idx %arg12[%parallel_loop3A_508] : memref<100000xf32, #tpu.memory_space<vmem>>[vector<16xi32>], vector<16xf32>,
      %parallel_loop3A_510 = arith.constant 4096 : i32
      %parallel_loop3A_511 = arith.addi %parallel_loop3A_510, %parallel_loop3A_504 : i32
      %parallel_loop3A_512 = arith.index_cast %parallel_loop3A_511 : i32 to index
      %parallel_loop3A_513 = tpu.vector_load %arg13[%parallel_loop3A_512] {strides = array<i32>} : memref<16384xf32, #tpu.memory_space<vmem>>, vector<16xf32>,
      tpu.vector_store %arg13[%parallel_loop3A_512], %parallel_loop3A_509 {strides = array<i32>} : memref<16384xf32, #tpu.memory_space<vmem>>, vector<16xf32>,
    } {sc.loop_unroll_factor = 16 : i64, sc.parallel_access}
    %dma_start3A_197 = arith.constant 1 : i32
    %dma_start3A_198 = arith.constant 0 : i32
    %dma_start3A_199 = tpu.memref_slice %arg11[%dma_start3A_197, %dma_start3A_198] : memref<2x4096xi32, #tpu.memory_space<vmem>> -> memref<1x4096xi32, #tpu.memory_space<vmem>>
    %dma_start3A_200 = tpu.memref_squeeze %dma_start3A_199 : memref<1x4096xi32, #tpu.memory_space<vmem>> -> memref<4096xi32, #tpu.memory_space<vmem>>
    %dma_start3A_201 = arith.constant 12288 : i32
    %dma_start3A_202 = tpu.memref_slice %arg7[%dma_start3A_201] : memref<16384xi32, #tpu.memory_space<hbm>> -> memref<4096xi32, #tpu.memory_space<hbm>>
    %dma_start3A_203 = arith.constant 0 : i32
    %dma_start3A_204 = tpu.memref_slice %arg11[%dma_start3A_197, %dma_start3A_203] : memref<2x4096xi32, #tpu.memory_space<vmem>> -> memref<1x4096xi32, #tpu.memory_space<vmem>>
    %dma_start3A_205 = tpu.memref_squeeze %dma_start3A_204 : memref<1x4096xi32, #tpu.memory_space<vmem>> -> memref<4096xi32, #tpu.memory_space<vmem>>
    %dma_start3A_206 = arith.constant 12288 : i32
    %dma_start3A_207 = tpu.memref_slice %arg7[%dma_start3A_206] : memref<16384xi32, #tpu.memory_space<hbm>> -> memref<4096xi32, #tpu.memory_space<hbm>>
    tpu.enqueue_dma source(%dma_start3A_207 : memref<4096xi32, #tpu.memory_space<hbm>>) target(%dma_start3A_205 : memref<4096xi32, #tpu.memory_space<vmem>>) target_semaphore(%arg14 : memref<!tpu.dma_semaphore, #tpu.memory_space<semaphore_mem>>)
    %dma_wait3A_208 = arith.constant 0 : i32
    %dma_wait3A_209 = arith.constant 0 : i32
    %dma_wait3A_210 = tpu.memref_slice %arg11[%dma_wait3A_208, %dma_wait3A_209] : memref<2x4096xi32, #tpu.memory_space<vmem>> -> memref<1x4096xi32, #tpu.memory_space<vmem>>
    %dma_wait3A_211 = tpu.memref_squeeze %dma_wait3A_210 : memref<1x4096xi32, #tpu.memory_space<vmem>> -> memref<4096xi32, #tpu.memory_space<vmem>>
    %dma_wait3A_212 = arith.constant 8192 : i32
    %dma_wait3A_213 = tpu.memref_slice %arg7[%dma_wait3A_212] : memref<16384xi32, #tpu.memory_space<hbm>> -> memref<4096xi32, #tpu.memory_space<hbm>>
    %dma_wait3A_214 = arith.constant 0 : i32
    %dma_wait3A_215 = tpu.memref_slice %arg11[%dma_wait3A_208, %dma_wait3A_214] : memref<2x4096xi32, #tpu.memory_space<vmem>> -> memref<1x4096xi32, #tpu.memory_space<vmem>>
    %dma_wait3A_216 = tpu.memref_squeeze %dma_wait3A_215 : memref<1x4096xi32, #tpu.memory_space<vmem>> -> memref<4096xi32, #tpu.memory_space<vmem>>
    %dma_wait3A_217 = arith.constant 8192 : i32
    %dma_wait3A_218 = tpu.memref_slice %arg7[%dma_wait3A_217] : memref<16384xi32, #tpu.memory_space<hbm>> -> memref<4096xi32, #tpu.memory_space<hbm>>
    tpu.wait_dma2 semaphore(%arg14 : memref<!tpu.dma_semaphore, #tpu.memory_space<semaphore_mem>>) src(%dma_wait3A_218 : memref<4096xi32, #tpu.memory_space<hbm>>) dst(%dma_wait3A_216 : memref<4096xi32, #tpu.memory_space<vmem>>)
    %parallel_loop3A_219 = arith.constant 0 : i32
    %parallel_loop3A_220 = arith.constant 256 : i32
    %parallel_loop3A_221 = arith.constant 1 : i32
    scf.for %parallel_loop3A_502 = %parallel_loop3A_219 to %parallel_loop3A_220 step %parallel_loop3A_221  : i32 {
      %parallel_loop3A_503 = arith.constant 16 : i32
      %parallel_loop3A_504 = arith.muli %parallel_loop3A_502, %parallel_loop3A_503 : i32
      %parallel_loop3A_505 = arith.constant 0 : i32
      %parallel_loop3A_506 = arith.index_cast %parallel_loop3A_505 : i32 to index
      %parallel_loop3A_507 = arith.index_cast %parallel_loop3A_504 : i32 to index
      %parallel_loop3A_508 = tpu.vector_load %arg11[%parallel_loop3A_506, %parallel_loop3A_507] {strides = array<i32>} : memref<2x4096xi32, #tpu.memory_space<vmem>>, vector<16xi32>,
      %parallel_loop3A_509 = tpu.vector_load_idx %arg12[%parallel_loop3A_508] : memref<100000xf32, #tpu.memory_space<vmem>>[vector<16xi32>], vector<16xf32>,
      %parallel_loop3A_510 = arith.constant 8192 : i32
      %parallel_loop3A_511 = arith.addi %parallel_loop3A_510, %parallel_loop3A_504 : i32
      %parallel_loop3A_512 = arith.index_cast %parallel_loop3A_511 : i32 to index
      %parallel_loop3A_513 = tpu.vector_load %arg13[%parallel_loop3A_512] {strides = array<i32>} : memref<16384xf32, #tpu.memory_space<vmem>>, vector<16xf32>,
      tpu.vector_store %arg13[%parallel_loop3A_512], %parallel_loop3A_509 {strides = array<i32>} : memref<16384xf32, #tpu.memory_space<vmem>>, vector<16xf32>,
    } {sc.loop_unroll_factor = 16 : i64, sc.parallel_access}
    %dma_wait3A_222 = arith.constant 1 : i32
    %dma_wait3A_223 = arith.constant 0 : i32
    %dma_wait3A_224 = tpu.memref_slice %arg11[%dma_wait3A_222, %dma_wait3A_223] : memref<2x4096xi32, #tpu.memory_space<vmem>> -> memref<1x4096xi32, #tpu.memory_space<vmem>>
    %dma_wait3A_225 = tpu.memref_squeeze %dma_wait3A_224 : memref<1x4096xi32, #tpu.memory_space<vmem>> -> memref<4096xi32, #tpu.memory_space<vmem>>
    %dma_wait3A_226 = arith.constant 12288 : i32
    %dma_wait3A_227 = tpu.memref_slice %arg7[%dma_wait3A_226] : memref<16384xi32, #tpu.memory_space<hbm>> -> memref<4096xi32, #tpu.memory_space<hbm>>
    %dma_wait3A_228 = arith.constant 0 : i32
    %dma_wait3A_229 = tpu.memref_slice %arg11[%dma_wait3A_222, %dma_wait3A_228] : memref<2x4096xi32, #tpu.memory_space<vmem>> -> memref<1x4096xi32, #tpu.memory_space<vmem>>
    %dma_wait3A_230 = tpu.memref_squeeze %dma_wait3A_229 : memref<1x4096xi32, #tpu.memory_space<vmem>> -> memref<4096xi32, #tpu.memory_space<vmem>>
    %dma_wait3A_231 = arith.constant 12288 : i32
    %dma_wait3A_232 = tpu.memref_slice %arg7[%dma_wait3A_231] : memref<16384xi32, #tpu.memory_space<hbm>> -> memref<4096xi32, #tpu.memory_space<hbm>>
    tpu.wait_dma2 semaphore(%arg14 : memref<!tpu.dma_semaphore, #tpu.memory_space<semaphore_mem>>) src(%dma_wait3A_232 : memref<4096xi32, #tpu.memory_space<hbm>>) dst(%dma_wait3A_230 : memref<4096xi32, #tpu.memory_space<vmem>>)
    %parallel_loop3A_233 = arith.constant 0 : i32
    %parallel_loop3A_234 = arith.constant 256 : i32
    %parallel_loop3A_235 = arith.constant 1 : i32
    scf.for %parallel_loop3A_502 = %parallel_loop3A_233 to %parallel_loop3A_234 step %parallel_loop3A_235  : i32 {
      %parallel_loop3A_503 = arith.constant 16 : i32
      %parallel_loop3A_504 = arith.muli %parallel_loop3A_502, %parallel_loop3A_503 : i32
      %parallel_loop3A_505 = arith.constant 1 : i32
      %parallel_loop3A_506 = arith.index_cast %parallel_loop3A_505 : i32 to index
      %parallel_loop3A_507 = arith.index_cast %parallel_loop3A_504 : i32 to index
      %parallel_loop3A_508 = tpu.vector_load %arg11[%parallel_loop3A_506, %parallel_loop3A_507] {strides = array<i32>} : memref<2x4096xi32, #tpu.memory_space<vmem>>, vector<16xi32>,
      %parallel_loop3A_509 = tpu.vector_load_idx %arg12[%parallel_loop3A_508] : memref<100000xf32, #tpu.memory_space<vmem>>[vector<16xi32>], vector<16xf32>,
      %parallel_loop3A_510 = arith.constant 12288 : i32
      %parallel_loop3A_511 = arith.addi %parallel_loop3A_510, %parallel_loop3A_504 : i32
      %parallel_loop3A_512 = arith.index_cast %parallel_loop3A_511 : i32 to index
      %parallel_loop3A_513 = tpu.vector_load %arg13[%parallel_loop3A_512] {strides = array<i32>} : memref<16384xf32, #tpu.memory_space<vmem>>, vector<16xf32>,
      tpu.vector_store %arg13[%parallel_loop3A_512], %parallel_loop3A_509 {strides = array<i32>} : memref<16384xf32, #tpu.memory_space<vmem>>, vector<16xf32>,
    } {sc.loop_unroll_factor = 16 : i64, sc.parallel_access}
    %add3A_236 = arith.constant 32 : i32
    %add3A_237 = arith.addi %add3A_236, %add3A : i32
    %dma_start3A_238 = arith.constant 0 : i32
    %dma_start3A_239 = tpu.memref_slice %arg10[%add3A_237, %dma_start3A_238] : memref<128x16384xf32, #tpu.memory_space<hbm>> -> memref<1x16384xf32, #tpu.memory_space<hbm>>
    %dma_start3A_240 = tpu.memref_squeeze %dma_start3A_239 : memref<1x16384xf32, #tpu.memory_space<hbm>> -> memref<16384xf32, #tpu.memory_space<hbm>>
    %dma_start3A_241 = arith.constant 0 : i32
    %dma_start3A_242 = tpu.memref_slice %arg10[%add3A_237, %dma_start3A_241] : memref<128x16384xf32, #tpu.memory_space<hbm>> -> memref<1x16384xf32, #tpu.memory_space<hbm>>
    %dma_start3A_243 = tpu.memref_squeeze %dma_start3A_242 : memref<1x16384xf32, #tpu.memory_space<hbm>> -> memref<16384xf32, #tpu.memory_space<hbm>>
    tpu.enqueue_dma source(%arg13 : memref<16384xf32, #tpu.memory_space<vmem>>) target(%dma_start3A_243 : memref<16384xf32, #tpu.memory_space<hbm>>) target_semaphore(%arg15 : memref<!tpu.dma_semaphore, #tpu.memory_space<semaphore_mem>>)
    %dma_start3A_244 = arith.constant 0 : i32
    %dma_start3A_245 = tpu.memref_slice %arg4[%add3A, %dma_start3A_244] : memref<32x100000xf32, #tpu.memory_space<hbm>> -> memref<1x100000xf32, #tpu.memory_space<hbm>>
    %dma_start3A_246 = tpu.memref_squeeze %dma_start3A_245 : memref<1x100000xf32, #tpu.memory_space<hbm>> -> memref<100000xf32, #tpu.memory_space<hbm>>
    %dma_start3A_247 = arith.constant 0 : i32
    %dma_start3A_248 = tpu.memref_slice %arg4[%add3A, %dma_start3A_247] : memref<32x100000xf32, #tpu.memory_space<hbm>> -> memref<1x100000xf32, #tpu.memory_space<hbm>>
    %dma_start3A_249 = tpu.memref_squeeze %dma_start3A_248 : memref<1x100000xf32, #tpu.memory_space<hbm>> -> memref<100000xf32, #tpu.memory_space<hbm>>
    tpu.enqueue_dma source(%dma_start3A_249 : memref<100000xf32, #tpu.memory_space<hbm>>) target(%arg12 : memref<100000xf32, #tpu.memory_space<vmem>>) target_semaphore(%arg14 : memref<!tpu.dma_semaphore, #tpu.memory_space<semaphore_mem>>)
    %dma_start3A_250 = arith.constant 0 : i32
    %dma_start3A_251 = arith.constant 0 : i32
    %dma_start3A_252 = tpu.memref_slice %arg11[%dma_start3A_250, %dma_start3A_251] : memref<2x4096xi32, #tpu.memory_space<vmem>> -> memref<1x4096xi32, #tpu.memory_space<vmem>>
    %dma_start3A_253 = tpu.memref_squeeze %dma_start3A_252 : memref<1x4096xi32, #tpu.memory_space<vmem>> -> memref<4096xi32, #tpu.memory_space<vmem>>
    %dma_start3A_254 = arith.constant 0 : i32
    %dma_start3A_255 = tpu.memref_slice %arg8[%dma_start3A_254] : memref<16384xi32, #tpu.memory_space<hbm>> -> memref<4096xi32, #tpu.memory_space<hbm>>
    %dma_start3A_256 = arith.constant 0 : i32
    %dma_start3A_257 = tpu.memref_slice %arg11[%dma_start3A_250, %dma_start3A_256] : memref<2x4096xi32, #tpu.memory_space<vmem>> -> memref<1x4096xi32, #tpu.memory_space<vmem>>
    %dma_start3A_258 = tpu.memref_squeeze %dma_start3A_257 : memref<1x4096xi32, #tpu.memory_space<vmem>> -> memref<4096xi32, #tpu.memory_space<vmem>>
    %dma_start3A_259 = arith.constant 0 : i32
    %dma_start3A_260 = tpu.memref_slice %arg8[%dma_start3A_259] : memref<16384xi32, #tpu.memory_space<hbm>> -> memref<4096xi32, #tpu.memory_space<hbm>>
    tpu.enqueue_dma source(%dma_start3A_260 : memref<4096xi32, #tpu.memory_space<hbm>>) target(%dma_start3A_258 : memref<4096xi32, #tpu.memory_space<vmem>>) target_semaphore(%arg14 : memref<!tpu.dma_semaphore, #tpu.memory_space<semaphore_mem>>)
    %dma_wait3A_261 = arith.constant 0 : i32
    %dma_wait3A_262 = tpu.memref_slice %arg4[%add3A, %dma_wait3A_261] : memref<32x100000xf32, #tpu.memory_space<hbm>> -> memref<1x100000xf32, #tpu.memory_space<hbm>>
    %dma_wait3A_263 = tpu.memref_squeeze %dma_wait3A_262 : memref<1x100000xf32, #tpu.memory_space<hbm>> -> memref<100000xf32, #tpu.memory_space<hbm>>
    %dma_wait3A_264 = arith.constant 0 : i32
    %dma_wait3A_265 = tpu.memref_slice %arg4[%add3A, %dma_wait3A_264] : memref<32x100000xf32, #tpu.memory_space<hbm>> -> memref<1x100000xf32, #tpu.memory_space<hbm>>
    %dma_wait3A_266 = tpu.memref_squeeze %dma_wait3A_265 : memref<1x100000xf32, #tpu.memory_space<hbm>> -> memref<100000xf32, #tpu.memory_space<hbm>>
    tpu.wait_dma2 semaphore(%arg14 : memref<!tpu.dma_semaphore, #tpu.memory_space<semaphore_mem>>) src(%dma_wait3A_266 : memref<100000xf32, #tpu.memory_space<hbm>>) dst(%arg12 : memref<100000xf32, #tpu.memory_space<vmem>>)
    %dma_wait3A_267 = arith.constant 0 : i32
    %dma_wait3A_268 = tpu.memref_slice %arg10[%add3A_237, %dma_wait3A_267] : memref<128x16384xf32, #tpu.memory_space<hbm>> -> memref<1x16384xf32, #tpu.memory_space<hbm>>
    %dma_wait3A_269 = tpu.memref_squeeze %dma_wait3A_268 : memref<1x16384xf32, #tpu.memory_space<hbm>> -> memref<16384xf32, #tpu.memory_space<hbm>>
    %dma_wait3A_270 = arith.constant 0 : i32
    %dma_wait3A_271 = tpu.memref_slice %arg10[%add3A_237, %dma_wait3A_270] : memref<128x16384xf32, #tpu.memory_space<hbm>> -> memref<1x16384xf32, #tpu.memory_space<hbm>>
    %dma_wait3A_272 = tpu.memref_squeeze %dma_wait3A_271 : memref<1x16384xf32, #tpu.memory_space<hbm>> -> memref<16384xf32, #tpu.memory_space<hbm>>
    tpu.wait_dma2 semaphore(%arg15 : memref<!tpu.dma_semaphore, #tpu.memory_space<semaphore_mem>>) src(%arg13 : memref<16384xf32, #tpu.memory_space<vmem>>) dst(%dma_wait3A_272 : memref<16384xf32, #tpu.memory_space<hbm>>)
    %dma_start3A_273 = arith.constant 1 : i32
    %dma_start3A_274 = arith.constant 0 : i32
    %dma_start3A_275 = tpu.memref_slice %arg11[%dma_start3A_273, %dma_start3A_274] : memref<2x4096xi32, #tpu.memory_space<vmem>> -> memref<1x4096xi32, #tpu.memory_space<vmem>>
    %dma_start3A_276 = tpu.memref_squeeze %dma_start3A_275 : memref<1x4096xi32, #tpu.memory_space<vmem>> -> memref<4096xi32, #tpu.memory_space<vmem>>
    %dma_start3A_277 = arith.constant 4096 : i32
    %dma_start3A_278 = tpu.memref_slice %arg8[%dma_start3A_277] : memref<16384xi32, #tpu.memory_space<hbm>> -> memref<4096xi32, #tpu.memory_space<hbm>>
    %dma_start3A_279 = arith.constant 0 : i32
    %dma_start3A_280 = tpu.memref_slice %arg11[%dma_start3A_273, %dma_start3A_279] : memref<2x4096xi32, #tpu.memory_space<vmem>> -> memref<1x4096xi32, #tpu.memory_space<vmem>>
    %dma_start3A_281 = tpu.memref_squeeze %dma_start3A_280 : memref<1x4096xi32, #tpu.memory_space<vmem>> -> memref<4096xi32, #tpu.memory_space<vmem>>
    %dma_start3A_282 = arith.constant 4096 : i32
    %dma_start3A_283 = tpu.memref_slice %arg8[%dma_start3A_282] : memref<16384xi32, #tpu.memory_space<hbm>> -> memref<4096xi32, #tpu.memory_space<hbm>>
    tpu.enqueue_dma source(%dma_start3A_283 : memref<4096xi32, #tpu.memory_space<hbm>>) target(%dma_start3A_281 : memref<4096xi32, #tpu.memory_space<vmem>>) target_semaphore(%arg14 : memref<!tpu.dma_semaphore, #tpu.memory_space<semaphore_mem>>)
    %dma_wait3A_284 = arith.constant 0 : i32
    %dma_wait3A_285 = arith.constant 0 : i32
    %dma_wait3A_286 = tpu.memref_slice %arg11[%dma_wait3A_284, %dma_wait3A_285] : memref<2x4096xi32, #tpu.memory_space<vmem>> -> memref<1x4096xi32, #tpu.memory_space<vmem>>
    %dma_wait3A_287 = tpu.memref_squeeze %dma_wait3A_286 : memref<1x4096xi32, #tpu.memory_space<vmem>> -> memref<4096xi32, #tpu.memory_space<vmem>>
    %dma_wait3A_288 = arith.constant 0 : i32
    %dma_wait3A_289 = tpu.memref_slice %arg8[%dma_wait3A_288] : memref<16384xi32, #tpu.memory_space<hbm>> -> memref<4096xi32, #tpu.memory_space<hbm>>
    %dma_wait3A_290 = arith.constant 0 : i32
    %dma_wait3A_291 = tpu.memref_slice %arg11[%dma_wait3A_284, %dma_wait3A_290] : memref<2x4096xi32, #tpu.memory_space<vmem>> -> memref<1x4096xi32, #tpu.memory_space<vmem>>
    %dma_wait3A_292 = tpu.memref_squeeze %dma_wait3A_291 : memref<1x4096xi32, #tpu.memory_space<vmem>> -> memref<4096xi32, #tpu.memory_space<vmem>>
    %dma_wait3A_293 = arith.constant 0 : i32
    %dma_wait3A_294 = tpu.memref_slice %arg8[%dma_wait3A_293] : memref<16384xi32, #tpu.memory_space<hbm>> -> memref<4096xi32, #tpu.memory_space<hbm>>
    tpu.wait_dma2 semaphore(%arg14 : memref<!tpu.dma_semaphore, #tpu.memory_space<semaphore_mem>>) src(%dma_wait3A_294 : memref<4096xi32, #tpu.memory_space<hbm>>) dst(%dma_wait3A_292 : memref<4096xi32, #tpu.memory_space<vmem>>)
    %parallel_loop3A_295 = arith.constant 0 : i32
    %parallel_loop3A_296 = arith.constant 256 : i32
    %parallel_loop3A_297 = arith.constant 1 : i32
    scf.for %parallel_loop3A_502 = %parallel_loop3A_295 to %parallel_loop3A_296 step %parallel_loop3A_297  : i32 {
      %parallel_loop3A_503 = arith.constant 16 : i32
      %parallel_loop3A_504 = arith.muli %parallel_loop3A_502, %parallel_loop3A_503 : i32
      %parallel_loop3A_505 = arith.constant 0 : i32
      %parallel_loop3A_506 = arith.index_cast %parallel_loop3A_505 : i32 to index
      %parallel_loop3A_507 = arith.index_cast %parallel_loop3A_504 : i32 to index
      %parallel_loop3A_508 = tpu.vector_load %arg11[%parallel_loop3A_506, %parallel_loop3A_507] {strides = array<i32>} : memref<2x4096xi32, #tpu.memory_space<vmem>>, vector<16xi32>,
      %parallel_loop3A_509 = tpu.vector_load_idx %arg12[%parallel_loop3A_508] : memref<100000xf32, #tpu.memory_space<vmem>>[vector<16xi32>], vector<16xf32>,
      %parallel_loop3A_510 = arith.constant 0 : i32
      %parallel_loop3A_511 = arith.addi %parallel_loop3A_510, %parallel_loop3A_504 : i32
      %parallel_loop3A_512 = arith.index_cast %parallel_loop3A_511 : i32 to index
      %parallel_loop3A_513 = tpu.vector_load %arg13[%parallel_loop3A_512] {strides = array<i32>} : memref<16384xf32, #tpu.memory_space<vmem>>, vector<16xf32>,
      tpu.vector_store %arg13[%parallel_loop3A_512], %parallel_loop3A_509 {strides = array<i32>} : memref<16384xf32, #tpu.memory_space<vmem>>, vector<16xf32>,
    } {sc.loop_unroll_factor = 16 : i64, sc.parallel_access}
    %dma_start3A_298 = arith.constant 0 : i32
    %dma_start3A_299 = arith.constant 0 : i32
    %dma_start3A_300 = tpu.memref_slice %arg11[%dma_start3A_298, %dma_start3A_299] : memref<2x4096xi32, #tpu.memory_space<vmem>> -> memref<1x4096xi32, #tpu.memory_space<vmem>>
    %dma_start3A_301 = tpu.memref_squeeze %dma_start3A_300 : memref<1x4096xi32, #tpu.memory_space<vmem>> -> memref<4096xi32, #tpu.memory_space<vmem>>
    %dma_start3A_302 = arith.constant 8192 : i32
    %dma_start3A_303 = tpu.memref_slice %arg8[%dma_start3A_302] : memref<16384xi32, #tpu.memory_space<hbm>> -> memref<4096xi32, #tpu.memory_space<hbm>>
    %dma_start3A_304 = arith.constant 0 : i32
    %dma_start3A_305 = tpu.memref_slice %arg11[%dma_start3A_298, %dma_start3A_304] : memref<2x4096xi32, #tpu.memory_space<vmem>> -> memref<1x4096xi32, #tpu.memory_space<vmem>>
    %dma_start3A_306 = tpu.memref_squeeze %dma_start3A_305 : memref<1x4096xi32, #tpu.memory_space<vmem>> -> memref<4096xi32, #tpu.memory_space<vmem>>
    %dma_start3A_307 = arith.constant 8192 : i32
    %dma_start3A_308 = tpu.memref_slice %arg8[%dma_start3A_307] : memref<16384xi32, #tpu.memory_space<hbm>> -> memref<4096xi32, #tpu.memory_space<hbm>>
    tpu.enqueue_dma source(%dma_start3A_308 : memref<4096xi32, #tpu.memory_space<hbm>>) target(%dma_start3A_306 : memref<4096xi32, #tpu.memory_space<vmem>>) target_semaphore(%arg14 : memref<!tpu.dma_semaphore, #tpu.memory_space<semaphore_mem>>)
    %dma_wait3A_309 = arith.constant 1 : i32
    %dma_wait3A_310 = arith.constant 0 : i32
    %dma_wait3A_311 = tpu.memref_slice %arg11[%dma_wait3A_309, %dma_wait3A_310] : memref<2x4096xi32, #tpu.memory_space<vmem>> -> memref<1x4096xi32, #tpu.memory_space<vmem>>
    %dma_wait3A_312 = tpu.memref_squeeze %dma_wait3A_311 : memref<1x4096xi32, #tpu.memory_space<vmem>> -> memref<4096xi32, #tpu.memory_space<vmem>>
    %dma_wait3A_313 = arith.constant 4096 : i32
    %dma_wait3A_314 = tpu.memref_slice %arg8[%dma_wait3A_313] : memref<16384xi32, #tpu.memory_space<hbm>> -> memref<4096xi32, #tpu.memory_space<hbm>>
    %dma_wait3A_315 = arith.constant 0 : i32
    %dma_wait3A_316 = tpu.memref_slice %arg11[%dma_wait3A_309, %dma_wait3A_315] : memref<2x4096xi32, #tpu.memory_space<vmem>> -> memref<1x4096xi32, #tpu.memory_space<vmem>>
    %dma_wait3A_317 = tpu.memref_squeeze %dma_wait3A_316 : memref<1x4096xi32, #tpu.memory_space<vmem>> -> memref<4096xi32, #tpu.memory_space<vmem>>
    %dma_wait3A_318 = arith.constant 4096 : i32
    %dma_wait3A_319 = tpu.memref_slice %arg8[%dma_wait3A_318] : memref<16384xi32, #tpu.memory_space<hbm>> -> memref<4096xi32, #tpu.memory_space<hbm>>
    tpu.wait_dma2 semaphore(%arg14 : memref<!tpu.dma_semaphore, #tpu.memory_space<semaphore_mem>>) src(%dma_wait3A_319 : memref<4096xi32, #tpu.memory_space<hbm>>) dst(%dma_wait3A_317 : memref<4096xi32, #tpu.memory_space<vmem>>)
    %parallel_loop3A_320 = arith.constant 0 : i32
    %parallel_loop3A_321 = arith.constant 256 : i32
    %parallel_loop3A_322 = arith.constant 1 : i32
    scf.for %parallel_loop3A_502 = %parallel_loop3A_320 to %parallel_loop3A_321 step %parallel_loop3A_322  : i32 {
      %parallel_loop3A_503 = arith.constant 16 : i32
      %parallel_loop3A_504 = arith.muli %parallel_loop3A_502, %parallel_loop3A_503 : i32
      %parallel_loop3A_505 = arith.constant 1 : i32
      %parallel_loop3A_506 = arith.index_cast %parallel_loop3A_505 : i32 to index
      %parallel_loop3A_507 = arith.index_cast %parallel_loop3A_504 : i32 to index
      %parallel_loop3A_508 = tpu.vector_load %arg11[%parallel_loop3A_506, %parallel_loop3A_507] {strides = array<i32>} : memref<2x4096xi32, #tpu.memory_space<vmem>>, vector<16xi32>,
      %parallel_loop3A_509 = tpu.vector_load_idx %arg12[%parallel_loop3A_508] : memref<100000xf32, #tpu.memory_space<vmem>>[vector<16xi32>], vector<16xf32>,
      %parallel_loop3A_510 = arith.constant 4096 : i32
      %parallel_loop3A_511 = arith.addi %parallel_loop3A_510, %parallel_loop3A_504 : i32
      %parallel_loop3A_512 = arith.index_cast %parallel_loop3A_511 : i32 to index
      %parallel_loop3A_513 = tpu.vector_load %arg13[%parallel_loop3A_512] {strides = array<i32>} : memref<16384xf32, #tpu.memory_space<vmem>>, vector<16xf32>,
      tpu.vector_store %arg13[%parallel_loop3A_512], %parallel_loop3A_509 {strides = array<i32>} : memref<16384xf32, #tpu.memory_space<vmem>>, vector<16xf32>,
    } {sc.loop_unroll_factor = 16 : i64, sc.parallel_access}
    %dma_start3A_323 = arith.constant 1 : i32
    %dma_start3A_324 = arith.constant 0 : i32
    %dma_start3A_325 = tpu.memref_slice %arg11[%dma_start3A_323, %dma_start3A_324] : memref<2x4096xi32, #tpu.memory_space<vmem>> -> memref<1x4096xi32, #tpu.memory_space<vmem>>
    %dma_start3A_326 = tpu.memref_squeeze %dma_start3A_325 : memref<1x4096xi32, #tpu.memory_space<vmem>> -> memref<4096xi32, #tpu.memory_space<vmem>>
    %dma_start3A_327 = arith.constant 12288 : i32
    %dma_start3A_328 = tpu.memref_slice %arg8[%dma_start3A_327] : memref<16384xi32, #tpu.memory_space<hbm>> -> memref<4096xi32, #tpu.memory_space<hbm>>
    %dma_start3A_329 = arith.constant 0 : i32
    %dma_start3A_330 = tpu.memref_slice %arg11[%dma_start3A_323, %dma_start3A_329] : memref<2x4096xi32, #tpu.memory_space<vmem>> -> memref<1x4096xi32, #tpu.memory_space<vmem>>
    %dma_start3A_331 = tpu.memref_squeeze %dma_start3A_330 : memref<1x4096xi32, #tpu.memory_space<vmem>> -> memref<4096xi32, #tpu.memory_space<vmem>>
    %dma_start3A_332 = arith.constant 12288 : i32
    %dma_start3A_333 = tpu.memref_slice %arg8[%dma_start3A_332] : memref<16384xi32, #tpu.memory_space<hbm>> -> memref<4096xi32, #tpu.memory_space<hbm>>
    tpu.enqueue_dma source(%dma_start3A_333 : memref<4096xi32, #tpu.memory_space<hbm>>) target(%dma_start3A_331 : memref<4096xi32, #tpu.memory_space<vmem>>) target_semaphore(%arg14 : memref<!tpu.dma_semaphore, #tpu.memory_space<semaphore_mem>>)
    %dma_wait3A_334 = arith.constant 0 : i32
    %dma_wait3A_335 = arith.constant 0 : i32
    %dma_wait3A_336 = tpu.memref_slice %arg11[%dma_wait3A_334, %dma_wait3A_335] : memref<2x4096xi32, #tpu.memory_space<vmem>> -> memref<1x4096xi32, #tpu.memory_space<vmem>>
    %dma_wait3A_337 = tpu.memref_squeeze %dma_wait3A_336 : memref<1x4096xi32, #tpu.memory_space<vmem>> -> memref<4096xi32, #tpu.memory_space<vmem>>
    %dma_wait3A_338 = arith.constant 8192 : i32
    %dma_wait3A_339 = tpu.memref_slice %arg8[%dma_wait3A_338] : memref<16384xi32, #tpu.memory_space<hbm>> -> memref<4096xi32, #tpu.memory_space<hbm>>
    %dma_wait3A_340 = arith.constant 0 : i32
    %dma_wait3A_341 = tpu.memref_slice %arg11[%dma_wait3A_334, %dma_wait3A_340] : memref<2x4096xi32, #tpu.memory_space<vmem>> -> memref<1x4096xi32, #tpu.memory_space<vmem>>
    %dma_wait3A_342 = tpu.memref_squeeze %dma_wait3A_341 : memref<1x4096xi32, #tpu.memory_space<vmem>> -> memref<4096xi32, #tpu.memory_space<vmem>>
    %dma_wait3A_343 = arith.constant 8192 : i32
    %dma_wait3A_344 = tpu.memref_slice %arg8[%dma_wait3A_343] : memref<16384xi32, #tpu.memory_space<hbm>> -> memref<4096xi32, #tpu.memory_space<hbm>>
    tpu.wait_dma2 semaphore(%arg14 : memref<!tpu.dma_semaphore, #tpu.memory_space<semaphore_mem>>) src(%dma_wait3A_344 : memref<4096xi32, #tpu.memory_space<hbm>>) dst(%dma_wait3A_342 : memref<4096xi32, #tpu.memory_space<vmem>>)
    %parallel_loop3A_345 = arith.constant 0 : i32
    %parallel_loop3A_346 = arith.constant 256 : i32
    %parallel_loop3A_347 = arith.constant 1 : i32
    scf.for %parallel_loop3A_502 = %parallel_loop3A_345 to %parallel_loop3A_346 step %parallel_loop3A_347  : i32 {
      %parallel_loop3A_503 = arith.constant 16 : i32
      %parallel_loop3A_504 = arith.muli %parallel_loop3A_502, %parallel_loop3A_503 : i32
      %parallel_loop3A_505 = arith.constant 0 : i32
      %parallel_loop3A_506 = arith.index_cast %parallel_loop3A_505 : i32 to index
      %parallel_loop3A_507 = arith.index_cast %parallel_loop3A_504 : i32 to index
      %parallel_loop3A_508 = tpu.vector_load %arg11[%parallel_loop3A_506, %parallel_loop3A_507] {strides = array<i32>} : memref<2x4096xi32, #tpu.memory_space<vmem>>, vector<16xi32>,
      %parallel_loop3A_509 = tpu.vector_load_idx %arg12[%parallel_loop3A_508] : memref<100000xf32, #tpu.memory_space<vmem>>[vector<16xi32>], vector<16xf32>,
      %parallel_loop3A_510 = arith.constant 8192 : i32
      %parallel_loop3A_511 = arith.addi %parallel_loop3A_510, %parallel_loop3A_504 : i32
      %parallel_loop3A_512 = arith.index_cast %parallel_loop3A_511 : i32 to index
      %parallel_loop3A_513 = tpu.vector_load %arg13[%parallel_loop3A_512] {strides = array<i32>} : memref<16384xf32, #tpu.memory_space<vmem>>, vector<16xf32>,
      tpu.vector_store %arg13[%parallel_loop3A_512], %parallel_loop3A_509 {strides = array<i32>} : memref<16384xf32, #tpu.memory_space<vmem>>, vector<16xf32>,
    } {sc.loop_unroll_factor = 16 : i64, sc.parallel_access}
    %dma_wait3A_348 = arith.constant 1 : i32
    %dma_wait3A_349 = arith.constant 0 : i32
    %dma_wait3A_350 = tpu.memref_slice %arg11[%dma_wait3A_348, %dma_wait3A_349] : memref<2x4096xi32, #tpu.memory_space<vmem>> -> memref<1x4096xi32, #tpu.memory_space<vmem>>
    %dma_wait3A_351 = tpu.memref_squeeze %dma_wait3A_350 : memref<1x4096xi32, #tpu.memory_space<vmem>> -> memref<4096xi32, #tpu.memory_space<vmem>>
    %dma_wait3A_352 = arith.constant 12288 : i32
    %dma_wait3A_353 = tpu.memref_slice %arg8[%dma_wait3A_352] : memref<16384xi32, #tpu.memory_space<hbm>> -> memref<4096xi32, #tpu.memory_space<hbm>>
    %dma_wait3A_354 = arith.constant 0 : i32
    %dma_wait3A_355 = tpu.memref_slice %arg11[%dma_wait3A_348, %dma_wait3A_354] : memref<2x4096xi32, #tpu.memory_space<vmem>> -> memref<1x4096xi32, #tpu.memory_space<vmem>>
    %dma_wait3A_356 = tpu.memref_squeeze %dma_wait3A_355 : memref<1x4096xi32, #tpu.memory_space<vmem>> -> memref<4096xi32, #tpu.memory_space<vmem>>
    %dma_wait3A_357 = arith.constant 12288 : i32
    %dma_wait3A_358 = tpu.memref_slice %arg8[%dma_wait3A_357] : memref<16384xi32, #tpu.memory_space<hbm>> -> memref<4096xi32, #tpu.memory_space<hbm>>
    tpu.wait_dma2 semaphore(%arg14 : memref<!tpu.dma_semaphore, #tpu.memory_space<semaphore_mem>>) src(%dma_wait3A_358 : memref<4096xi32, #tpu.memory_space<hbm>>) dst(%dma_wait3A_356 : memref<4096xi32, #tpu.memory_space<vmem>>)
    %parallel_loop3A_359 = arith.constant 0 : i32
    %parallel_loop3A_360 = arith.constant 256 : i32
    %parallel_loop3A_361 = arith.constant 1 : i32
    scf.for %parallel_loop3A_502 = %parallel_loop3A_359 to %parallel_loop3A_360 step %parallel_loop3A_361  : i32 {
      %parallel_loop3A_503 = arith.constant 16 : i32
      %parallel_loop3A_504 = arith.muli %parallel_loop3A_502, %parallel_loop3A_503 : i32
      %parallel_loop3A_505 = arith.constant 1 : i32
      %parallel_loop3A_506 = arith.index_cast %parallel_loop3A_505 : i32 to index
      %parallel_loop3A_507 = arith.index_cast %parallel_loop3A_504 : i32 to index
      %parallel_loop3A_508 = tpu.vector_load %arg11[%parallel_loop3A_506, %parallel_loop3A_507] {strides = array<i32>} : memref<2x4096xi32, #tpu.memory_space<vmem>>, vector<16xi32>,
      %parallel_loop3A_509 = tpu.vector_load_idx %arg12[%parallel_loop3A_508] : memref<100000xf32, #tpu.memory_space<vmem>>[vector<16xi32>], vector<16xf32>,
      %parallel_loop3A_510 = arith.constant 12288 : i32
      %parallel_loop3A_511 = arith.addi %parallel_loop3A_510, %parallel_loop3A_504 : i32
      %parallel_loop3A_512 = arith.index_cast %parallel_loop3A_511 : i32 to index
      %parallel_loop3A_513 = tpu.vector_load %arg13[%parallel_loop3A_512] {strides = array<i32>} : memref<16384xf32, #tpu.memory_space<vmem>>, vector<16xf32>,
      tpu.vector_store %arg13[%parallel_loop3A_512], %parallel_loop3A_509 {strides = array<i32>} : memref<16384xf32, #tpu.memory_space<vmem>>, vector<16xf32>,
    } {sc.loop_unroll_factor = 16 : i64, sc.parallel_access}
    %add3A_362 = arith.constant 64 : i32
    %add3A_363 = arith.addi %add3A_362, %add3A : i32
    %dma_start3A_364 = arith.constant 0 : i32
    %dma_start3A_365 = tpu.memref_slice %arg10[%add3A_363, %dma_start3A_364] : memref<128x16384xf32, #tpu.memory_space<hbm>> -> memref<1x16384xf32, #tpu.memory_space<hbm>>
    %dma_start3A_366 = tpu.memref_squeeze %dma_start3A_365 : memref<1x16384xf32, #tpu.memory_space<hbm>> -> memref<16384xf32, #tpu.memory_space<hbm>>
    %dma_start3A_367 = arith.constant 0 : i32
    %dma_start3A_368 = tpu.memref_slice %arg10[%add3A_363, %dma_start3A_367] : memref<128x16384xf32, #tpu.memory_space<hbm>> -> memref<1x16384xf32, #tpu.memory_space<hbm>>
    %dma_start3A_369 = tpu.memref_squeeze %dma_start3A_368 : memref<1x16384xf32, #tpu.memory_space<hbm>> -> memref<16384xf32, #tpu.memory_space<hbm>>
    tpu.enqueue_dma source(%arg13 : memref<16384xf32, #tpu.memory_space<vmem>>) target(%dma_start3A_369 : memref<16384xf32, #tpu.memory_space<hbm>>) target_semaphore(%arg15 : memref<!tpu.dma_semaphore, #tpu.memory_space<semaphore_mem>>)
    %dma_start3A_370 = arith.constant 0 : i32
    %dma_start3A_371 = tpu.memref_slice %arg5[%add3A, %dma_start3A_370] : memref<32x100000xf32, #tpu.memory_space<hbm>> -> memref<1x100000xf32, #tpu.memory_space<hbm>>
    %dma_start3A_372 = tpu.memref_squeeze %dma_start3A_371 : memref<1x100000xf32, #tpu.memory_space<hbm>> -> memref<100000xf32, #tpu.memory_space<hbm>>
    %dma_start3A_373 = arith.constant 0 : i32
    %dma_start3A_374 = tpu.memref_slice %arg5[%add3A, %dma_start3A_373] : memref<32x100000xf32, #tpu.memory_space<hbm>> -> memref<1x100000xf32, #tpu.memory_space<hbm>>
    %dma_start3A_375 = tpu.memref_squeeze %dma_start3A_374 : memref<1x100000xf32, #tpu.memory_space<hbm>> -> memref<100000xf32, #tpu.memory_space<hbm>>
    tpu.enqueue_dma source(%dma_start3A_375 : memref<100000xf32, #tpu.memory_space<hbm>>) target(%arg12 : memref<100000xf32, #tpu.memory_space<vmem>>) target_semaphore(%arg14 : memref<!tpu.dma_semaphore, #tpu.memory_space<semaphore_mem>>)
    %dma_start3A_376 = arith.constant 0 : i32
    %dma_start3A_377 = arith.constant 0 : i32
    %dma_start3A_378 = tpu.memref_slice %arg11[%dma_start3A_376, %dma_start3A_377] : memref<2x4096xi32, #tpu.memory_space<vmem>> -> memref<1x4096xi32, #tpu.memory_space<vmem>>
    %dma_start3A_379 = tpu.memref_squeeze %dma_start3A_378 : memref<1x4096xi32, #tpu.memory_space<vmem>> -> memref<4096xi32, #tpu.memory_space<vmem>>
    %dma_start3A_380 = arith.constant 0 : i32
    %dma_start3A_381 = tpu.memref_slice %arg9[%dma_start3A_380] : memref<16384xi32, #tpu.memory_space<hbm>> -> memref<4096xi32, #tpu.memory_space<hbm>>
    %dma_start3A_382 = arith.constant 0 : i32
    %dma_start3A_383 = tpu.memref_slice %arg11[%dma_start3A_376, %dma_start3A_382] : memref<2x4096xi32, #tpu.memory_space<vmem>> -> memref<1x4096xi32, #tpu.memory_space<vmem>>
    %dma_start3A_384 = tpu.memref_squeeze %dma_start3A_383 : memref<1x4096xi32, #tpu.memory_space<vmem>> -> memref<4096xi32, #tpu.memory_space<vmem>>
    %dma_start3A_385 = arith.constant 0 : i32
    %dma_start3A_386 = tpu.memref_slice %arg9[%dma_start3A_385] : memref<16384xi32, #tpu.memory_space<hbm>> -> memref<4096xi32, #tpu.memory_space<hbm>>
    tpu.enqueue_dma source(%dma_start3A_386 : memref<4096xi32, #tpu.memory_space<hbm>>) target(%dma_start3A_384 : memref<4096xi32, #tpu.memory_space<vmem>>) target_semaphore(%arg14 : memref<!tpu.dma_semaphore, #tpu.memory_space<semaphore_mem>>)
    %dma_wait3A_387 = arith.constant 0 : i32
    %dma_wait3A_388 = tpu.memref_slice %arg5[%add3A, %dma_wait3A_387] : memref<32x100000xf32, #tpu.memory_space<hbm>> -> memref<1x100000xf32, #tpu.memory_space<hbm>>
    %dma_wait3A_389 = tpu.memref_squeeze %dma_wait3A_388 : memref<1x100000xf32, #tpu.memory_space<hbm>> -> memref<100000xf32, #tpu.memory_space<hbm>>
    %dma_wait3A_390 = arith.constant 0 : i32
    %dma_wait3A_391 = tpu.memref_slice %arg5[%add3A, %dma_wait3A_390] : memref<32x100000xf32, #tpu.memory_space<hbm>> -> memref<1x100000xf32, #tpu.memory_space<hbm>>
    %dma_wait3A_392 = tpu.memref_squeeze %dma_wait3A_391 : memref<1x100000xf32, #tpu.memory_space<hbm>> -> memref<100000xf32, #tpu.memory_space<hbm>>
    tpu.wait_dma2 semaphore(%arg14 : memref<!tpu.dma_semaphore, #tpu.memory_space<semaphore_mem>>) src(%dma_wait3A_392 : memref<100000xf32, #tpu.memory_space<hbm>>) dst(%arg12 : memref<100000xf32, #tpu.memory_space<vmem>>)
    %dma_wait3A_393 = arith.constant 0 : i32
    %dma_wait3A_394 = tpu.memref_slice %arg10[%add3A_363, %dma_wait3A_393] : memref<128x16384xf32, #tpu.memory_space<hbm>> -> memref<1x16384xf32, #tpu.memory_space<hbm>>
    %dma_wait3A_395 = tpu.memref_squeeze %dma_wait3A_394 : memref<1x16384xf32, #tpu.memory_space<hbm>> -> memref<16384xf32, #tpu.memory_space<hbm>>
    %dma_wait3A_396 = arith.constant 0 : i32
    %dma_wait3A_397 = tpu.memref_slice %arg10[%add3A_363, %dma_wait3A_396] : memref<128x16384xf32, #tpu.memory_space<hbm>> -> memref<1x16384xf32, #tpu.memory_space<hbm>>
    %dma_wait3A_398 = tpu.memref_squeeze %dma_wait3A_397 : memref<1x16384xf32, #tpu.memory_space<hbm>> -> memref<16384xf32, #tpu.memory_space<hbm>>
    tpu.wait_dma2 semaphore(%arg15 : memref<!tpu.dma_semaphore, #tpu.memory_space<semaphore_mem>>) src(%arg13 : memref<16384xf32, #tpu.memory_space<vmem>>) dst(%dma_wait3A_398 : memref<16384xf32, #tpu.memory_space<hbm>>)
    %dma_start3A_399 = arith.constant 1 : i32
    %dma_start3A_400 = arith.constant 0 : i32
    %dma_start3A_401 = tpu.memref_slice %arg11[%dma_start3A_399, %dma_start3A_400] : memref<2x4096xi32, #tpu.memory_space<vmem>> -> memref<1x4096xi32, #tpu.memory_space<vmem>>
    %dma_start3A_402 = tpu.memref_squeeze %dma_start3A_401 : memref<1x4096xi32, #tpu.memory_space<vmem>> -> memref<4096xi32, #tpu.memory_space<vmem>>
    %dma_start3A_403 = arith.constant 4096 : i32
    %dma_start3A_404 = tpu.memref_slice %arg9[%dma_start3A_403] : memref<16384xi32, #tpu.memory_space<hbm>> -> memref<4096xi32, #tpu.memory_space<hbm>>
    %dma_start3A_405 = arith.constant 0 : i32
    %dma_start3A_406 = tpu.memref_slice %arg11[%dma_start3A_399, %dma_start3A_405] : memref<2x4096xi32, #tpu.memory_space<vmem>> -> memref<1x4096xi32, #tpu.memory_space<vmem>>
    %dma_start3A_407 = tpu.memref_squeeze %dma_start3A_406 : memref<1x4096xi32, #tpu.memory_space<vmem>> -> memref<4096xi32, #tpu.memory_space<vmem>>
    %dma_start3A_408 = arith.constant 4096 : i32
    %dma_start3A_409 = tpu.memref_slice %arg9[%dma_start3A_408] : memref<16384xi32, #tpu.memory_space<hbm>> -> memref<4096xi32, #tpu.memory_space<hbm>>
    tpu.enqueue_dma source(%dma_start3A_409 : memref<4096xi32, #tpu.memory_space<hbm>>) target(%dma_start3A_407 : memref<4096xi32, #tpu.memory_space<vmem>>) target_semaphore(%arg14 : memref<!tpu.dma_semaphore, #tpu.memory_space<semaphore_mem>>)
    %dma_wait3A_410 = arith.constant 0 : i32
    %dma_wait3A_411 = arith.constant 0 : i32
    %dma_wait3A_412 = tpu.memref_slice %arg11[%dma_wait3A_410, %dma_wait3A_411] : memref<2x4096xi32, #tpu.memory_space<vmem>> -> memref<1x4096xi32, #tpu.memory_space<vmem>>
    %dma_wait3A_413 = tpu.memref_squeeze %dma_wait3A_412 : memref<1x4096xi32, #tpu.memory_space<vmem>> -> memref<4096xi32, #tpu.memory_space<vmem>>
    %dma_wait3A_414 = arith.constant 0 : i32
    %dma_wait3A_415 = tpu.memref_slice %arg9[%dma_wait3A_414] : memref<16384xi32, #tpu.memory_space<hbm>> -> memref<4096xi32, #tpu.memory_space<hbm>>
    %dma_wait3A_416 = arith.constant 0 : i32
    %dma_wait3A_417 = tpu.memref_slice %arg11[%dma_wait3A_410, %dma_wait3A_416] : memref<2x4096xi32, #tpu.memory_space<vmem>> -> memref<1x4096xi32, #tpu.memory_space<vmem>>
    %dma_wait3A_418 = tpu.memref_squeeze %dma_wait3A_417 : memref<1x4096xi32, #tpu.memory_space<vmem>> -> memref<4096xi32, #tpu.memory_space<vmem>>
    %dma_wait3A_419 = arith.constant 0 : i32
    %dma_wait3A_420 = tpu.memref_slice %arg9[%dma_wait3A_419] : memref<16384xi32, #tpu.memory_space<hbm>> -> memref<4096xi32, #tpu.memory_space<hbm>>
    tpu.wait_dma2 semaphore(%arg14 : memref<!tpu.dma_semaphore, #tpu.memory_space<semaphore_mem>>) src(%dma_wait3A_420 : memref<4096xi32, #tpu.memory_space<hbm>>) dst(%dma_wait3A_418 : memref<4096xi32, #tpu.memory_space<vmem>>)
    %parallel_loop3A_421 = arith.constant 0 : i32
    %parallel_loop3A_422 = arith.constant 256 : i32
    %parallel_loop3A_423 = arith.constant 1 : i32
    scf.for %parallel_loop3A_502 = %parallel_loop3A_421 to %parallel_loop3A_422 step %parallel_loop3A_423  : i32 {
      %parallel_loop3A_503 = arith.constant 16 : i32
      %parallel_loop3A_504 = arith.muli %parallel_loop3A_502, %parallel_loop3A_503 : i32
      %parallel_loop3A_505 = arith.constant 0 : i32
      %parallel_loop3A_506 = arith.index_cast %parallel_loop3A_505 : i32 to index
      %parallel_loop3A_507 = arith.index_cast %parallel_loop3A_504 : i32 to index
      %parallel_loop3A_508 = tpu.vector_load %arg11[%parallel_loop3A_506, %parallel_loop3A_507] {strides = array<i32>} : memref<2x4096xi32, #tpu.memory_space<vmem>>, vector<16xi32>,
      %parallel_loop3A_509 = tpu.vector_load_idx %arg12[%parallel_loop3A_508] : memref<100000xf32, #tpu.memory_space<vmem>>[vector<16xi32>], vector<16xf32>,
      %parallel_loop3A_510 = arith.constant 0 : i32
      %parallel_loop3A_511 = arith.addi %parallel_loop3A_510, %parallel_loop3A_504 : i32
      %parallel_loop3A_512 = arith.index_cast %parallel_loop3A_511 : i32 to index
      %parallel_loop3A_513 = tpu.vector_load %arg13[%parallel_loop3A_512] {strides = array<i32>} : memref<16384xf32, #tpu.memory_space<vmem>>, vector<16xf32>,
      tpu.vector_store %arg13[%parallel_loop3A_512], %parallel_loop3A_509 {strides = array<i32>} : memref<16384xf32, #tpu.memory_space<vmem>>, vector<16xf32>,
    } {sc.loop_unroll_factor = 16 : i64, sc.parallel_access}
    %dma_start3A_424 = arith.constant 0 : i32
    %dma_start3A_425 = arith.constant 0 : i32
    %dma_start3A_426 = tpu.memref_slice %arg11[%dma_start3A_424, %dma_start3A_425] : memref<2x4096xi32, #tpu.memory_space<vmem>> -> memref<1x4096xi32, #tpu.memory_space<vmem>>
    %dma_start3A_427 = tpu.memref_squeeze %dma_start3A_426 : memref<1x4096xi32, #tpu.memory_space<vmem>> -> memref<4096xi32, #tpu.memory_space<vmem>>
    %dma_start3A_428 = arith.constant 8192 : i32
    %dma_start3A_429 = tpu.memref_slice %arg9[%dma_start3A_428] : memref<16384xi32, #tpu.memory_space<hbm>> -> memref<4096xi32, #tpu.memory_space<hbm>>
    %dma_start3A_430 = arith.constant 0 : i32
    %dma_start3A_431 = tpu.memref_slice %arg11[%dma_start3A_424, %dma_start3A_430] : memref<2x4096xi32, #tpu.memory_space<vmem>> -> memref<1x4096xi32, #tpu.memory_space<vmem>>
    %dma_start3A_432 = tpu.memref_squeeze %dma_start3A_431 : memref<1x4096xi32, #tpu.memory_space<vmem>> -> memref<4096xi32, #tpu.memory_space<vmem>>
    %dma_start3A_433 = arith.constant 8192 : i32
    %dma_start3A_434 = tpu.memref_slice %arg9[%dma_start3A_433] : memref<16384xi32, #tpu.memory_space<hbm>> -> memref<4096xi32, #tpu.memory_space<hbm>>
    tpu.enqueue_dma source(%dma_start3A_434 : memref<4096xi32, #tpu.memory_space<hbm>>) target(%dma_start3A_432 : memref<4096xi32, #tpu.memory_space<vmem>>) target_semaphore(%arg14 : memref<!tpu.dma_semaphore, #tpu.memory_space<semaphore_mem>>)
    %dma_wait3A_435 = arith.constant 1 : i32
    %dma_wait3A_436 = arith.constant 0 : i32
    %dma_wait3A_437 = tpu.memref_slice %arg11[%dma_wait3A_435, %dma_wait3A_436] : memref<2x4096xi32, #tpu.memory_space<vmem>> -> memref<1x4096xi32, #tpu.memory_space<vmem>>
    %dma_wait3A_438 = tpu.memref_squeeze %dma_wait3A_437 : memref<1x4096xi32, #tpu.memory_space<vmem>> -> memref<4096xi32, #tpu.memory_space<vmem>>
    %dma_wait3A_439 = arith.constant 4096 : i32
    %dma_wait3A_440 = tpu.memref_slice %arg9[%dma_wait3A_439] : memref<16384xi32, #tpu.memory_space<hbm>> -> memref<4096xi32, #tpu.memory_space<hbm>>
    %dma_wait3A_441 = arith.constant 0 : i32
    %dma_wait3A_442 = tpu.memref_slice %arg11[%dma_wait3A_435, %dma_wait3A_441] : memref<2x4096xi32, #tpu.memory_space<vmem>> -> memref<1x4096xi32, #tpu.memory_space<vmem>>
    %dma_wait3A_443 = tpu.memref_squeeze %dma_wait3A_442 : memref<1x4096xi32, #tpu.memory_space<vmem>> -> memref<4096xi32, #tpu.memory_space<vmem>>
    %dma_wait3A_444 = arith.constant 4096 : i32
    %dma_wait3A_445 = tpu.memref_slice %arg9[%dma_wait3A_444] : memref<16384xi32, #tpu.memory_space<hbm>> -> memref<4096xi32, #tpu.memory_space<hbm>>
    tpu.wait_dma2 semaphore(%arg14 : memref<!tpu.dma_semaphore, #tpu.memory_space<semaphore_mem>>) src(%dma_wait3A_445 : memref<4096xi32, #tpu.memory_space<hbm>>) dst(%dma_wait3A_443 : memref<4096xi32, #tpu.memory_space<vmem>>)
    %parallel_loop3A_446 = arith.constant 0 : i32
    %parallel_loop3A_447 = arith.constant 256 : i32
    %parallel_loop3A_448 = arith.constant 1 : i32
    scf.for %parallel_loop3A_502 = %parallel_loop3A_446 to %parallel_loop3A_447 step %parallel_loop3A_448  : i32 {
      %parallel_loop3A_503 = arith.constant 16 : i32
      %parallel_loop3A_504 = arith.muli %parallel_loop3A_502, %parallel_loop3A_503 : i32
      %parallel_loop3A_505 = arith.constant 1 : i32
      %parallel_loop3A_506 = arith.index_cast %parallel_loop3A_505 : i32 to index
      %parallel_loop3A_507 = arith.index_cast %parallel_loop3A_504 : i32 to index
      %parallel_loop3A_508 = tpu.vector_load %arg11[%parallel_loop3A_506, %parallel_loop3A_507] {strides = array<i32>} : memref<2x4096xi32, #tpu.memory_space<vmem>>, vector<16xi32>,
      %parallel_loop3A_509 = tpu.vector_load_idx %arg12[%parallel_loop3A_508] : memref<100000xf32, #tpu.memory_space<vmem>>[vector<16xi32>], vector<16xf32>,
      %parallel_loop3A_510 = arith.constant 4096 : i32
      %parallel_loop3A_511 = arith.addi %parallel_loop3A_510, %parallel_loop3A_504 : i32
      %parallel_loop3A_512 = arith.index_cast %parallel_loop3A_511 : i32 to index
      %parallel_loop3A_513 = tpu.vector_load %arg13[%parallel_loop3A_512] {strides = array<i32>} : memref<16384xf32, #tpu.memory_space<vmem>>, vector<16xf32>,
      tpu.vector_store %arg13[%parallel_loop3A_512], %parallel_loop3A_509 {strides = array<i32>} : memref<16384xf32, #tpu.memory_space<vmem>>, vector<16xf32>,
    } {sc.loop_unroll_factor = 16 : i64, sc.parallel_access}
    %dma_start3A_449 = arith.constant 1 : i32
    %dma_start3A_450 = arith.constant 0 : i32
    %dma_start3A_451 = tpu.memref_slice %arg11[%dma_start3A_449, %dma_start3A_450] : memref<2x4096xi32, #tpu.memory_space<vmem>> -> memref<1x4096xi32, #tpu.memory_space<vmem>>
    %dma_start3A_452 = tpu.memref_squeeze %dma_start3A_451 : memref<1x4096xi32, #tpu.memory_space<vmem>> -> memref<4096xi32, #tpu.memory_space<vmem>>
    %dma_start3A_453 = arith.constant 12288 : i32
    %dma_start3A_454 = tpu.memref_slice %arg9[%dma_start3A_453] : memref<16384xi32, #tpu.memory_space<hbm>> -> memref<4096xi32, #tpu.memory_space<hbm>>
    %dma_start3A_455 = arith.constant 0 : i32
    %dma_start3A_456 = tpu.memref_slice %arg11[%dma_start3A_449, %dma_start3A_455] : memref<2x4096xi32, #tpu.memory_space<vmem>> -> memref<1x4096xi32, #tpu.memory_space<vmem>>
    %dma_start3A_457 = tpu.memref_squeeze %dma_start3A_456 : memref<1x4096xi32, #tpu.memory_space<vmem>> -> memref<4096xi32, #tpu.memory_space<vmem>>
    %dma_start3A_458 = arith.constant 12288 : i32
    %dma_start3A_459 = tpu.memref_slice %arg9[%dma_start3A_458] : memref<16384xi32, #tpu.memory_space<hbm>> -> memref<4096xi32, #tpu.memory_space<hbm>>
    tpu.enqueue_dma source(%dma_start3A_459 : memref<4096xi32, #tpu.memory_space<hbm>>) target(%dma_start3A_457 : memref<4096xi32, #tpu.memory_space<vmem>>) target_semaphore(%arg14 : memref<!tpu.dma_semaphore, #tpu.memory_space<semaphore_mem>>)
    %dma_wait3A_460 = arith.constant 0 : i32
    %dma_wait3A_461 = arith.constant 0 : i32
    %dma_wait3A_462 = tpu.memref_slice %arg11[%dma_wait3A_460, %dma_wait3A_461] : memref<2x4096xi32, #tpu.memory_space<vmem>> -> memref<1x4096xi32, #tpu.memory_space<vmem>>
    %dma_wait3A_463 = tpu.memref_squeeze %dma_wait3A_462 : memref<1x4096xi32, #tpu.memory_space<vmem>> -> memref<4096xi32, #tpu.memory_space<vmem>>
    %dma_wait3A_464 = arith.constant 8192 : i32
    %dma_wait3A_465 = tpu.memref_slice %arg9[%dma_wait3A_464] : memref<16384xi32, #tpu.memory_space<hbm>> -> memref<4096xi32, #tpu.memory_space<hbm>>
    %dma_wait3A_466 = arith.constant 0 : i32
    %dma_wait3A_467 = tpu.memref_slice %arg11[%dma_wait3A_460, %dma_wait3A_466] : memref<2x4096xi32, #tpu.memory_space<vmem>> -> memref<1x4096xi32, #tpu.memory_space<vmem>>
    %dma_wait3A_468 = tpu.memref_squeeze %dma_wait3A_467 : memref<1x4096xi32, #tpu.memory_space<vmem>> -> memref<4096xi32, #tpu.memory_space<vmem>>
    %dma_wait3A_469 = arith.constant 8192 : i32
    %dma_wait3A_470 = tpu.memref_slice %arg9[%dma_wait3A_469] : memref<16384xi32, #tpu.memory_space<hbm>> -> memref<4096xi32, #tpu.memory_space<hbm>>
    tpu.wait_dma2 semaphore(%arg14 : memref<!tpu.dma_semaphore, #tpu.memory_space<semaphore_mem>>) src(%dma_wait3A_470 : memref<4096xi32, #tpu.memory_space<hbm>>) dst(%dma_wait3A_468 : memref<4096xi32, #tpu.memory_space<vmem>>)
    %parallel_loop3A_471 = arith.constant 0 : i32
    %parallel_loop3A_472 = arith.constant 256 : i32
    %parallel_loop3A_473 = arith.constant 1 : i32
    scf.for %parallel_loop3A_502 = %parallel_loop3A_471 to %parallel_loop3A_472 step %parallel_loop3A_473  : i32 {
      %parallel_loop3A_503 = arith.constant 16 : i32
      %parallel_loop3A_504 = arith.muli %parallel_loop3A_502, %parallel_loop3A_503 : i32
      %parallel_loop3A_505 = arith.constant 0 : i32
      %parallel_loop3A_506 = arith.index_cast %parallel_loop3A_505 : i32 to index
      %parallel_loop3A_507 = arith.index_cast %parallel_loop3A_504 : i32 to index
      %parallel_loop3A_508 = tpu.vector_load %arg11[%parallel_loop3A_506, %parallel_loop3A_507] {strides = array<i32>} : memref<2x4096xi32, #tpu.memory_space<vmem>>, vector<16xi32>,
      %parallel_loop3A_509 = tpu.vector_load_idx %arg12[%parallel_loop3A_508] : memref<100000xf32, #tpu.memory_space<vmem>>[vector<16xi32>], vector<16xf32>,
      %parallel_loop3A_510 = arith.constant 8192 : i32
      %parallel_loop3A_511 = arith.addi %parallel_loop3A_510, %parallel_loop3A_504 : i32
      %parallel_loop3A_512 = arith.index_cast %parallel_loop3A_511 : i32 to index
      %parallel_loop3A_513 = tpu.vector_load %arg13[%parallel_loop3A_512] {strides = array<i32>} : memref<16384xf32, #tpu.memory_space<vmem>>, vector<16xf32>,
      tpu.vector_store %arg13[%parallel_loop3A_512], %parallel_loop3A_509 {strides = array<i32>} : memref<16384xf32, #tpu.memory_space<vmem>>, vector<16xf32>,
    } {sc.loop_unroll_factor = 16 : i64, sc.parallel_access}
    %dma_wait3A_474 = arith.constant 1 : i32
    %dma_wait3A_475 = arith.constant 0 : i32
    %dma_wait3A_476 = tpu.memref_slice %arg11[%dma_wait3A_474, %dma_wait3A_475] : memref<2x4096xi32, #tpu.memory_space<vmem>> -> memref<1x4096xi32, #tpu.memory_space<vmem>>
    %dma_wait3A_477 = tpu.memref_squeeze %dma_wait3A_476 : memref<1x4096xi32, #tpu.memory_space<vmem>> -> memref<4096xi32, #tpu.memory_space<vmem>>
    %dma_wait3A_478 = arith.constant 12288 : i32
    %dma_wait3A_479 = tpu.memref_slice %arg9[%dma_wait3A_478] : memref<16384xi32, #tpu.memory_space<hbm>> -> memref<4096xi32, #tpu.memory_space<hbm>>
    %dma_wait3A_480 = arith.constant 0 : i32
    %dma_wait3A_481 = tpu.memref_slice %arg11[%dma_wait3A_474, %dma_wait3A_480] : memref<2x4096xi32, #tpu.memory_space<vmem>> -> memref<1x4096xi32, #tpu.memory_space<vmem>>
    %dma_wait3A_482 = tpu.memref_squeeze %dma_wait3A_481 : memref<1x4096xi32, #tpu.memory_space<vmem>> -> memref<4096xi32, #tpu.memory_space<vmem>>
    %dma_wait3A_483 = arith.constant 12288 : i32
    %dma_wait3A_484 = tpu.memref_slice %arg9[%dma_wait3A_483] : memref<16384xi32, #tpu.memory_space<hbm>> -> memref<4096xi32, #tpu.memory_space<hbm>>
    tpu.wait_dma2 semaphore(%arg14 : memref<!tpu.dma_semaphore, #tpu.memory_space<semaphore_mem>>) src(%dma_wait3A_484 : memref<4096xi32, #tpu.memory_space<hbm>>) dst(%dma_wait3A_482 : memref<4096xi32, #tpu.memory_space<vmem>>)
    %parallel_loop3A_485 = arith.constant 0 : i32
    %parallel_loop3A_486 = arith.constant 256 : i32
    %parallel_loop3A_487 = arith.constant 1 : i32
    scf.for %parallel_loop3A_502 = %parallel_loop3A_485 to %parallel_loop3A_486 step %parallel_loop3A_487  : i32 {
      %parallel_loop3A_503 = arith.constant 16 : i32
      %parallel_loop3A_504 = arith.muli %parallel_loop3A_502, %parallel_loop3A_503 : i32
      %parallel_loop3A_505 = arith.constant 1 : i32
      %parallel_loop3A_506 = arith.index_cast %parallel_loop3A_505 : i32 to index
      %parallel_loop3A_507 = arith.index_cast %parallel_loop3A_504 : i32 to index
      %parallel_loop3A_508 = tpu.vector_load %arg11[%parallel_loop3A_506, %parallel_loop3A_507] {strides = array<i32>} : memref<2x4096xi32, #tpu.memory_space<vmem>>, vector<16xi32>,
      %parallel_loop3A_509 = tpu.vector_load_idx %arg12[%parallel_loop3A_508] : memref<100000xf32, #tpu.memory_space<vmem>>[vector<16xi32>], vector<16xf32>,
      %parallel_loop3A_510 = arith.constant 12288 : i32
      %parallel_loop3A_511 = arith.addi %parallel_loop3A_510, %parallel_loop3A_504 : i32
      %parallel_loop3A_512 = arith.index_cast %parallel_loop3A_511 : i32 to index
      %parallel_loop3A_513 = tpu.vector_load %arg13[%parallel_loop3A_512] {strides = array<i32>} : memref<16384xf32, #tpu.memory_space<vmem>>, vector<16xf32>,
      tpu.vector_store %arg13[%parallel_loop3A_512], %parallel_loop3A_509 {strides = array<i32>} : memref<16384xf32, #tpu.memory_space<vmem>>, vector<16xf32>,
    } {sc.loop_unroll_factor = 16 : i64, sc.parallel_access}
    %add3A_488 = arith.constant 96 : i32
    %add3A_489 = arith.addi %add3A_488, %add3A : i32
    %dma_start3A_490 = arith.constant 0 : i32
    %dma_start3A_491 = tpu.memref_slice %arg10[%add3A_489, %dma_start3A_490] : memref<128x16384xf32, #tpu.memory_space<hbm>> -> memref<1x16384xf32, #tpu.memory_space<hbm>>
    %dma_start3A_492 = tpu.memref_squeeze %dma_start3A_491 : memref<1x16384xf32, #tpu.memory_space<hbm>> -> memref<16384xf32, #tpu.memory_space<hbm>>
    %dma_start3A_493 = arith.constant 0 : i32
    %dma_start3A_494 = tpu.memref_slice %arg10[%add3A_489, %dma_start3A_493] : memref<128x16384xf32, #tpu.memory_space<hbm>> -> memref<1x16384xf32, #tpu.memory_space<hbm>>
    %dma_start3A_495 = tpu.memref_squeeze %dma_start3A_494 : memref<1x16384xf32, #tpu.memory_space<hbm>> -> memref<16384xf32, #tpu.memory_space<hbm>>
    tpu.enqueue_dma source(%arg13 : memref<16384xf32, #tpu.memory_space<vmem>>) target(%dma_start3A_495 : memref<16384xf32, #tpu.memory_space<hbm>>) target_semaphore(%arg15 : memref<!tpu.dma_semaphore, #tpu.memory_space<semaphore_mem>>)
    %dma_wait3A_496 = arith.constant 0 : i32
    %dma_wait3A_497 = tpu.memref_slice %arg10[%add3A_489, %dma_wait3A_496] : memref<128x16384xf32, #tpu.memory_space<hbm>> -> memref<1x16384xf32, #tpu.memory_space<hbm>>
    %dma_wait3A_498 = tpu.memref_squeeze %dma_wait3A_497 : memref<1x16384xf32, #tpu.memory_space<hbm>> -> memref<16384xf32, #tpu.memory_space<hbm>>
    %dma_wait3A_499 = arith.constant 0 : i32
    %dma_wait3A_500 = tpu.memref_slice %arg10[%add3A_489, %dma_wait3A_499] : memref<128x16384xf32, #tpu.memory_space<hbm>> -> memref<1x16384xf32, #tpu.memory_space<hbm>>
    %dma_wait3A_501 = tpu.memref_squeeze %dma_wait3A_500 : memref<1x16384xf32, #tpu.memory_space<hbm>> -> memref<16384xf32, #tpu.memory_space<hbm>>
    tpu.wait_dma2 semaphore(%arg15 : memref<!tpu.dma_semaphore, #tpu.memory_space<semaphore_mem>>) src(%arg13 : memref<16384xf32, #tpu.memory_space<vmem>>) dst(%dma_wait3A_501 : memref<16384xf32, #tpu.memory_space<hbm>>)
    return
  }
}

</mosaic_0001>

<sc_bundles>
// kernel: _sc_gather.3.cloned.1.call-start
scs
__scs_entry_jumppad:
0x0: {  	(pc) =	sbr.rel $0x88, $3  }
0x1: {  	(tag) =	ssettag $0x0;
	lr =	simm.s32 $0x1  }
0x2: {  	[smem:$0x3F99] =	sst lr;
	_ =	strace $0xD0000000  }
0x3: {  	_ = 	snop  }
0x4: {  	_ = 	snop  }
0x5: {  	_ = 	snop  }
0x6: {  	_ = 	snop  }
0x7: {  	_ = 	snop  }
__scs_overlays_trampoline_lowered:
0x8: {  	[smem:$0x3FA8] =	sst s0  }
0x9: {  	[smem:$0x3FA9] =	sst s1  }
0xa: {  	[smem:$0x3FAA] =	sst s2  }
0xb: {  	[smem:$0x3FAB] =	sst s3  }
0xc: {  	[smem:$0x3FAC] =	sst s4  }
0xd: {  	[smem:$0x3FAD] =	sst s5  }
0xe: {  	[smem:$0x3FAE] =	sst s6  }
0xf: {  	[smem:$0x3FAF] =	sst s7  }
0x10: {  	[smem:$0x3FB0] =	sst s8  }
0x11: {  	[smem:$0x3FB1] =	sst s9;
	s0 =	simm.s32 @!p0 $0x0  }
0x12: {  	s1 =	sld [smem:$0x3F97];
	s0 =	simm.s32 @p0 $0x1  }
0x13: {  	[smem:$0x3FB2] =	sst s0;
	s0 =	simm.s32 @!p1 $0x0  }
0x14: {  	s2 =	sld [smem:$0x3F96];
	s0 =	simm.s32 @p1 $0x1  }
0x15: {  	[smem:$0x3FB3] =	sst s0;
	s0 =	simm.s32 @!p2 $0x0  }
0x16: {  	s3 =	sld [smem:$0x3FDB];
	s0 =	simm.s32 @p2 $0x1  }
0x17: {  	s4 =	simm.s32 $0x1BF5;
	[smem:$0x3FB5] =	sst s0  }
0x18: {  	s0 =	sld [smem:$0x3F98];
	_ =	swait.ge [sflag:s4], $0x0  }
0x19: {  	s7 =	sld [smem:$0x3F99]  }
0x1a: {  	s8 =	sadd.s32 $0xFFFFE003, lr  }
0x1b: {  	s9 =	sadd.s32 $0xFFFFFEF7, lr;
	s5 =	simm.s32 $0xFFFFFFFF;
	p2 =	slt.u32 s8, $0xFFFFF086  }
0x1c: {  	p1 =	slt.u32 s9, $0xF7A;
	s5 =	simm.s32 @!p2 $0x0  }
0x1d: {  	s5 =	simm.s32 @p1 $0x1;
	p0 =	seq.s32 s7, s2  }
0x1e: {  	s7 =	smul.u32 @!p0 $0xF7A, s2;
	p2 =	seq.s32 @!p0 s5, $0x0  }
0x1f: {  	s9 =	smul.u32 $0xF7A, s1;
	s8 =	simm.s32 @!p0 $0x1BF5;
	p2 =	por !p2, p0  }
0x20: {  	[sflag:s8] =	ssyncset.s32 @!p0 $0xFFFFF086;
	s6 =	sadd.s32 @!p0 s3, s7;
	s7 =	simm.s32 @!p0 $0x108  }
0x21: {  	s3 =	sadd.s32 s3, s9;
	s6 =	sadd.s32 @!p0 $0x88, s6;
	s7 =	simm.s32 @p2 $0x1082  }
0x22: {  	[simem:s7], [sflag:s8] =	dma.local @!p0 [hbm:s6], $0xF7A  }
0x23: {  	s9 =	sor.u32 $0xD0000000, s2;
	s6 =	simm.s32 $0x108;
	_ =	swait.ge @!p0 [sflag:s8], $0x0  }
0x24: {  	s3 =	sadd.s32 $0x88, s3;
	s6 =	simm.s32 @!p1 $0x1082;
	[sflag:s4] =	ssyncset.s32 $0xFFFFF086  }
0x25: {  	[simem:s6], [sflag:s4] =	dma.local [hbm:s3], $0xF7A  }
0x26: {  	[smem:$0x3F99] =	sst s1;
	(tag) =	ssettag s2;
	_ =	strace s9  }
0x27: {  	s1 =	sld [smem:$0x3FA9]  }
0x28: {  	s2 =	sld [smem:$0x3FAA]  }
0x29: {  	s4 =	sld [smem:$0x3FAC]  }
0x2a: {  	p0 =	seq.s32 s5, $0x0;
	s5 =	sld [smem:$0x3FAD]  }
0x2b: {  	s6 =	sld [smem:$0x3FAE]  }
0x2c: {  	s7 =	sld [smem:$0x3FAF]  }
0x2d: {  	s3 =	simm.s32 $0x108;
	s8 =	sld [smem:$0x3FB0]  }
0x2e: {  	s3 =	simm.s32 @!p0 $0x1082;
	s9 =	sld [smem:$0x3FB1]  }
0x2f: {  	lr =	sadd.s32 s0, s3;
	s0 =	sld [smem:$0x3FA8]  }
0x30: {  	s3 =	sld [smem:$0x3FAB]  }
0x31: {  	[smem:$0x3FB4] =	sst s10  }
0x32: {  	s10 =	sld [smem:$0x3FB2];
	_ =	sdelay $0x3  }
0x33: {  	p0 =	seq.s32 s10, $0x1;
	s10 =	sld [smem:$0x3FB4];
	_ =	sdelay $0x3  }
0x34: {  	[smem:$0x3FB4] =	sst s10  }
0x35: {  	s10 =	sld [smem:$0x3FB3];
	_ =	sdelay $0x3  }
0x36: {  	p1 =	seq.s32 s10, $0x1;
	s10 =	sld [smem:$0x3FB4];
	_ =	sdelay $0x3  }
0x37: {  	[smem:$0x3FB4] =	sst s10  }
0x38: {  	s10 =	sld [smem:$0x3FB5]  }
0x39: {  	_ = 	snop;
	(pc) =	sbr.ind lr, $3  }
0x3a: {  	_ = 	snop  }
0x3b: {  	_ = 	snop  }
0x3c: {  	p2 =	seq.s32 s10, $0x1;
	s10 =	sld [smem:$0x3FB4]  }
0x3d: {  	_ =	shalt  }
0x3e: {  	_ =	shalt  }
0x3f: {  	_ =	shalt  }
0x40: {  	_ =	shalt  }
0x41: {  	_ =	shalt  }
0x42: {  	_ =	shalt  }
0x43: {  	_ =	shalt  }
0x44: {  	_ =	shalt  }
0x45: {  	_ =	shalt  }
0x46: {  	_ =	shalt  }
0x47: {  	_ =	shalt  }
0x48: {  	_ =	shalt  }
0x49: {  	_ =	shalt  }
0x4a: {  	_ =	shalt  }
0x4b: {  	_ =	shalt  }
0x4c: {  	_ =	shalt  }
0x4d: {  	_ =	shalt  }
0x4e: {  	_ =	shalt  }
0x4f: {  	_ =	shalt  }
0x50: {  	_ =	shalt  }
0x51: {  	_ =	shalt  }
0x52: {  	_ =	shalt  }
0x53: {  	_ =	shalt  }
0x54: {  	_ =	shalt  }
0x55: {  	_ =	shalt  }
0x56: {  	_ =	shalt  }
0x57: {  	_ =	shalt  }
0x58: {  	_ =	shalt  }
0x59: {  	_ =	shalt  }
0x5a: {  	_ =	shalt  }
0x5b: {  	_ =	shalt  }
0x5c: {  	_ =	shalt  }
0x5d: {  	_ =	shalt  }
0x5e: {  	_ =	shalt  }
0x5f: {  	_ =	shalt  }
0x60: {  	_ =	shalt  }
0x61: {  	_ =	shalt  }
0x62: {  	_ =	shalt  }
0x63: {  	_ =	shalt  }
0x64: {  	_ =	shalt  }
0x65: {  	_ =	shalt  }
0x66: {  	_ =	shalt  }
0x67: {  	_ =	shalt  }
0x68: {  	_ =	shalt  }
0x69: {  	_ =	shalt  }
0x6a: {  	_ =	shalt  }
0x6b: {  	_ =	shalt  }
0x6c: {  	_ =	shalt  }
0x6d: {  	_ =	shalt  }
0x6e: {  	_ =	shalt  }
0x6f: {  	_ =	shalt  }
0x70: {  	_ =	shalt  }
0x71: {  	_ =	shalt  }
0x72: {  	_ =	shalt  }
0x73: {  	_ =	shalt  }
0x74: {  	_ =	shalt  }
0x75: {  	_ =	shalt  }
0x76: {  	_ =	shalt  }
0x77: {  	_ =	shalt  }
0x78: {  	_ =	shalt  }
0x79: {  	_ =	shalt  }
0x7a: {  	_ =	shalt  }
0x7b: {  	_ =	shalt  }
0x7c: {  	_ =	shalt  }
0x7d: {  	_ =	shalt  }
0x7e: {  	_ =	shalt  }
0x7f: {  	_ =	shalt  }
0x80: {  	_ =	shalt  }
0x81: {  	_ =	shalt  }
0x82: {  	_ =	shalt  }
0x83: {  	_ =	shalt  }
0x84: {  	_ =	shalt  }
0x85: {  	_ =	shalt  }
0x86: {  	_ =	shalt  }
0x87: {  	_ =	shalt  }
.Lfunc_end0:
.L_simem_size_0:
called_computation_lowered:
.L_overlay_start_0:
0x88: {  	s2 =	sld [smem:$0x3FD9]  }
0x89: {  	s3 =	sld [smem:$0x3FFE];
	_ =	sdelay $0x1  }
0x8a: {  	s1 =	srdreg.scid  }
0x8b: {  	s0 =	sand.u32 $0x1, s1  }
0x8c: {  	s18 =	sshll.u32 s0, $0xA;
	s2 =	sadd.s32 s3, s2  }
0x8d: {  	s2 =	sadd.s32 s2, s18  }
0x8e: {  	[smem:$0x3FC0] =	sst s2  }
0x8f: {  	_ = 	snop  }
0x90: {  	s2 =	sld [smem:$0x3FC9]  }
0x91: {  	s19 =	sld [smem:$0x3FC8]  }
0x92: {  	s4 =	sld [smem:$0x3FC7]  }
0x93: {  	s5 =	sld [smem:$0x3FC6]  }
0x94: {  	s6 =	sld [smem:$0x3FC5]  }
0x95: {  	s7 =	sld [smem:$0x3FC4]  }
0x96: {  	s8 =	sld [smem:$0x3FC3]  }
0x97: {  	s9 =	sld [smem:$0x3FC2]  }
0x98: {  	s10 =	sld [smem:$0x3FD0];
	(tm) =	ssettm $0x1  }
0x99: {  	s11 =	sld [smem:$0x3FFB];
	_ =	sdelay $0x3  }
0x9a: {  	_ =	strace s11  }
0x9b: {  	s11 =	sld [smem:$0x3FFC];
	_ =	sdelay $0x3  }
0x9c: {  	_ =	strace s11  }
0x9d: {  	s11 =	sld [smem:$0x3FFD];
	_ =	sdelay $0x3  }
0x9e: {  	_ =	strace s11  }
0x9f: {  	_ =	strace $0x8FFFFFFF  }
0xa0: {  	s20 =	sld [smem:$0x3FDB];
	_ =	sdelay $0x1  }
0xa1: {  	s12 =	simm.s32 $_scs_section_size  }
0xa2: {  	s13 =	simm.s32 $_size__tile_overlayer_lowered;
	s14 =	simm.s32 $_tile_overlayer_lowered  }
0xa3: {  	s23 =	simm.s32 $0x1BFF;
	s22 =	sshll.u32 s14, $0x1;
	s11 =	sadd.s32 s12, s20  }
0xa4: {  	s15 =	simm.s32 $0x0;
	s21 =	sshll.u32 s13, $0x1;
	s13 =	sadd.s32 s22, s11  }
0xa5: {  	[timem:s15], [sflag:s23] =	dma.local [hbm:s13], s21  }
0xa6: {  	_ =	swait.ge [sflag:s23], s21  }
0xa7: {  	s12 =	ssub.s32 $0x0, s21;
	[sflag:s23] =	ssyncset.done $0x0  }
0xa8: {  	[sflag:s23] =	ssyncadd.s32 s12;
	_ =	sdelay $0x1  }
0xa9: {  	s24 =	simm.s32 $0x1B8B  }
0xaa: {  	_ =	swait.ge [sflag:s24], $0x1  }
0xab: {  	[sflag:s24] =	ssyncset.done $0x0  }
0xac: {  	s25 =	simm.s32 $0x1B8E;
	[sflag:s24] =	ssyncadd.s32 $0xFFFFFFFF  }
0xad: {  	s26 =	simm.s32 $execute0_lowered;
	[smem:$0x3FD2] =	sst s25  }
0xae: {  	s12 =	sshll.u32 s26, $0x1;
	_ =	strace $0x80000046;
	[dreg:$0x1] =	wrdreg $0xFFFFFFFF  }
0xaf: {  	s28 =	simm.s32 $_size_execute0_lowered;
	s11 =	sadd.s32 s11, s12;
	[dreg:$0x0] =	wrdreg $0x0  }
0xb0: {  	s12 =	sshll.u32 s28, $0x1;
	[dreg:$0x2] =	wrdreg s11  }
0xb1: {  	[dreg:$0x3] =	wrdreg s12  }
0xb2: {  	[dreg:$0x4] =	wrdreg $0xC0  }
0xb3: {  	_ =	task [dreg:s15], $0x5FFFF  }
0xb4: {  	[dreg:$0x1] =	wrdreg $0xFFFFFFFF  }
0xb5: {  	[dreg:$0x0] =	wrdreg $0x60  }
0xb6: {  	[dreg:$0x2] =	wrdreg s2  }
0xb7: {  	[dreg:$0x3] =	wrdreg s19  }
0xb8: {  	[dreg:$0x4] =	wrdreg s4  }
0xb9: {  	[dreg:$0x5] =	wrdreg s5  }
0xba: {  	[dreg:$0x6] =	wrdreg s6  }
0xbb: {  	[dreg:$0x7] =	wrdreg s7  }
0xbc: {  	[dreg:$0x8] =	wrdreg s8  }
0xbd: {  	[dreg:$0x9] =	wrdreg s9  }
0xbe: {  	[dreg:$0xa] =	wrdreg s10  }
0xbf: {  	[dreg:$0xb] =	wrdreg $0x9  }
0xc0: {  	_ =	task.clear_ibuf [dreg:s15], $0xCFFFF;
	_ =	strace $0x90000046  }
0xc1: {  	s29 =	simm.s32 $0x9;
	_ =	strace $0x80000048  }
0xc2: {  	_ =	swait.ge [sflag:s29], $0x1  }
0xc3: {  	[sflag:s29] =	ssyncadd.s32 $0xFFFFFFFF  }
0xc4: {  	_ =	strace $0x90000048  }
0xc5: {  	_ =	sfence  }
0xc6: {  	s30 =	sld [smem:$0x0];
	_ =	sdelay $0x2  }
0xc7: {  	s31 =	sshll.u32 s1, $0xD;
	s1 =	sshrl.u32 s1, $0x2  }
0xc8: {  	s3 =	sand.u32 $0x4000, s31;
	s1 =	sadd.s32 s1, s30  }
0xc9: {  	s0 =	sor.u32 s3, s0;
	s1 =	sshll.u32 s1, $0x11  }
0xca: {  	s0 =	sor.u32 s1, s0  }
0xcb: {  	s0 =	sadd.s32 $0x8F2B, s0  }
0xcc: {  	[sflag:s0] =	ssyncadd.remote.s32 $0x1  }
0xcd: {  	_ =	sfence.sel $0xFFFF  }
0xce: {  	[dreg:$0x0] =	wrdreg $0xFFFFFFFF;
	(pc) =	sbr.abs _section_cstart, $3  }
0xcf: {  	[dreg:$0x1] =	wrdreg $0xFFFFFFFF  }
0xd0: {  	_ =	task.clear_ibuf [dreg:s15], $0x2FFFF;
	_ =	strace $0x9FFFFFFF  }
0xd1: {  	(tm) =	ssettm $0x7FFFFFFF  }
tec
execute0_lowered:
.L_overlay_start_1:
0x0: {  	(tag) =	ssettag $0x1  }
0x1: {  	s0 =	rddreg [dreg:$0x0]  }
0x2: {  	s4 =	rddreg [dreg:$0x1]  }
0x3: {  	s7 =	rddreg [dreg:$0x2]  }
0x4: {  	s11 =	rddreg [dreg:$0x3]  }
0x5: {  	s1 =	rddreg [dreg:$0x4]  }
0x6: {  	s2 =	rddreg [dreg:$0x5]  }
0x7: {  	s3 =	rddreg [dreg:$0x6]  }
0x8: {  	s5 =	rddreg [dreg:$0x7]  }
0x9: {  	s12 =	rddreg [dreg:$0x8]  }
0xa: {  	s6 =	srdreg.scid;
	s15 =	stileid.u32  }
0xb: {  	s29 =	simm.s32 $0x80;
	s30 =	simm.s32 $0x400;
	s31 =	simm.s32 $0x2000  }
0xc: {  	s8 =	sand.u32 $0x1, s6;
	s9 =	sshrl.u32 s15, $0x2;
	s18 =	sshll.u32 s15, $0x8  }
0xd: {  	s6 =	simm.s32 $0x0;
	s21 =	sshll.u32 s15, $0xF;
	s15 =	sadd.s32 $0x600, s2  }
0xe: {  	s28 =	sadd.s32 $0x600, s5;
	s10 =	sshll.u32 s8, $0x7;
	s13 =	sand.u32 $0x300, s18  }
0xf: {  	s14 =	smul.u32 $0xC3800, s9;
	s8 =	ssub.s32 $0x2, s8;
	[smem:$0x7FF] =	sst s6  }
0x10: {  	s20 =	sshll.u32 s9, $0x11;
	s22 =	sand.u32 $0x60000, s21;
	s9 =	sadd.s32 $0x400, s1  }
0x11: {  	s18 =	sadd.s32 $0x200, s3;
	s10 =	sor.u32 s10, s13;
	s19 =	sshrl.u32 s8, $0x1  }
0x12: {  	_ =	strace $0x80000047;
	s14 =	sor.u32 s14, s10;
	s16 =	ssub.s32 s8, s19  }
0x13: {  	s8 =	sadd.s32 $0x200, s1;
	s13 =	sor.u32 s22, s10;
	s19 =	sadd.s32 $0x400, s3  }
0x14: {  	s17 =	sshrl.u32 s14, $0x3;
	s23 =	sshrl.u32 s13, $0x3;
	s13 =	sadd.s32 $0x200, s2  }
0x15: {  	s14 =	sadd.s32 $0x400, s2;
	s0 =	sadd.s32 s0, s17;
	s4 =	sadd.s32 s4, s17  }
0x16: {  	s25 =	sadd.s32 s7, s17;
	[dreg:$0xa] =	wrdreg s0;
	s0 =	sor.u32 s20, s10  }
0x17: {  	s22 =	sadd.s32 s11, s17;
	s7 =	simm.s32 $0x2;
	s0 =	sshrl.u32 s0, $0x3  }
0x18: {  	s11 =	simm.s32 $0x0;
	[dreg:$0xc] =	wrdreg s4;
	s0 =	sadd.s32 s12, s0  }
0x19: {  	s10 =	sadd.s32 $0x600, s1;
	[dreg:$0xb] =	wrdreg s0;
	s0 =	sadd.s32 s23, s12  }
0x1a: {  	[dreg:$0xe] =	wrdreg s25;
	s20 =	sadd.s32 $0x600, s3;
	s24 =	sadd.s32 $0x10000, s0  }
0x1b: {  	s25 =	smax.u32 s16, $0x1;
	s26 =	sadd.s32 $0x20000, s0;
	[dreg:$0xd] =	wrdreg s24  }
0x1c: {  	s4 =	simm.s32 $0x1A700;
	s23 =	sadd.s32 $0x200, s5;
	[dreg:$0xf] =	wrdreg s26  }
0x1d: {  	s24 =	sadd.s32 $0x30000, s0;
	s26 =	sadd.s32 $0x400, s5;
	s0 =	simm.s32 $0x1  }
.LBB2_1:
0x1e: {  	s12 =	rddreg [dreg:$0xa];
	s21 =	sadd.s32 $0x0, s1  }
0x1f: {  	[tilespmem:s31], [sflag:$0x1] =	stream.strided.gather [hbm4b:s12+s29], $0x18700, s30, s29, $0x38;
	[tilespmem:$0x1E700] =	vst v63  }
0x20: {  	s16 =	simm.s32 $0x100;
	s17 =	simm.s32 $0x0;
	s12 =	simm.s32 $0x10  }
.LBB2_2:
0x21: {  	[tilespmem:s17], [sflag:$0x1] =	stream.linear.gather [hbm4b:s21+s6], $0x80, $0x38;
	[tilespmem:$0x1E700] =	vst v63  }
0x22: {  	s21 =	smov.u32 s12;
	s17 =	smov.u32 s16;
	p0 =	sne.s32 s12, $0x1F0  }
.Ltmp0:
0x23: {  	s12 =	sadd.s32 $0x10, s12;
	(pc) =	sbr.rel @p0 .LBB2_2-.Ltmp0, $2  }
0x24: {  	_ =	sdelay $0x2  }
0x25: {  	s16 =	sadd.s32 $0x100, s16;
	s21 =	sadd.s32 s21, s1  }
0x26: {  	[tilespmem:s17], [sflag:$0x1] =	stream.linear.gather [hbm4b:s21+s6], $0x80, $0x38;
	[tilespmem:$0x1E700] =	vst v63  }
0x27: {  	_ =	swait.ge [sflag:s0], $0x18700  }
0x28: {  	s12 =	simm.s32 $0x80;
	s16 =	simm.s32 $0x10;
	[sflag:s0] =	ssyncset.done $0x0  }
0x29: {  	s21 =	sadd.s32 $0x0, s8;
	s17 =	simm.s32 $0x180;
	[sflag:s0] =	ssyncadd.s32 $0xFFFE7900  }
.LBB2_4:
0x2a: {  	[tilespmem:s12], [sflag:$0x1] =	stream.linear.gather [hbm4b:s21+s6], $0x80, $0x38;
	[tilespmem:$0x1E700] =	vst v63  }
0x2b: {  	s21 =	smov.u32 s16;
	s12 =	smov.u32 s17;
	p0 =	sne.s32 s16, $0x1F0  }
.Ltmp1:
0x2c: {  	s16 =	sadd.s32 $0x10, s16;
	(pc) =	sbr.rel @p0 .LBB2_4-.Ltmp1, $2  }
0x2d: {  	_ =	sdelay $0x2  }
0x2e: {  	s17 =	sadd.s32 $0x100, s17;
	s21 =	sadd.s32 s21, s8  }
0x2f: {  	[tilespmem:s12], [sflag:$0x1] =	stream.linear.gather [hbm4b:s21+s6], $0x80, $0x38;
	[tilespmem:$0x1E700] =	vst v63  }
0x30: {  	_ =	swait.ge [sflag:s0], $0x1000  }
0x31: {  	[sflag:s0] =	ssyncset.done $0x0  }
0x32: {  	s21 =	simm.s32 $0x100;
	[sflag:s0] =	ssyncadd.s32 $0xFFFFF000  }
0x33: {  	v0 =	vld [tilespmem:s21+$0x70]  }
0x34: {  	v1 =	vld [tilespmem:s21+$0xFFFFFF10]  }
0x35: {  	v2 =	vld [tilespmem:s21+$0xFFFFFF20]  }
0x36: {  	v3 =	vld [tilespmem:s21+$0xFFFFFF30]  }
0x37: {  	v4 =	vld [tilespmem:s21+$0xFFFFFF40]  }
0x38: {  	v5 =	vld [tilespmem:s21+$0xFFFFFF50]  }
0x39: {  	v6 =	vld [tilespmem:s21+$0xFFFFFF60]  }
0x3a: {  	v7 =	vld [tilespmem:s21+$0xFFFFFF70]  }
0x3b: {  	v8 =	vld [tilespmem:s21+$0x0]  }
0x3c: {  	v9 =	vld [tilespmem:s21+$0x10]  }
0x3d: {  	v10 =	vld [tilespmem:s21+$0x20]  }
0x3e: {  	v11 =	vld [tilespmem:s21+$0x30]  }
0x3f: {  	v12 =	vld [tilespmem:s21+$0x40]  }
0x40: {  	v13 =	vld [tilespmem:s21+$0x50]  }
0x41: {  	v14 =	vld [tilespmem:s21+$0x60]  }
0x42: {  	v15 =	vld [tilespmem:s21+$0xFFFFFF00]  }
0x43: {  	v0 =	vld.idx.msk [tilespmem:v0+s31+$0x0], $0xffff  }
0x44: {  	v1 =	vld.idx.msk [tilespmem:v1+s31+$0x0], $0xffff  }
0x45: {  	v2 =	vld.idx.msk [tilespmem:v2+s31+$0x0], $0xffff  }
0x46: {  	v3 =	vld.idx.msk [tilespmem:v3+s31+$0x0], $0xffff  }
0x47: {  	v4 =	vld.idx.msk [tilespmem:v4+s31+$0x0], $0xffff  }
0x48: {  	s12 =	simm.s32 $0x1A780;
	v5 =	vld.idx.msk [tilespmem:v5+s31+$0x0], $0xffff  }
0x49: {  	v6 =	vld.idx.msk [tilespmem:v6+s31+$0x0], $0xffff;
	[tilespmem:s12+$0x70] =	vst v0  }
0x4a: {  	v7 =	vld.idx.msk [tilespmem:v7+s31+$0x0], $0xffff;
	[tilespmem:s12+$0xFFFFFF90] =	vst v1  }
0x4b: {  	v15 =	vld.idx.msk [tilespmem:v15+s31+$0x0], $0xffff;
	[tilespmem:s12+$0xFFFFFFA0] =	vst v2  }
0x4c: {  	v8 =	vld.idx.msk [tilespmem:v8+s31+$0x0], $0xffff;
	[tilespmem:s12+$0xFFFFFFB0] =	vst v3  }
0x4d: {  	[tilespmem:s12+$0xFFFFFFC0] =	vst v4;
	v0 =	vld.idx.msk [tilespmem:v9+s31+$0x0], $0xffff  }
0x4e: {  	[tilespmem:s12+$0xFFFFFFD0] =	vst v5;
	v1 =	vld.idx.msk [tilespmem:v10+s31+$0x0], $0xffff  }
0x4f: {  	[tilespmem:s12+$0xFFFFFFE0] =	vst v6;
	v2 =	vld.idx.msk [tilespmem:v11+s31+$0x0], $0xffff  }
0x50: {  	[tilespmem:s12+$0xFFFFFFF0] =	vst v7;
	v3 =	vld.idx.msk [tilespmem:v12+s31+$0x0], $0xffff  }
0x51: {  	[tilespmem:s12+$0xFFFFFF80] =	vst v15;
	v4 =	vld.idx.msk [tilespmem:v13+s31+$0x0], $0xffff  }
0x52: {  	s16 =	simm.s32 $0x0;
	s17 =	simm.s32 $0x300;
	[tilespmem:s12+$0x0] =	vst v8;
	v5 =	vld.idx.msk [tilespmem:v14+s31+$0x0], $0xffff  }
.LBB2_6:
0x53: {  	v6 =	vld [tilespmem:s17+$0x70];
	s16 =	sadd.s32 $0x10, s16;
	[tilespmem:s12+$0x10] =	vst v0  }
0x54: {  	v0 =	vld [tilespmem:s17+$0xFFFFFF10];
	p0 =	slt.u32 s16, $0xF0;
	[tilespmem:s12+$0x20] =	vst v1  }
0x55: {  	v1 =	vld [tilespmem:s17+$0xFFFFFF20];
	[tilespmem:s12+$0x30] =	vst v2  }
0x56: {  	v2 =	vld [tilespmem:s17+$0xFFFFFF30];
	[tilespmem:s12+$0x40] =	vst v3  }
0x57: {  	v3 =	vld [tilespmem:s17+$0xFFFFFF40];
	[tilespmem:s12+$0x50] =	vst v4  }
0x58: {  	v4 =	vld [tilespmem:s17+$0xFFFFFF50];
	[tilespmem:s12+$0x60] =	vst v5  }
0x59: {  	v5 =	vld [tilespmem:s17+$0xFFFFFF60]  }
0x5a: {  	v7 =	vld [tilespmem:s17+$0xFFFFFF70]  }
0x5b: {  	v6 =	vld.idx.msk [tilespmem:v6+s31+$0x0], $0xffff  }
0x5c: {  	v8 =	vld [tilespmem:s17+$0x0]  }
0x5d: {  	v9 =	vld [tilespmem:s17+$0x10]  }
0x5e: {  	v10 =	vld [tilespmem:s17+$0x20]  }
0x5f: {  	v11 =	vld [tilespmem:s17+$0x30]  }
0x60: {  	s12 =	sadd.s32 $0x100, s12;
	v12 =	vld [tilespmem:s17+$0x40]  }
0x61: {  	v13 =	vld [tilespmem:s17+$0x50];
	[tilespmem:s12+$0x70] =	vst v6  }
0x62: {  	v6 =	vld [tilespmem:s17+$0x60]  }
0x63: {  	v14 =	vld [tilespmem:s17+$0xFFFFFF00]  }
0x64: {  	v0 =	vld.idx.msk [tilespmem:v0+s31+$0x0], $0xffff  }
0x65: {  	v1 =	vld.idx.msk [tilespmem:v1+s31+$0x0], $0xffff  }
0x66: {  	v2 =	vld.idx.msk [tilespmem:v2+s31+$0x0], $0xffff  }
0x67: {  	v3 =	vld.idx.msk [tilespmem:v3+s31+$0x0], $0xffff  }
0x68: {  	v4 =	vld.idx.msk [tilespmem:v4+s31+$0x0], $0xffff  }
0x69: {  	v5 =	vld.idx.msk [tilespmem:v5+s31+$0x0], $0xffff  }
0x6a: {  	[tilespmem:s12+$0xFFFFFF90] =	vst v0;
	v7 =	vld.idx.msk [tilespmem:v7+s31+$0x0], $0xffff  }
0x6b: {  	v14 =	vld.idx.msk [tilespmem:v14+s31+$0x0], $0xffff;
	[tilespmem:s12+$0xFFFFFFA0] =	vst v1  }
0x6c: {  	[tilespmem:s12+$0xFFFFFFB0] =	vst v2;
	v8 =	vld.idx.msk [tilespmem:v8+s31+$0x0], $0xffff  }
0x6d: {  	[tilespmem:s12+$0xFFFFFFC0] =	vst v3;
	v0 =	vld.idx.msk [tilespmem:v9+s31+$0x0], $0xffff  }
.Ltmp2:
0x6e: {  	[tilespmem:s12+$0xFFFFFFD0] =	vst v4;
	v1 =	vld.idx.msk [tilespmem:v10+s31+$0x0], $0xffff;
	(pc) =	sbr.rel @p0 .LBB2_6-.Ltmp2, $4  }
0x6f: {  	[tilespmem:s12+$0xFFFFFFE0] =	vst v5;
	v2 =	vld.idx.msk [tilespmem:v11+s31+$0x0], $0xffff  }
0x70: {  	[tilespmem:s12+$0xFFFFFFF0] =	vst v7;
	v3 =	vld.idx.msk [tilespmem:v12+s31+$0x0], $0xffff  }
0x71: {  	[tilespmem:s12+$0xFFFFFF80] =	vst v14;
	v4 =	vld.idx.msk [tilespmem:v13+s31+$0x0], $0xffff  }
0x72: {  	s17 =	sadd.s32 $0x200, s17;
	[tilespmem:s12+$0x0] =	vst v8;
	v5 =	vld.idx.msk [tilespmem:v6+s31+$0x0], $0xffff  }
0x73: {  	[tilespmem:s12+$0x10] =	vst v0  }
0x74: {  	[tilespmem:s12+$0x20] =	vst v1  }
0x75: {  	[tilespmem:s12+$0x30] =	vst v2  }
0x76: {  	[tilespmem:s12+$0x40] =	vst v3  }
0x77: {  	s16 =	simm.s32 $0x0;
	[tilespmem:s12+$0x50] =	vst v4  }
0x78: {  	s21 =	sadd.s32 $0x0, s9;
	s17 =	simm.s32 $0x100;
	[tilespmem:s12+$0x60] =	vst v5;
	s12 =	simm.s32 $0x10  }
.LBB2_8:
0x79: {  	[tilespmem:s16], [sflag:$0x1] =	stream.linear.gather [hbm4b:s21+s6], $0x80, $0x38;
	[tilespmem:$0x1E700] =	vst v63  }
0x7a: {  	s21 =	smov.u32 s12;
	s16 =	smov.u32 s17;
	p0 =	sne.s32 s12, $0x1F0  }
.Ltmp3:
0x7b: {  	s12 =	sadd.s32 $0x10, s12;
	(pc) =	sbr.rel @p0 .LBB2_8-.Ltmp3, $2  }
0x7c: {  	_ =	sdelay $0x2  }
0x7d: {  	s17 =	sadd.s32 $0x100, s17;
	s21 =	sadd.s32 s21, s9  }
0x7e: {  	[tilespmem:s16], [sflag:$0x1] =	stream.linear.gather [hbm4b:s21+s6], $0x80, $0x38;
	[tilespmem:$0x1E700] =	vst v63  }
0x7f: {  	_ =	swait.ge [sflag:s0], $0x1000  }
0x80: {  	[sflag:s0] =	ssyncset.done $0x0  }
0x81: {  	s12 =	simm.s32 $0x180;
	[sflag:s0] =	ssyncadd.s32 $0xFFFFF000  }
0x82: {  	v0 =	vld [tilespmem:s12+$0x70]  }
0x83: {  	v1 =	vld [tilespmem:s12+$0xFFFFFF10]  }
0x84: {  	v2 =	vld [tilespmem:s12+$0xFFFFFF20]  }
0x85: {  	v3 =	vld [tilespmem:s12+$0xFFFFFF30]  }
0x86: {  	v4 =	vld [tilespmem:s12+$0xFFFFFF40]  }
0x87: {  	v5 =	vld [tilespmem:s12+$0xFFFFFF50]  }
0x88: {  	v6 =	vld [tilespmem:s12+$0xFFFFFF60]  }
0x89: {  	v7 =	vld [tilespmem:s12+$0xFFFFFF70]  }
0x8a: {  	v8 =	vld [tilespmem:s12+$0x0]  }
0x8b: {  	v9 =	vld [tilespmem:s12+$0x10]  }
0x8c: {  	v10 =	vld [tilespmem:s12+$0x20]  }
0x8d: {  	v11 =	vld [tilespmem:s12+$0x30]  }
0x8e: {  	v12 =	vld [tilespmem:s12+$0x40]  }
0x8f: {  	v13 =	vld [tilespmem:s12+$0x50]  }
0x90: {  	v14 =	vld [tilespmem:s12+$0x60]  }
0x91: {  	v15 =	vld [tilespmem:s12+$0xFFFFFF00]  }
0x92: {  	v0 =	vld.idx.msk [tilespmem:v0+s31+$0x0], $0xffff  }
0x93: {  	v1 =	vld.idx.msk [tilespmem:v1+s31+$0x0], $0xffff  }
0x94: {  	v2 =	vld.idx.msk [tilespmem:v2+s31+$0x0], $0xffff  }
0x95: {  	v3 =	vld.idx.msk [tilespmem:v3+s31+$0x0], $0xffff  }
0x96: {  	v4 =	vld.idx.msk [tilespmem:v4+s31+$0x0], $0xffff  }
0x97: {  	s12 =	simm.s32 $0x1B7F0;
	v5 =	vld.idx.msk [tilespmem:v5+s31+$0x0], $0xffff  }
0x98: {  	v6 =	vld.idx.msk [tilespmem:v6+s31+$0x0], $0xffff;
	[tilespmem:s12+$0x0] =	vst v0  }
0x99: {  	v7 =	vld.idx.msk [tilespmem:v7+s31+$0x0], $0xffff;
	[tilespmem:s12+$0xFFFFFF20] =	vst v1  }
0x9a: {  	v15 =	vld.idx.msk [tilespmem:v15+s31+$0x0], $0xffff;
	[tilespmem:s12+$0xFFFFFF30] =	vst v2  }
0x9b: {  	v8 =	vld.idx.msk [tilespmem:v8+s31+$0x0], $0xffff;
	[tilespmem:s12+$0xFFFFFF40] =	vst v3  }
0x9c: {  	[tilespmem:s12+$0xFFFFFF50] =	vst v4;
	v0 =	vld.idx.msk [tilespmem:v9+s31+$0x0], $0xffff  }
0x9d: {  	[tilespmem:s12+$0xFFFFFF60] =	vst v5;
	v1 =	vld.idx.msk [tilespmem:v10+s31+$0x0], $0xffff  }
0x9e: {  	[tilespmem:s12+$0xFFFFFF70] =	vst v6;
	v2 =	vld.idx.msk [tilespmem:v11+s31+$0x0], $0xffff  }
0x9f: {  	[tilespmem:s12+$0xFFFFFF80] =	vst v7;
	v3 =	vld.idx.msk [tilespmem:v12+s31+$0x0], $0xffff  }
0xa0: {  	[tilespmem:s12+$0xFFFFFF10] =	vst v15;
	v4 =	vld.idx.msk [tilespmem:v13+s31+$0x0], $0xffff  }
0xa1: {  	s16 =	simm.s32 $0x0;
	s17 =	simm.s32 $0x380;
	[tilespmem:s12+$0xFFFFFF90] =	vst v8;
	v5 =	vld.idx.msk [tilespmem:v14+s31+$0x0], $0xffff  }
.LBB2_10:
0xa2: {  	v6 =	vld [tilespmem:s17+$0x70];
	s16 =	sadd.s32 $0x10, s16;
	[tilespmem:s12+$0xFFFFFFA0] =	vst v0  }
0xa3: {  	v0 =	vld [tilespmem:s17+$0xFFFFFF10];
	p0 =	slt.u32 s16, $0xF0;
	[tilespmem:s12+$0xFFFFFFB0] =	vst v1  }
0xa4: {  	v1 =	vld [tilespmem:s17+$0xFFFFFF20];
	[tilespmem:s12+$0xFFFFFFC0] =	vst v2  }
0xa5: {  	v2 =	vld [tilespmem:s17+$0xFFFFFF30];
	[tilespmem:s12+$0xFFFFFFD0] =	vst v3  }
0xa6: {  	v3 =	vld [tilespmem:s17+$0xFFFFFF40];
	[tilespmem:s12+$0xFFFFFFE0] =	vst v4  }
0xa7: {  	v4 =	vld [tilespmem:s17+$0xFFFFFF50];
	[tilespmem:s12+$0xFFFFFFF0] =	vst v5  }
0xa8: {  	v5 =	vld [tilespmem:s17+$0xFFFFFF60]  }
0xa9: {  	v7 =	vld [tilespmem:s17+$0xFFFFFF70]  }
0xaa: {  	v6 =	vld.idx.msk [tilespmem:v6+s31+$0x0], $0xffff  }
0xab: {  	v8 =	vld [tilespmem:s17+$0x0]  }
0xac: {  	v9 =	vld [tilespmem:s17+$0x10]  }
0xad: {  	v10 =	vld [tilespmem:s17+$0x20]  }
0xae: {  	v11 =	vld [tilespmem:s17+$0x30]  }
0xaf: {  	s12 =	sadd.s32 $0x100, s12;
	v12 =	vld [tilespmem:s17+$0x40]  }
0xb0: {  	v13 =	vld [tilespmem:s17+$0x50];
	[tilespmem:s12+$0x0] =	vst v6  }
0xb1: {  	v6 =	vld [tilespmem:s17+$0x60]  }
0xb2: {  	v14 =	vld [tilespmem:s17+$0xFFFFFF00]  }
0xb3: {  	v0 =	vld.idx.msk [tilespmem:v0+s31+$0x0], $0xffff  }
0xb4: {  	v1 =	vld.idx.msk [tilespmem:v1+s31+$0x0], $0xffff  }
0xb5: {  	v2 =	vld.idx.msk [tilespmem:v2+s31+$0x0], $0xffff  }
0xb6: {  	v3 =	vld.idx.msk [tilespmem:v3+s31+$0x0], $0xffff  }
0xb7: {  	v4 =	vld.idx.msk [tilespmem:v4+s31+$0x0], $0xffff  }
0xb8: {  	v5 =	vld.idx.msk [tilespmem:v5+s31+$0x0], $0xffff  }
0xb9: {  	[tilespmem:s12+$0xFFFFFF20] =	vst v0;
	v7 =	vld.idx.msk [tilespmem:v7+s31+$0x0], $0xffff  }
0xba: {  	v14 =	vld.idx.msk [tilespmem:v14+s31+$0x0], $0xffff;
	[tilespmem:s12+$0xFFFFFF30] =	vst v1  }
0xbb: {  	[tilespmem:s12+$0xFFFFFF40] =	vst v2;
	v8 =	vld.idx.msk [tilespmem:v8+s31+$0x0], $0xffff  }
0xbc: {  	[tilespmem:s12+$0xFFFFFF50] =	vst v3;
	v0 =	vld.idx.msk [tilespmem:v9+s31+$0x0], $0xffff  }
.Ltmp4:
0xbd: {  	[tilespmem:s12+$0xFFFFFF60] =	vst v4;
	v1 =	vld.idx.msk [tilespmem:v10+s31+$0x0], $0xffff;
	(pc) =	sbr.rel @p0 .LBB2_10-.Ltmp4, $4  }
0xbe: {  	[tilespmem:s12+$0xFFFFFF70] =	vst v5;
	v2 =	vld.idx.msk [tilespmem:v11+s31+$0x0], $0xffff  }
0xbf: {  	[tilespmem:s12+$0xFFFFFF80] =	vst v7;
	v3 =	vld.idx.msk [tilespmem:v12+s31+$0x0], $0xffff  }
0xc0: {  	[tilespmem:s12+$0xFFFFFF10] =	vst v14;
	v4 =	vld.idx.msk [tilespmem:v13+s31+$0x0], $0xffff  }
0xc1: {  	s17 =	sadd.s32 $0x200, s17;
	[tilespmem:s12+$0xFFFFFF90] =	vst v8;
	v5 =	vld.idx.msk [tilespmem:v6+s31+$0x0], $0xffff  }
0xc2: {  	[tilespmem:s12+$0xFFFFFFA0] =	vst v0  }
0xc3: {  	[tilespmem:s12+$0xFFFFFFB0] =	vst v1  }
0xc4: {  	[tilespmem:s12+$0xFFFFFFC0] =	vst v2  }
0xc5: {  	[tilespmem:s12+$0xFFFFFFD0] =	vst v3  }
0xc6: {  	s16 =	simm.s32 $0x80;
	[tilespmem:s12+$0xFFFFFFE0] =	vst v4  }
0xc7: {  	s21 =	sadd.s32 $0x0, s10;
	s17 =	simm.s32 $0x180;
	[tilespmem:s12+$0xFFFFFFF0] =	vst v5;
	s12 =	simm.s32 $0x10  }
.LBB2_12:
0xc8: {  	[tilespmem:s16], [sflag:$0x1] =	stream.linear.gather [hbm4b:s21+s6], $0x80, $0x38;
	[tilespmem:$0x1E700] =	vst v63  }
0xc9: {  	s21 =	smov.u32 s12;
	s16 =	smov.u32 s17;
	p0 =	sne.s32 s12, $0x1F0  }
.Ltmp5:
0xca: {  	s12 =	sadd.s32 $0x10, s12;
	(pc) =	sbr.rel @p0 .LBB2_12-.Ltmp5, $2  }
0xcb: {  	_ =	sdelay $0x2  }
0xcc: {  	s17 =	sadd.s32 $0x100, s17;
	s21 =	sadd.s32 s21, s10  }
0xcd: {  	[tilespmem:s16], [sflag:$0x1] =	stream.linear.gather [hbm4b:s21+s6], $0x80, $0x38;
	[tilespmem:$0x1E700] =	vst v63  }
0xce: {  	_ =	swait.ge [sflag:s0], $0x1000  }
0xcf: {  	[sflag:s0] =	ssyncset.done $0x0  }
0xd0: {  	s12 =	simm.s32 $0x100;
	[sflag:s0] =	ssyncadd.s32 $0xFFFFF000  }
0xd1: {  	v0 =	vld [tilespmem:s12+$0x70]  }
0xd2: {  	v1 =	vld [tilespmem:s12+$0xFFFFFF10]  }
0xd3: {  	v2 =	vld [tilespmem:s12+$0xFFFFFF20]  }
0xd4: {  	v3 =	vld [tilespmem:s12+$0xFFFFFF30]  }
0xd5: {  	v4 =	vld [tilespmem:s12+$0xFFFFFF40]  }
0xd6: {  	v5 =	vld [tilespmem:s12+$0xFFFFFF50]  }
0xd7: {  	v6 =	vld [tilespmem:s12+$0xFFFFFF60]  }
0xd8: {  	v7 =	vld [tilespmem:s12+$0xFFFFFF70]  }
0xd9: {  	v8 =	vld [tilespmem:s12+$0x0]  }
0xda: {  	v9 =	vld [tilespmem:s12+$0x10]  }
0xdb: {  	v10 =	vld [tilespmem:s12+$0x20]  }
0xdc: {  	v11 =	vld [tilespmem:s12+$0x30]  }
0xdd: {  	v12 =	vld [tilespmem:s12+$0x40]  }
0xde: {  	v13 =	vld [tilespmem:s12+$0x50]  }
0xdf: {  	v14 =	vld [tilespmem:s12+$0x60]  }
0xe0: {  	v15 =	vld [tilespmem:s12+$0xFFFFFF00]  }
0xe1: {  	v0 =	vld.idx.msk [tilespmem:v0+s31+$0x0], $0xffff  }
0xe2: {  	v1 =	vld.idx.msk [tilespmem:v1+s31+$0x0], $0xffff  }
0xe3: {  	v2 =	vld.idx.msk [tilespmem:v2+s31+$0x0], $0xffff  }
0xe4: {  	v3 =	vld.idx.msk [tilespmem:v3+s31+$0x0], $0xffff  }
0xe5: {  	v4 =	vld.idx.msk [tilespmem:v4+s31+$0x0], $0xffff  }
0xe6: {  	s12 =	simm.s32 $0x1C7F0;
	v5 =	vld.idx.msk [tilespmem:v5+s31+$0x0], $0xffff  }
0xe7: {  	v6 =	vld.idx.msk [tilespmem:v6+s31+$0x0], $0xffff;
	[tilespmem:s12+$0x0] =	vst v0  }
0xe8: {  	v7 =	vld.idx.msk [tilespmem:v7+s31+$0x0], $0xffff;
	[tilespmem:s12+$0xFFFFFF20] =	vst v1  }
0xe9: {  	v15 =	vld.idx.msk [tilespmem:v15+s31+$0x0], $0xffff;
	[tilespmem:s12+$0xFFFFFF30] =	vst v2  }
0xea: {  	v8 =	vld.idx.msk [tilespmem:v8+s31+$0x0], $0xffff;
	[tilespmem:s12+$0xFFFFFF40] =	vst v3  }
0xeb: {  	[tilespmem:s12+$0xFFFFFF50] =	vst v4;
	v0 =	vld.idx.msk [tilespmem:v9+s31+$0x0], $0xffff  }
0xec: {  	[tilespmem:s12+$0xFFFFFF60] =	vst v5;
	v1 =	vld.idx.msk [tilespmem:v10+s31+$0x0], $0xffff  }
0xed: {  	[tilespmem:s12+$0xFFFFFF70] =	vst v6;
	v2 =	vld.idx.msk [tilespmem:v11+s31+$0x0], $0xffff  }
0xee: {  	[tilespmem:s12+$0xFFFFFF80] =	vst v7;
	v3 =	vld.idx.msk [tilespmem:v12+s31+$0x0], $0xffff  }
0xef: {  	[tilespmem:s12+$0xFFFFFF10] =	vst v15;
	v4 =	vld.idx.msk [tilespmem:v13+s31+$0x0], $0xffff  }
0xf0: {  	s16 =	simm.s32 $0x0;
	s17 =	simm.s32 $0x300;
	[tilespmem:s12+$0xFFFFFF90] =	vst v8;
	v5 =	vld.idx.msk [tilespmem:v14+s31+$0x0], $0xffff  }
.LBB2_14:
0xf1: {  	v6 =	vld [tilespmem:s17+$0x70];
	s16 =	sadd.s32 $0x10, s16;
	[tilespmem:s12+$0xFFFFFFA0] =	vst v0  }
0xf2: {  	v0 =	vld [tilespmem:s17+$0xFFFFFF10];
	p0 =	slt.u32 s16, $0xF0;
	[tilespmem:s12+$0xFFFFFFB0] =	vst v1  }
0xf3: {  	v1 =	vld [tilespmem:s17+$0xFFFFFF20];
	[tilespmem:s12+$0xFFFFFFC0] =	vst v2  }
0xf4: {  	v2 =	vld [tilespmem:s17+$0xFFFFFF30];
	[tilespmem:s12+$0xFFFFFFD0] =	vst v3  }
0xf5: {  	v3 =	vld [tilespmem:s17+$0xFFFFFF40];
	[tilespmem:s12+$0xFFFFFFE0] =	vst v4  }
0xf6: {  	v4 =	vld [tilespmem:s17+$0xFFFFFF50];
	[tilespmem:s12+$0xFFFFFFF0] =	vst v5  }
0xf7: {  	v5 =	vld [tilespmem:s17+$0xFFFFFF60]  }
0xf8: {  	v7 =	vld [tilespmem:s17+$0xFFFFFF70]  }
0xf9: {  	v6 =	vld.idx.msk [tilespmem:v6+s31+$0x0], $0xffff  }
0xfa: {  	v8 =	vld [tilespmem:s17+$0x0]  }
0xfb: {  	v9 =	vld [tilespmem:s17+$0x10]  }
0xfc: {  	v10 =	vld [tilespmem:s17+$0x20]  }
0xfd: {  	v11 =	vld [tilespmem:s17+$0x30]  }
0xfe: {  	s12 =	sadd.s32 $0x100, s12;
	v12 =	vld [tilespmem:s17+$0x40]  }
0xff: {  	v13 =	vld [tilespmem:s17+$0x50];
	[tilespmem:s12+$0x0] =	vst v6  }
0x100: {  	v6 =	vld [tilespmem:s17+$0x60]  }
0x101: {  	v14 =	vld [tilespmem:s17+$0xFFFFFF00]  }
0x102: {  	v0 =	vld.idx.msk [tilespmem:v0+s31+$0x0], $0xffff  }
0x103: {  	v1 =	vld.idx.msk [tilespmem:v1+s31+$0x0], $0xffff  }
0x104: {  	v2 =	vld.idx.msk [tilespmem:v2+s31+$0x0], $0xffff  }
0x105: {  	v3 =	vld.idx.msk [tilespmem:v3+s31+$0x0], $0xffff  }
0x106: {  	v4 =	vld.idx.msk [tilespmem:v4+s31+$0x0], $0xffff  }
0x107: {  	v5 =	vld.idx.msk [tilespmem:v5+s31+$0x0], $0xffff  }
0x108: {  	[tilespmem:s12+$0xFFFFFF20] =	vst v0;
	v7 =	vld.idx.msk [tilespmem:v7+s31+$0x0], $0xffff  }
0x109: {  	v14 =	vld.idx.msk [tilespmem:v14+s31+$0x0], $0xffff;
	[tilespmem:s12+$0xFFFFFF30] =	vst v1  }
0x10a: {  	[tilespmem:s12+$0xFFFFFF40] =	vst v2;
	v8 =	vld.idx.msk [tilespmem:v8+s31+$0x0], $0xffff  }
0x10b: {  	[tilespmem:s12+$0xFFFFFF50] =	vst v3;
	v0 =	vld.idx.msk [tilespmem:v9+s31+$0x0], $0xffff  }
.Ltmp6:
0x10c: {  	[tilespmem:s12+$0xFFFFFF60] =	vst v4;
	v1 =	vld.idx.msk [tilespmem:v10+s31+$0x0], $0xffff;
	(pc) =	sbr.rel @p0 .LBB2_14-.Ltmp6, $4  }
0x10d: {  	[tilespmem:s12+$0xFFFFFF70] =	vst v5;
	v2 =	vld.idx.msk [tilespmem:v11+s31+$0x0], $0xffff  }
0x10e: {  	[tilespmem:s12+$0xFFFFFF80] =	vst v7;
	v3 =	vld.idx.msk [tilespmem:v12+s31+$0x0], $0xffff  }
0x10f: {  	[tilespmem:s12+$0xFFFFFF10] =	vst v14;
	v4 =	vld.idx.msk [tilespmem:v13+s31+$0x0], $0xffff  }
0x110: {  	s17 =	sadd.s32 $0x200, s17;
	[tilespmem:s12+$0xFFFFFF90] =	vst v8;
	v5 =	vld.idx.msk [tilespmem:v6+s31+$0x0], $0xffff  }
0x111: {  	[tilespmem:s12+$0xFFFFFFA0] =	vst v0  }
0x112: {  	[tilespmem:s12+$0xFFFFFFB0] =	vst v1  }
0x113: {  	[tilespmem:s12+$0xFFFFFFC0] =	vst v2  }
0x114: {  	[tilespmem:s12+$0xFFFFFFD0] =	vst v3  }
0x115: {  	[tilespmem:s12+$0xFFFFFFE0] =	vst v4  }
0x116: {  	[tilespmem:s12+$0xFFFFFFF0] =	vst v5  }
0x117: {  	_ =	swait.ge [sflag:s0], $0x1000  }
0x118: {  	[sflag:s0] =	ssyncset.done $0x0  }
0x119: {  	s21 =	simm.s32 $0x180;
	[sflag:s0] =	ssyncadd.s32 $0xFFFFF000  }
0x11a: {  	v0 =	vld [tilespmem:s21+$0x70]  }
0x11b: {  	v1 =	vld [tilespmem:s21+$0xFFFFFF10]  }
0x11c: {  	v2 =	vld [tilespmem:s21+$0xFFFFFF20]  }
0x11d: {  	v3 =	vld [tilespmem:s21+$0xFFFFFF30]  }
0x11e: {  	v4 =	vld [tilespmem:s21+$0xFFFFFF40]  }
0x11f: {  	v5 =	vld [tilespmem:s21+$0xFFFFFF50]  }
0x120: {  	v6 =	vld [tilespmem:s21+$0xFFFFFF60]  }
0x121: {  	v7 =	vld [tilespmem:s21+$0xFFFFFF70]  }
0x122: {  	v8 =	vld [tilespmem:s21+$0x0]  }
0x123: {  	v9 =	vld [tilespmem:s21+$0x10]  }
0x124: {  	v10 =	vld [tilespmem:s21+$0x20]  }
0x125: {  	v11 =	vld [tilespmem:s21+$0x30]  }
0x126: {  	v12 =	vld [tilespmem:s21+$0x40]  }
0x127: {  	v13 =	vld [tilespmem:s21+$0x50]  }
0x128: {  	v14 =	vld [tilespmem:s21+$0x60]  }
0x129: {  	v15 =	vld [tilespmem:s21+$0xFFFFFF00]  }
0x12a: {  	v0 =	vld.idx.msk [tilespmem:v0+s31+$0x0], $0xffff  }
0x12b: {  	v1 =	vld.idx.msk [tilespmem:v1+s31+$0x0], $0xffff  }
0x12c: {  	v2 =	vld.idx.msk [tilespmem:v2+s31+$0x0], $0xffff  }
0x12d: {  	v3 =	vld.idx.msk [tilespmem:v3+s31+$0x0], $0xffff  }
0x12e: {  	v4 =	vld.idx.msk [tilespmem:v4+s31+$0x0], $0xffff  }
0x12f: {  	s12 =	simm.s32 $0x1D7F0;
	v5 =	vld.idx.msk [tilespmem:v5+s31+$0x0], $0xffff  }
0x130: {  	v6 =	vld.idx.msk [tilespmem:v6+s31+$0x0], $0xffff;
	[tilespmem:s12+$0x0] =	vst v0  }
0x131: {  	v7 =	vld.idx.msk [tilespmem:v7+s31+$0x0], $0xffff;
	[tilespmem:s12+$0xFFFFFF20] =	vst v1  }
0x132: {  	v15 =	vld.idx.msk [tilespmem:v15+s31+$0x0], $0xffff;
	[tilespmem:s12+$0xFFFFFF30] =	vst v2  }
0x133: {  	v8 =	vld.idx.msk [tilespmem:v8+s31+$0x0], $0xffff;
	[tilespmem:s12+$0xFFFFFF40] =	vst v3  }
0x134: {  	[tilespmem:s12+$0xFFFFFF50] =	vst v4;
	v0 =	vld.idx.msk [tilespmem:v9+s31+$0x0], $0xffff  }
0x135: {  	[tilespmem:s12+$0xFFFFFF60] =	vst v5;
	v1 =	vld.idx.msk [tilespmem:v10+s31+$0x0], $0xffff  }
0x136: {  	[tilespmem:s12+$0xFFFFFF70] =	vst v6;
	v2 =	vld.idx.msk [tilespmem:v11+s31+$0x0], $0xffff  }
0x137: {  	[tilespmem:s12+$0xFFFFFF80] =	vst v7;
	v3 =	vld.idx.msk [tilespmem:v12+s31+$0x0], $0xffff  }
0x138: {  	[tilespmem:s12+$0xFFFFFF10] =	vst v15;
	v4 =	vld.idx.msk [tilespmem:v13+s31+$0x0], $0xffff  }
0x139: {  	s16 =	simm.s32 $0x0;
	s17 =	simm.s32 $0x380;
	[tilespmem:s12+$0xFFFFFF90] =	vst v8;
	v5 =	vld.idx.msk [tilespmem:v14+s31+$0x0], $0xffff  }
.LBB2_16:
0x13a: {  	v6 =	vld [tilespmem:s17+$0x70];
	s16 =	sadd.s32 $0x10, s16;
	[tilespmem:s12+$0xFFFFFFA0] =	vst v0  }
0x13b: {  	v0 =	vld [tilespmem:s17+$0xFFFFFF10];
	p0 =	slt.u32 s16, $0xF0;
	[tilespmem:s12+$0xFFFFFFB0] =	vst v1  }
0x13c: {  	v1 =	vld [tilespmem:s17+$0xFFFFFF20];
	[tilespmem:s12+$0xFFFFFFC0] =	vst v2  }
0x13d: {  	v2 =	vld [tilespmem:s17+$0xFFFFFF30];
	[tilespmem:s12+$0xFFFFFFD0] =	vst v3  }
0x13e: {  	v3 =	vld [tilespmem:s17+$0xFFFFFF40];
	[tilespmem:s12+$0xFFFFFFE0] =	vst v4  }
0x13f: {  	v4 =	vld [tilespmem:s17+$0xFFFFFF50];
	[tilespmem:s12+$0xFFFFFFF0] =	vst v5  }
0x140: {  	v5 =	vld [tilespmem:s17+$0xFFFFFF60]  }
0x141: {  	v7 =	vld [tilespmem:s17+$0xFFFFFF70]  }
0x142: {  	v6 =	vld.idx.msk [tilespmem:v6+s31+$0x0], $0xffff  }
0x143: {  	v8 =	vld [tilespmem:s17+$0x0]  }
0x144: {  	v9 =	vld [tilespmem:s17+$0x10]  }
0x145: {  	v10 =	vld [tilespmem:s17+$0x20]  }
0x146: {  	v11 =	vld [tilespmem:s17+$0x30]  }
0x147: {  	s12 =	sadd.s32 $0x100, s12;
	v12 =	vld [tilespmem:s17+$0x40]  }
0x148: {  	v13 =	vld [tilespmem:s17+$0x50];
	[tilespmem:s12+$0x0] =	vst v6  }
0x149: {  	v6 =	vld [tilespmem:s17+$0x60]  }
0x14a: {  	v14 =	vld [tilespmem:s17+$0xFFFFFF00]  }
0x14b: {  	v0 =	vld.idx.msk [tilespmem:v0+s31+$0x0], $0xffff  }
0x14c: {  	v1 =	vld.idx.msk [tilespmem:v1+s31+$0x0], $0xffff  }
0x14d: {  	v2 =	vld.idx.msk [tilespmem:v2+s31+$0x0], $0xffff  }
0x14e: {  	v3 =	vld.idx.msk [tilespmem:v3+s31+$0x0], $0xffff  }
0x14f: {  	v4 =	vld.idx.msk [tilespmem:v4+s31+$0x0], $0xffff  }
0x150: {  	v5 =	vld.idx.msk [tilespmem:v5+s31+$0x0], $0xffff  }
0x151: {  	[tilespmem:s12+$0xFFFFFF20] =	vst v0;
	v7 =	vld.idx.msk [tilespmem:v7+s31+$0x0], $0xffff  }
0x152: {  	v14 =	vld.idx.msk [tilespmem:v14+s31+$0x0], $0xffff;
	[tilespmem:s12+$0xFFFFFF30] =	vst v1  }
0x153: {  	[tilespmem:s12+$0xFFFFFF40] =	vst v2;
	v8 =	vld.idx.msk [tilespmem:v8+s31+$0x0], $0xffff  }
0x154: {  	[tilespmem:s12+$0xFFFFFF50] =	vst v3;
	v0 =	vld.idx.msk [tilespmem:v9+s31+$0x0], $0xffff  }
.Ltmp7:
0x155: {  	[tilespmem:s12+$0xFFFFFF60] =	vst v4;
	v1 =	vld.idx.msk [tilespmem:v10+s31+$0x0], $0xffff;
	(pc) =	sbr.rel @p0 .LBB2_16-.Ltmp7, $4  }
0x156: {  	[tilespmem:s12+$0xFFFFFF70] =	vst v5;
	v2 =	vld.idx.msk [tilespmem:v11+s31+$0x0], $0xffff  }
0x157: {  	[tilespmem:s12+$0xFFFFFF80] =	vst v7;
	v3 =	vld.idx.msk [tilespmem:v12+s31+$0x0], $0xffff  }
0x158: {  	[tilespmem:s12+$0xFFFFFF10] =	vst v14;
	v4 =	vld.idx.msk [tilespmem:v13+s31+$0x0], $0xffff  }
0x159: {  	s17 =	sadd.s32 $0x200, s17;
	[tilespmem:s12+$0xFFFFFF90] =	vst v8;
	v5 =	vld.idx.msk [tilespmem:v6+s31+$0x0], $0xffff  }
0x15a: {  	[tilespmem:s12+$0xFFFFFFA0] =	vst v0  }
0x15b: {  	[tilespmem:s12+$0xFFFFFFB0] =	vst v1  }
0x15c: {  	[tilespmem:s12+$0xFFFFFFC0] =	vst v2  }
0x15d: {  	[tilespmem:s12+$0xFFFFFFD0] =	vst v3  }
0x15e: {  	[tilespmem:s12+$0xFFFFFFE0] =	vst v4  }
0x15f: {  	[tilespmem:s12+$0xFFFFFFF0] =	vst v5  }
0x160: {  	s12 =	rddreg [dreg:$0xb]  }
0x161: {  	[hbm4b:s12+s29] =	stream.strided.scatter [tilespmem:s4], [sflag:$0x2], $0x4000, s30, s29, $0x38;
	[tilespmem:$0x1E700] =	vst v63  }
0x162: {  	s16 =	simm.s32 $0x10;
	s21 =	rddreg [dreg:$0xc]  }
0x163: {  	[tilespmem:s31], [sflag:$0x1] =	stream.strided.gather [hbm4b:s21+s29], $0x18700, s30, s29, $0x38;
	[tilespmem:$0x1E700] =	vst v63  }
0x164: {  	s17 =	simm.s32 $0x100;
	s12 =	simm.s32 $0x0;
	s21 =	sadd.s32 $0x0, s2  }
.LBB2_18:
0x165: {  	[tilespmem:s12], [sflag:$0x1] =	stream.linear.gather [hbm4b:s21+s6], $0x80, $0x38;
	[tilespmem:$0x1E700] =	vst v63  }
0x166: {  	s21 =	smov.u32 s16;
	s12 =	smov.u32 s17;
	p0 =	sne.s32 s16, $0x1F0  }
.Ltmp8:
0x167: {  	s16 =	sadd.s32 $0x10, s16;
	(pc) =	sbr.rel @p0 .LBB2_18-.Ltmp8, $2  }
0x168: {  	_ =	sdelay $0x2  }
0x169: {  	s17 =	sadd.s32 $0x100, s17;
	s21 =	sadd.s32 s21, s2  }
0x16a: {  	[tilespmem:s12], [sflag:$0x1] =	stream.linear.gather [hbm4b:s21+s6], $0x80, $0x38;
	[tilespmem:$0x1E700] =	vst v63  }
0x16b: {  	_ =	swait.ge [sflag:s0], $0x18700  }
0x16c: {  	[sflag:s0] =	ssyncset.done $0x0  }
0x16d: {  	[sflag:s0] =	ssyncadd.s32 $0xFFFE7900  }
0x16e: {  	_ =	swait.ge [sflag:s7], $0x4000  }
0x16f: {  	s12 =	simm.s32 $0x80;
	s16 =	simm.s32 $0x10;
	[sflag:s7] =	ssyncset.done $0x0  }
0x170: {  	s21 =	sadd.s32 $0x0, s13;
	s17 =	simm.s32 $0x180;
	[sflag:s7] =	ssyncadd.s32 $0xFFFFC000  }
.LBB2_20:
0x171: {  	[tilespmem:s12], [sflag:$0x1] =	stream.linear.gather [hbm4b:s21+s6], $0x80, $0x38;
	[tilespmem:$0x1E700] =	vst v63  }
0x172: {  	s21 =	smov.u32 s16;
	s12 =	smov.u32 s17;
	p0 =	sne.s32 s16, $0x1F0  }
.Ltmp9:
0x173: {  	s16 =	sadd.s32 $0x10, s16;
	(pc) =	sbr.rel @p0 .LBB2_20-.Ltmp9, $2  }
0x174: {  	_ =	sdelay $0x2  }
0x175: {  	s17 =	sadd.s32 $0x100, s17;
	s21 =	sadd.s32 s21, s13  }
0x176: {  	[tilespmem:s12], [sflag:$0x1] =	stream.linear.gather [hbm4b:s21+s6], $0x80, $0x38;
	[tilespmem:$0x1E700] =	vst v63  }
0x177: {  	_ =	swait.ge [sflag:s0], $0x1000  }
0x178: {  	[sflag:s0] =	ssyncset.done $0x0  }
0x179: {  	s21 =	simm.s32 $0x100;
	[sflag:s0] =	ssyncadd.s32 $0xFFFFF000  }
0x17a: {  	v0 =	vld [tilespmem:s21+$0x70]  }
0x17b: {  	v1 =	vld [tilespmem:s21+$0xFFFFFF10]  }
0x17c: {  	v2 =	vld [tilespmem:s21+$0xFFFFFF20]  }
0x17d: {  	v3 =	vld [tilespmem:s21+$0xFFFFFF30]  }
0x17e: {  	v4 =	vld [tilespmem:s21+$0xFFFFFF40]  }
0x17f: {  	v5 =	vld [tilespmem:s21+$0xFFFFFF50]  }
0x180: {  	v6 =	vld [tilespmem:s21+$0xFFFFFF60]  }
0x181: {  	v7 =	vld [tilespmem:s21+$0xFFFFFF70]  }
0x182: {  	v8 =	vld [tilespmem:s21+$0x0]  }
0x183: {  	v9 =	vld [tilespmem:s21+$0x10]  }
0x184: {  	v10 =	vld [tilespmem:s21+$0x20]  }
0x185: {  	v11 =	vld [tilespmem:s21+$0x30]  }
0x186: {  	v12 =	vld [tilespmem:s21+$0x40]  }
0x187: {  	v13 =	vld [tilespmem:s21+$0x50]  }
0x188: {  	v14 =	vld [tilespmem:s21+$0x60]  }
0x189: {  	v15 =	vld [tilespmem:s21+$0xFFFFFF00]  }
0x18a: {  	v0 =	vld.idx.msk [tilespmem:v0+s31+$0x0], $0xffff  }
0x18b: {  	v1 =	vld.idx.msk [tilespmem:v1+s31+$0x0], $0xffff  }
0x18c: {  	v2 =	vld.idx.msk [tilespmem:v2+s31+$0x0], $0xffff  }
0x18d: {  	v3 =	vld.idx.msk [tilespmem:v3+s31+$0x0], $0xffff  }
0x18e: {  	v4 =	vld.idx.msk [tilespmem:v4+s31+$0x0], $0xffff  }
0x18f: {  	s12 =	simm.s32 $0x1A780;
	v5 =	vld.idx.msk [tilespmem:v5+s31+$0x0], $0xffff  }
0x190: {  	v6 =	vld.idx.msk [tilespmem:v6+s31+$0x0], $0xffff;
	[tilespmem:s12+$0x70] =	vst v0  }
0x191: {  	v7 =	vld.idx.msk [tilespmem:v7+s31+$0x0], $0xffff;
	[tilespmem:s12+$0xFFFFFF90] =	vst v1  }
0x192: {  	v15 =	vld.idx.msk [tilespmem:v15+s31+$0x0], $0xffff;
	[tilespmem:s12+$0xFFFFFFA0] =	vst v2  }
0x193: {  	v8 =	vld.idx.msk [tilespmem:v8+s31+$0x0], $0xffff;
	[tilespmem:s12+$0xFFFFFFB0] =	vst v3  }
0x194: {  	[tilespmem:s12+$0xFFFFFFC0] =	vst v4;
	v0 =	vld.idx.msk [tilespmem:v9+s31+$0x0], $0xffff  }
0x195: {  	[tilespmem:s12+$0xFFFFFFD0] =	vst v5;
	v1 =	vld.idx.msk [tilespmem:v10+s31+$0x0], $0xffff  }
0x196: {  	[tilespmem:s12+$0xFFFFFFE0] =	vst v6;
	v2 =	vld.idx.msk [tilespmem:v11+s31+$0x0], $0xffff  }
0x197: {  	[tilespmem:s12+$0xFFFFFFF0] =	vst v7;
	v3 =	vld.idx.msk [tilespmem:v12+s31+$0x0], $0xffff  }
0x198: {  	[tilespmem:s12+$0xFFFFFF80] =	vst v15;
	v4 =	vld.idx.msk [tilespmem:v13+s31+$0x0], $0xffff  }
0x199: {  	s16 =	simm.s32 $0x0;
	s17 =	simm.s32 $0x300;
	[tilespmem:s12+$0x0] =	vst v8;
	v5 =	vld.idx.msk [tilespmem:v14+s31+$0x0], $0xffff  }
.LBB2_22:
0x19a: {  	v6 =	vld [tilespmem:s17+$0x70];
	s16 =	sadd.s32 $0x10, s16;
	[tilespmem:s12+$0x10] =	vst v0  }
0x19b: {  	v0 =	vld [tilespmem:s17+$0xFFFFFF10];
	p0 =	slt.u32 s16, $0xF0;
	[tilespmem:s12+$0x20] =	vst v1  }
0x19c: {  	v1 =	vld [tilespmem:s17+$0xFFFFFF20];
	[tilespmem:s12+$0x30] =	vst v2  }
0x19d: {  	v2 =	vld [tilespmem:s17+$0xFFFFFF30];
	[tilespmem:s12+$0x40] =	vst v3  }
0x19e: {  	v3 =	vld [tilespmem:s17+$0xFFFFFF40];
	[tilespmem:s12+$0x50] =	vst v4  }
0x19f: {  	v4 =	vld [tilespmem:s17+$0xFFFFFF50];
	[tilespmem:s12+$0x60] =	vst v5  }
0x1a0: {  	v5 =	vld [tilespmem:s17+$0xFFFFFF60]  }
0x1a1: {  	v7 =	vld [tilespmem:s17+$0xFFFFFF70]  }
0x1a2: {  	v6 =	vld.idx.msk [tilespmem:v6+s31+$0x0], $0xffff  }
0x1a3: {  	v8 =	vld [tilespmem:s17+$0x0]  }
0x1a4: {  	v9 =	vld [tilespmem:s17+$0x10]  }
0x1a5: {  	v10 =	vld [tilespmem:s17+$0x20]  }
0x1a6: {  	v11 =	vld [tilespmem:s17+$0x30]  }
0x1a7: {  	s12 =	sadd.s32 $0x100, s12;
	v12 =	vld [tilespmem:s17+$0x40]  }
0x1a8: {  	v13 =	vld [tilespmem:s17+$0x50];
	[tilespmem:s12+$0x70] =	vst v6  }
0x1a9: {  	v6 =	vld [tilespmem:s17+$0x60]  }
0x1aa: {  	v14 =	vld [tilespmem:s17+$0xFFFFFF00]  }
0x1ab: {  	v0 =	vld.idx.msk [tilespmem:v0+s31+$0x0], $0xffff  }
0x1ac: {  	v1 =	vld.idx.msk [tilespmem:v1+s31+$0x0], $0xffff  }
0x1ad: {  	v2 =	vld.idx.msk [tilespmem:v2+s31+$0x0], $0xffff  }
0x1ae: {  	v3 =	vld.idx.msk [tilespmem:v3+s31+$0x0], $0xffff  }
0x1af: {  	v4 =	vld.idx.msk [tilespmem:v4+s31+$0x0], $0xffff  }
0x1b0: {  	v5 =	vld.idx.msk [tilespmem:v5+s31+$0x0], $0xffff  }
0x1b1: {  	[tilespmem:s12+$0xFFFFFF90] =	vst v0;
	v7 =	vld.idx.msk [tilespmem:v7+s31+$0x0], $0xffff  }
0x1b2: {  	v14 =	vld.idx.msk [tilespmem:v14+s31+$0x0], $0xffff;
	[tilespmem:s12+$0xFFFFFFA0] =	vst v1  }
0x1b3: {  	[tilespmem:s12+$0xFFFFFFB0] =	vst v2;
	v8 =	vld.idx.msk [tilespmem:v8+s31+$0x0], $0xffff  }
0x1b4: {  	[tilespmem:s12+$0xFFFFFFC0] =	vst v3;
	v0 =	vld.idx.msk [tilespmem:v9+s31+$0x0], $0xffff  }
.Ltmp10:
0x1b5: {  	[tilespmem:s12+$0xFFFFFFD0] =	vst v4;
	v1 =	vld.idx.msk [tilespmem:v10+s31+$0x0], $0xffff;
	(pc) =	sbr.rel @p0 .LBB2_22-.Ltmp10, $4  }
0x1b6: {  	[tilespmem:s12+$0xFFFFFFE0] =	vst v5;
	v2 =	vld.idx.msk [tilespmem:v11+s31+$0x0], $0xffff  }
0x1b7: {  	[tilespmem:s12+$0xFFFFFFF0] =	vst v7;
	v3 =	vld.idx.msk [tilespmem:v12+s31+$0x0], $0xffff  }
0x1b8: {  	[tilespmem:s12+$0xFFFFFF80] =	vst v14;
	v4 =	vld.idx.msk [tilespmem:v13+s31+$0x0], $0xffff  }
0x1b9: {  	s17 =	sadd.s32 $0x200, s17;
	[tilespmem:s12+$0x0] =	vst v8;
	v5 =	vld.idx.msk [tilespmem:v6+s31+$0x0], $0xffff  }
0x1ba: {  	[tilespmem:s12+$0x10] =	vst v0  }
0x1bb: {  	[tilespmem:s12+$0x20] =	vst v1  }
0x1bc: {  	[tilespmem:s12+$0x30] =	vst v2  }
0x1bd: {  	[tilespmem:s12+$0x40] =	vst v3  }
0x1be: {  	s16 =	simm.s32 $0x0;
	[tilespmem:s12+$0x50] =	vst v4  }
0x1bf: {  	s21 =	sadd.s32 $0x0, s14;
	s17 =	simm.s32 $0x100;
	[tilespmem:s12+$0x60] =	vst v5;
	s12 =	simm.s32 $0x10  }
.LBB2_24:
0x1c0: {  	[tilespmem:s16], [sflag:$0x1] =	stream.linear.gather [hbm4b:s21+s6], $0x80, $0x38;
	[tilespmem:$0x1E700] =	vst v63  }
0x1c1: {  	s21 =	smov.u32 s12;
	s16 =	smov.u32 s17;
	p0 =	sne.s32 s12, $0x1F0  }
.Ltmp11:
0x1c2: {  	s12 =	sadd.s32 $0x10, s12;
	(pc) =	sbr.rel @p0 .LBB2_24-.Ltmp11, $2  }
0x1c3: {  	_ =	sdelay $0x2  }
0x1c4: {  	s17 =	sadd.s32 $0x100, s17;
	s21 =	sadd.s32 s21, s14  }
0x1c5: {  	[tilespmem:s16], [sflag:$0x1] =	stream.linear.gather [hbm4b:s21+s6], $0x80, $0x38;
	[tilespmem:$0x1E700] =	vst v63  }
0x1c6: {  	_ =	swait.ge [sflag:s0], $0x1000  }
0x1c7: {  	[sflag:s0] =	ssyncset.done $0x0  }
0x1c8: {  	s12 =	simm.s32 $0x180;
	[sflag:s0] =	ssyncadd.s32 $0xFFFFF000  }
0x1c9: {  	v0 =	vld [tilespmem:s12+$0x70]  }
0x1ca: {  	v1 =	vld [tilespmem:s12+$0xFFFFFF10]  }
0x1cb: {  	v2 =	vld [tilespmem:s12+$0xFFFFFF20]  }
0x1cc: {  	v3 =	vld [tilespmem:s12+$0xFFFFFF30]  }
0x1cd: {  	v4 =	vld [tilespmem:s12+$0xFFFFFF40]  }
0x1ce: {  	v5 =	vld [tilespmem:s12+$0xFFFFFF50]  }
0x1cf: {  	v6 =	vld [tilespmem:s12+$0xFFFFFF60]  }
0x1d0: {  	v7 =	vld [tilespmem:s12+$0xFFFFFF70]  }
0x1d1: {  	v8 =	vld [tilespmem:s12+$0x0]  }
0x1d2: {  	v9 =	vld [tilespmem:s12+$0x10]  }
0x1d3: {  	v10 =	vld [tilespmem:s12+$0x20]  }
0x1d4: {  	v11 =	vld [tilespmem:s12+$0x30]  }
0x1d5: {  	v12 =	vld [tilespmem:s12+$0x40]  }
0x1d6: {  	v13 =	vld [tilespmem:s12+$0x50]  }
0x1d7: {  	v14 =	vld [tilespmem:s12+$0x60]  }
0x1d8: {  	v15 =	vld [tilespmem:s12+$0xFFFFFF00]  }
0x1d9: {  	v0 =	vld.idx.msk [tilespmem:v0+s31+$0x0], $0xffff  }
0x1da: {  	v1 =	vld.idx.msk [tilespmem:v1+s31+$0x0], $0xffff  }
0x1db: {  	v2 =	vld.idx.msk [tilespmem:v2+s31+$0x0], $0xffff  }
0x1dc: {  	v3 =	vld.idx.msk [tilespmem:v3+s31+$0x0], $0xffff  }
0x1dd: {  	v4 =	vld.idx.msk [tilespmem:v4+s31+$0x0], $0xffff  }
0x1de: {  	s12 =	simm.s32 $0x1B7F0;
	v5 =	vld.idx.msk [tilespmem:v5+s31+$0x0], $0xffff  }
0x1df: {  	v6 =	vld.idx.msk [tilespmem:v6+s31+$0x0], $0xffff;
	[tilespmem:s12+$0x0] =	vst v0  }
0x1e0: {  	v7 =	vld.idx.msk [tilespmem:v7+s31+$0x0], $0xffff;
	[tilespmem:s12+$0xFFFFFF20] =	vst v1  }
0x1e1: {  	v15 =	vld.idx.msk [tilespmem:v15+s31+$0x0], $0xffff;
	[tilespmem:s12+$0xFFFFFF30] =	vst v2  }
0x1e2: {  	v8 =	vld.idx.msk [tilespmem:v8+s31+$0x0], $0xffff;
	[tilespmem:s12+$0xFFFFFF40] =	vst v3  }
0x1e3: {  	[tilespmem:s12+$0xFFFFFF50] =	vst v4;
	v0 =	vld.idx.msk [tilespmem:v9+s31+$0x0], $0xffff  }
0x1e4: {  	[tilespmem:s12+$0xFFFFFF60] =	vst v5;
	v1 =	vld.idx.msk [tilespmem:v10+s31+$0x0], $0xffff  }
0x1e5: {  	[tilespmem:s12+$0xFFFFFF70] =	vst v6;
	v2 =	vld.idx.msk [tilespmem:v11+s31+$0x0], $0xffff  }
0x1e6: {  	[tilespmem:s12+$0xFFFFFF80] =	vst v7;
	v3 =	vld.idx.msk [tilespmem:v12+s31+$0x0], $0xffff  }
0x1e7: {  	[tilespmem:s12+$0xFFFFFF10] =	vst v15;
	v4 =	vld.idx.msk [tilespmem:v13+s31+$0x0], $0xffff  }
0x1e8: {  	s16 =	simm.s32 $0x0;
	s17 =	simm.s32 $0x380;
	[tilespmem:s12+$0xFFFFFF90] =	vst v8;
	v5 =	vld.idx.msk [tilespmem:v14+s31+$0x0], $0xffff  }
.LBB2_26:
0x1e9: {  	v6 =	vld [tilespmem:s17+$0x70];
	s16 =	sadd.s32 $0x10, s16;
	[tilespmem:s12+$0xFFFFFFA0] =	vst v0  }
0x1ea: {  	v0 =	vld [tilespmem:s17+$0xFFFFFF10];
	p0 =	slt.u32 s16, $0xF0;
	[tilespmem:s12+$0xFFFFFFB0] =	vst v1  }
0x1eb: {  	v1 =	vld [tilespmem:s17+$0xFFFFFF20];
	[tilespmem:s12+$0xFFFFFFC0] =	vst v2  }
0x1ec: {  	v2 =	vld [tilespmem:s17+$0xFFFFFF30];
	[tilespmem:s12+$0xFFFFFFD0] =	vst v3  }
0x1ed: {  	v3 =	vld [tilespmem:s17+$0xFFFFFF40];
	[tilespmem:s12+$0xFFFFFFE0] =	vst v4  }
0x1ee: {  	v4 =	vld [tilespmem:s17+$0xFFFFFF50];
	[tilespmem:s12+$0xFFFFFFF0] =	vst v5  }
0x1ef: {  	v5 =	vld [tilespmem:s17+$0xFFFFFF60]  }
0x1f0: {  	v7 =	vld [tilespmem:s17+$0xFFFFFF70]  }
0x1f1: {  	v6 =	vld.idx.msk [tilespmem:v6+s31+$0x0], $0xffff  }
0x1f2: {  	v8 =	vld [tilespmem:s17+$0x0]  }
0x1f3: {  	v9 =	vld [tilespmem:s17+$0x10]  }
0x1f4: {  	v10 =	vld [tilespmem:s17+$0x20]  }
0x1f5: {  	v11 =	vld [tilespmem:s17+$0x30]  }
0x1f6: {  	s12 =	sadd.s32 $0x100, s12;
	v12 =	vld [tilespmem:s17+$0x40]  }
0x1f7: {  	v13 =	vld [tilespmem:s17+$0x50];
	[tilespmem:s12+$0x0] =	vst v6  }
0x1f8: {  	v6 =	vld [tilespmem:s17+$0x60]  }
0x1f9: {  	v14 =	vld [tilespmem:s17+$0xFFFFFF00]  }
0x1fa: {  	v0 =	vld.idx.msk [tilespmem:v0+s31+$0x0], $0xffff  }
0x1fb: {  	v1 =	vld.idx.msk [tilespmem:v1+s31+$0x0], $0xffff  }
0x1fc: {  	v2 =	vld.idx.msk [tilespmem:v2+s31+$0x0], $0xffff  }
0x1fd: {  	v3 =	vld.idx.msk [tilespmem:v3+s31+$0x0], $0xffff  }
0x1fe: {  	v4 =	vld.idx.msk [tilespmem:v4+s31+$0x0], $0xffff  }
0x1ff: {  	v5 =	vld.idx.msk [tilespmem:v5+s31+$0x0], $0xffff  }
0x200: {  	[tilespmem:s12+$0xFFFFFF20] =	vst v0;
	v7 =	vld.idx.msk [tilespmem:v7+s31+$0x0], $0xffff  }
0x201: {  	v14 =	vld.idx.msk [tilespmem:v14+s31+$0x0], $0xffff;
	[tilespmem:s12+$0xFFFFFF30] =	vst v1  }
0x202: {  	[tilespmem:s12+$0xFFFFFF40] =	vst v2;
	v8 =	vld.idx.msk [tilespmem:v8+s31+$0x0], $0xffff  }
0x203: {  	[tilespmem:s12+$0xFFFFFF50] =	vst v3;
	v0 =	vld.idx.msk [tilespmem:v9+s31+$0x0], $0xffff  }
.Ltmp12:
0x204: {  	[tilespmem:s12+$0xFFFFFF60] =	vst v4;
	v1 =	vld.idx.msk [tilespmem:v10+s31+$0x0], $0xffff;
	(pc) =	sbr.rel @p0 .LBB2_26-.Ltmp12, $4  }
0x205: {  	[tilespmem:s12+$0xFFFFFF70] =	vst v5;
	v2 =	vld.idx.msk [tilespmem:v11+s31+$0x0], $0xffff  }
0x206: {  	[tilespmem:s12+$0xFFFFFF80] =	vst v7;
	v3 =	vld.idx.msk [tilespmem:v12+s31+$0x0], $0xffff  }
0x207: {  	[tilespmem:s12+$0xFFFFFF10] =	vst v14;
	v4 =	vld.idx.msk [tilespmem:v13+s31+$0x0], $0xffff  }
0x208: {  	s17 =	sadd.s32 $0x200, s17;
	[tilespmem:s12+$0xFFFFFF90] =	vst v8;
	v5 =	vld.idx.msk [tilespmem:v6+s31+$0x0], $0xffff  }
0x209: {  	[tilespmem:s12+$0xFFFFFFA0] =	vst v0  }
0x20a: {  	[tilespmem:s12+$0xFFFFFFB0] =	vst v1  }
0x20b: {  	[tilespmem:s12+$0xFFFFFFC0] =	vst v2  }
0x20c: {  	[tilespmem:s12+$0xFFFFFFD0] =	vst v3  }
0x20d: {  	s16 =	simm.s32 $0x80;
	[tilespmem:s12+$0xFFFFFFE0] =	vst v4  }
0x20e: {  	s21 =	sadd.s32 $0x0, s15;
	s17 =	simm.s32 $0x180;
	[tilespmem:s12+$0xFFFFFFF0] =	vst v5;
	s12 =	simm.s32 $0x10  }
.LBB2_28:
0x20f: {  	[tilespmem:s16], [sflag:$0x1] =	stream.linear.gather [hbm4b:s21+s6], $0x80, $0x38;
	[tilespmem:$0x1E700] =	vst v63  }
0x210: {  	s21 =	smov.u32 s12;
	s16 =	smov.u32 s17;
	p0 =	sne.s32 s12, $0x1F0  }
.Ltmp13:
0x211: {  	s12 =	sadd.s32 $0x10, s12;
	(pc) =	sbr.rel @p0 .LBB2_28-.Ltmp13, $2  }
0x212: {  	_ =	sdelay $0x2  }
0x213: {  	s17 =	sadd.s32 $0x100, s17;
	s21 =	sadd.s32 s21, s15  }
0x214: {  	[tilespmem:s16], [sflag:$0x1] =	stream.linear.gather [hbm4b:s21+s6], $0x80, $0x38;
	[tilespmem:$0x1E700] =	vst v63  }
0x215: {  	_ =	swait.ge [sflag:s0], $0x1000  }
0x216: {  	[sflag:s0] =	ssyncset.done $0x0  }
0x217: {  	s12 =	simm.s32 $0x100;
	[sflag:s0] =	ssyncadd.s32 $0xFFFFF000  }
0x218: {  	v0 =	vld [tilespmem:s12+$0x70]  }
0x219: {  	v1 =	vld [tilespmem:s12+$0xFFFFFF10]  }
0x21a: {  	v2 =	vld [tilespmem:s12+$0xFFFFFF20]  }
0x21b: {  	v3 =	vld [tilespmem:s12+$0xFFFFFF30]  }
0x21c: {  	v4 =	vld [tilespmem:s12+$0xFFFFFF40]  }
0x21d: {  	v5 =	vld [tilespmem:s12+$0xFFFFFF50]  }
0x21e: {  	v6 =	vld [tilespmem:s12+$0xFFFFFF60]  }
0x21f: {  	v7 =	vld [tilespmem:s12+$0xFFFFFF70]  }
0x220: {  	v8 =	vld [tilespmem:s12+$0x0]  }
0x221: {  	v9 =	vld [tilespmem:s12+$0x10]  }
0x222: {  	v10 =	vld [tilespmem:s12+$0x20]  }
0x223: {  	v11 =	vld [tilespmem:s12+$0x30]  }
0x224: {  	v12 =	vld [tilespmem:s12+$0x40]  }
0x225: {  	v13 =	vld [tilespmem:s12+$0x50]  }
0x226: {  	v14 =	vld [tilespmem:s12+$0x60]  }
0x227: {  	v15 =	vld [tilespmem:s12+$0xFFFFFF00]  }
0x228: {  	v0 =	vld.idx.msk [tilespmem:v0+s31+$0x0], $0xffff  }
0x229: {  	v1 =	vld.idx.msk [tilespmem:v1+s31+$0x0], $0xffff  }
0x22a: {  	v2 =	vld.idx.msk [tilespmem:v2+s31+$0x0], $0xffff  }
0x22b: {  	v3 =	vld.idx.msk [tilespmem:v3+s31+$0x0], $0xffff  }
0x22c: {  	v4 =	vld.idx.msk [tilespmem:v4+s31+$0x0], $0xffff  }
0x22d: {  	s12 =	simm.s32 $0x1C7F0;
	v5 =	vld.idx.msk [tilespmem:v5+s31+$0x0], $0xffff  }
0x22e: {  	v6 =	vld.idx.msk [tilespmem:v6+s31+$0x0], $0xffff;
	[tilespmem:s12+$0x0] =	vst v0  }
0x22f: {  	v7 =	vld.idx.msk [tilespmem:v7+s31+$0x0], $0xffff;
	[tilespmem:s12+$0xFFFFFF20] =	vst v1  }
0x230: {  	v15 =	vld.idx.msk [tilespmem:v15+s31+$0x0], $0xffff;
	[tilespmem:s12+$0xFFFFFF30] =	vst v2  }
0x231: {  	v8 =	vld.idx.msk [tilespmem:v8+s31+$0x0], $0xffff;
	[tilespmem:s12+$0xFFFFFF40] =	vst v3  }
0x232: {  	[tilespmem:s12+$0xFFFFFF50] =	vst v4;
	v0 =	vld.idx.msk [tilespmem:v9+s31+$0x0], $0xffff  }
0x233: {  	[tilespmem:s12+$0xFFFFFF60] =	vst v5;
	v1 =	vld.idx.msk [tilespmem:v10+s31+$0x0], $0xffff  }
0x234: {  	[tilespmem:s12+$0xFFFFFF70] =	vst v6;
	v2 =	vld.idx.msk [tilespmem:v11+s31+$0x0], $0xffff  }
0x235: {  	[tilespmem:s12+$0xFFFFFF80] =	vst v7;
	v3 =	vld.idx.msk [tilespmem:v12+s31+$0x0], $0xffff  }
0x236: {  	[tilespmem:s12+$0xFFFFFF10] =	vst v15;
	v4 =	vld.idx.msk [tilespmem:v13+s31+$0x0], $0xffff  }
0x237: {  	s16 =	simm.s32 $0x0;
	s17 =	simm.s32 $0x300;
	[tilespmem:s12+$0xFFFFFF90] =	vst v8;
	v5 =	vld.idx.msk [tilespmem:v14+s31+$0x0], $0xffff  }
.LBB2_30:
0x238: {  	v6 =	vld [tilespmem:s17+$0x70];
	s16 =	sadd.s32 $0x10, s16;
	[tilespmem:s12+$0xFFFFFFA0] =	vst v0  }
0x239: {  	v0 =	vld [tilespmem:s17+$0xFFFFFF10];
	p0 =	slt.u32 s16, $0xF0;
	[tilespmem:s12+$0xFFFFFFB0] =	vst v1  }
0x23a: {  	v1 =	vld [tilespmem:s17+$0xFFFFFF20];
	[tilespmem:s12+$0xFFFFFFC0] =	vst v2  }
0x23b: {  	v2 =	vld [tilespmem:s17+$0xFFFFFF30];
	[tilespmem:s12+$0xFFFFFFD0] =	vst v3  }
0x23c: {  	v3 =	vld [tilespmem:s17+$0xFFFFFF40];
	[tilespmem:s12+$0xFFFFFFE0] =	vst v4  }
0x23d: {  	v4 =	vld [tilespmem:s17+$0xFFFFFF50];
	[tilespmem:s12+$0xFFFFFFF0] =	vst v5  }
0x23e: {  	v5 =	vld [tilespmem:s17+$0xFFFFFF60]  }
0x23f: {  	v7 =	vld [tilespmem:s17+$0xFFFFFF70]  }
0x240: {  	v6 =	vld.idx.msk [tilespmem:v6+s31+$0x0], $0xffff  }
0x241: {  	v8 =	vld [tilespmem:s17+$0x0]  }
0x242: {  	v9 =	vld [tilespmem:s17+$0x10]  }
0x243: {  	v10 =	vld [tilespmem:s17+$0x20]  }
0x244: {  	v11 =	vld [tilespmem:s17+$0x30]  }
0x245: {  	s12 =	sadd.s32 $0x100, s12;
	v12 =	vld [tilespmem:s17+$0x40]  }
0x246: {  	v13 =	vld [tilespmem:s17+$0x50];
	[tilespmem:s12+$0x0] =	vst v6  }
0x247: {  	v6 =	vld [tilespmem:s17+$0x60]  }
0x248: {  	v14 =	vld [tilespmem:s17+$0xFFFFFF00]  }
0x249: {  	v0 =	vld.idx.msk [tilespmem:v0+s31+$0x0], $0xffff  }
0x24a: {  	v1 =	vld.idx.msk [tilespmem:v1+s31+$0x0], $0xffff  }
0x24b: {  	v2 =	vld.idx.msk [tilespmem:v2+s31+$0x0], $0xffff  }
0x24c: {  	v3 =	vld.idx.msk [tilespmem:v3+s31+$0x0], $0xffff  }
0x24d: {  	v4 =	vld.idx.msk [tilespmem:v4+s31+$0x0], $0xffff  }
0x24e: {  	v5 =	vld.idx.msk [tilespmem:v5+s31+$0x0], $0xffff  }
0x24f: {  	[tilespmem:s12+$0xFFFFFF20] =	vst v0;
	v7 =	vld.idx.msk [tilespmem:v7+s31+$0x0], $0xffff  }
0x250: {  	v14 =	vld.idx.msk [tilespmem:v14+s31+$0x0], $0xffff;
	[tilespmem:s12+$0xFFFFFF30] =	vst v1  }
0x251: {  	[tilespmem:s12+$0xFFFFFF40] =	vst v2;
	v8 =	vld.idx.msk [tilespmem:v8+s31+$0x0], $0xffff  }
0x252: {  	[tilespmem:s12+$0xFFFFFF50] =	vst v3;
	v0 =	vld.idx.msk [tilespmem:v9+s31+$0x0], $0xffff  }
.Ltmp14:
0x253: {  	[tilespmem:s12+$0xFFFFFF60] =	vst v4;
	v1 =	vld.idx.msk [tilespmem:v10+s31+$0x0], $0xffff;
	(pc) =	sbr.rel @p0 .LBB2_30-.Ltmp14, $4  }
0x254: {  	[tilespmem:s12+$0xFFFFFF70] =	vst v5;
	v2 =	vld.idx.msk [tilespmem:v11+s31+$0x0], $0xffff  }
0x255: {  	[tilespmem:s12+$0xFFFFFF80] =	vst v7;
	v3 =	vld.idx.msk [tilespmem:v12+s31+$0x0], $0xffff  }
0x256: {  	[tilespmem:s12+$0xFFFFFF10] =	vst v14;
	v4 =	vld.idx.msk [tilespmem:v13+s31+$0x0], $0xffff  }
0x257: {  	s17 =	sadd.s32 $0x200, s17;
	[tilespmem:s12+$0xFFFFFF90] =	vst v8;
	v5 =	vld.idx.msk [tilespmem:v6+s31+$0x0], $0xffff  }
0x258: {  	[tilespmem:s12+$0xFFFFFFA0] =	vst v0  }
0x259: {  	[tilespmem:s12+$0xFFFFFFB0] =	vst v1  }
0x25a: {  	[tilespmem:s12+$0xFFFFFFC0] =	vst v2  }
0x25b: {  	[tilespmem:s12+$0xFFFFFFD0] =	vst v3  }
0x25c: {  	[tilespmem:s12+$0xFFFFFFE0] =	vst v4  }
0x25d: {  	[tilespmem:s12+$0xFFFFFFF0] =	vst v5  }
0x25e: {  	_ =	swait.ge [sflag:s0], $0x1000  }
0x25f: {  	[sflag:s0] =	ssyncset.done $0x0  }
0x260: {  	s21 =	simm.s32 $0x180;
	[sflag:s0] =	ssyncadd.s32 $0xFFFFF000  }
0x261: {  	v0 =	vld [tilespmem:s21+$0x70]  }
0x262: {  	v1 =	vld [tilespmem:s21+$0xFFFFFF10]  }
0x263: {  	v2 =	vld [tilespmem:s21+$0xFFFFFF20]  }
0x264: {  	v3 =	vld [tilespmem:s21+$0xFFFFFF30]  }
0x265: {  	v4 =	vld [tilespmem:s21+$0xFFFFFF40]  }
0x266: {  	v5 =	vld [tilespmem:s21+$0xFFFFFF50]  }
0x267: {  	v6 =	vld [tilespmem:s21+$0xFFFFFF60]  }
0x268: {  	v7 =	vld [tilespmem:s21+$0xFFFFFF70]  }
0x269: {  	v8 =	vld [tilespmem:s21+$0x0]  }
0x26a: {  	v9 =	vld [tilespmem:s21+$0x10]  }
0x26b: {  	v10 =	vld [tilespmem:s21+$0x20]  }
0x26c: {  	v11 =	vld [tilespmem:s21+$0x30]  }
0x26d: {  	v12 =	vld [tilespmem:s21+$0x40]  }
0x26e: {  	v13 =	vld [tilespmem:s21+$0x50]  }
0x26f: {  	v14 =	vld [tilespmem:s21+$0x60]  }
0x270: {  	v15 =	vld [tilespmem:s21+$0xFFFFFF00]  }
0x271: {  	v0 =	vld.idx.msk [tilespmem:v0+s31+$0x0], $0xffff  }
0x272: {  	v1 =	vld.idx.msk [tilespmem:v1+s31+$0x0], $0xffff  }
0x273: {  	v2 =	vld.idx.msk [tilespmem:v2+s31+$0x0], $0xffff  }
0x274: {  	v3 =	vld.idx.msk [tilespmem:v3+s31+$0x0], $0xffff  }
0x275: {  	v4 =	vld.idx.msk [tilespmem:v4+s31+$0x0], $0xffff  }
0x276: {  	s12 =	simm.s32 $0x1D7F0;
	v5 =	vld.idx.msk [tilespmem:v5+s31+$0x0], $0xffff  }
0x277: {  	v6 =	vld.idx.msk [tilespmem:v6+s31+$0x0], $0xffff;
	[tilespmem:s12+$0x0] =	vst v0  }
0x278: {  	v7 =	vld.idx.msk [tilespmem:v7+s31+$0x0], $0xffff;
	[tilespmem:s12+$0xFFFFFF20] =	vst v1  }
0x279: {  	v15 =	vld.idx.msk [tilespmem:v15+s31+$0x0], $0xffff;
	[tilespmem:s12+$0xFFFFFF30] =	vst v2  }
0x27a: {  	v8 =	vld.idx.msk [tilespmem:v8+s31+$0x0], $0xffff;
	[tilespmem:s12+$0xFFFFFF40] =	vst v3  }
0x27b: {  	[tilespmem:s12+$0xFFFFFF50] =	vst v4;
	v0 =	vld.idx.msk [tilespmem:v9+s31+$0x0], $0xffff  }
0x27c: {  	[tilespmem:s12+$0xFFFFFF60] =	vst v5;
	v1 =	vld.idx.msk [tilespmem:v10+s31+$0x0], $0xffff  }
0x27d: {  	[tilespmem:s12+$0xFFFFFF70] =	vst v6;
	v2 =	vld.idx.msk [tilespmem:v11+s31+$0x0], $0xffff  }
0x27e: {  	[tilespmem:s12+$0xFFFFFF80] =	vst v7;
	v3 =	vld.idx.msk [tilespmem:v12+s31+$0x0], $0xffff  }
0x27f: {  	[tilespmem:s12+$0xFFFFFF10] =	vst v15;
	v4 =	vld.idx.msk [tilespmem:v13+s31+$0x0], $0xffff  }
0x280: {  	s16 =	simm.s32 $0x0;
	s17 =	simm.s32 $0x380;
	[tilespmem:s12+$0xFFFFFF90] =	vst v8;
	v5 =	vld.idx.msk [tilespmem:v14+s31+$0x0], $0xffff  }
.LBB2_32:
0x281: {  	v6 =	vld [tilespmem:s17+$0x70];
	s16 =	sadd.s32 $0x10, s16;
	[tilespmem:s12+$0xFFFFFFA0] =	vst v0  }
0x282: {  	v0 =	vld [tilespmem:s17+$0xFFFFFF10];
	p0 =	slt.u32 s16, $0xF0;
	[tilespmem:s12+$0xFFFFFFB0] =	vst v1  }
0x283: {  	v1 =	vld [tilespmem:s17+$0xFFFFFF20];
	[tilespmem:s12+$0xFFFFFFC0] =	vst v2  }
0x284: {  	v2 =	vld [tilespmem:s17+$0xFFFFFF30];
	[tilespmem:s12+$0xFFFFFFD0] =	vst v3  }
0x285: {  	v3 =	vld [tilespmem:s17+$0xFFFFFF40];
	[tilespmem:s12+$0xFFFFFFE0] =	vst v4  }
0x286: {  	v4 =	vld [tilespmem:s17+$0xFFFFFF50];
	[tilespmem:s12+$0xFFFFFFF0] =	vst v5  }
0x287: {  	v5 =	vld [tilespmem:s17+$0xFFFFFF60]  }
0x288: {  	v7 =	vld [tilespmem:s17+$0xFFFFFF70]  }
0x289: {  	v6 =	vld.idx.msk [tilespmem:v6+s31+$0x0], $0xffff  }
0x28a: {  	v8 =	vld [tilespmem:s17+$0x0]  }
0x28b: {  	v9 =	vld [tilespmem:s17+$0x10]  }
0x28c: {  	v10 =	vld [tilespmem:s17+$0x20]  }
0x28d: {  	v11 =	vld [tilespmem:s17+$0x30]  }
0x28e: {  	s12 =	sadd.s32 $0x100, s12;
	v12 =	vld [tilespmem:s17+$0x40]  }
0x28f: {  	v13 =	vld [tilespmem:s17+$0x50];
	[tilespmem:s12+$0x0] =	vst v6  }
0x290: {  	v6 =	vld [tilespmem:s17+$0x60]  }
0x291: {  	v14 =	vld [tilespmem:s17+$0xFFFFFF00]  }
0x292: {  	v0 =	vld.idx.msk [tilespmem:v0+s31+$0x0], $0xffff  }
0x293: {  	v1 =	vld.idx.msk [tilespmem:v1+s31+$0x0], $0xffff  }
0x294: {  	v2 =	vld.idx.msk [tilespmem:v2+s31+$0x0], $0xffff  }
0x295: {  	v3 =	vld.idx.msk [tilespmem:v3+s31+$0x0], $0xffff  }
0x296: {  	v4 =	vld.idx.msk [tilespmem:v4+s31+$0x0], $0xffff  }
0x297: {  	v5 =	vld.idx.msk [tilespmem:v5+s31+$0x0], $0xffff  }
0x298: {  	[tilespmem:s12+$0xFFFFFF20] =	vst v0;
	v7 =	vld.idx.msk [tilespmem:v7+s31+$0x0], $0xffff  }
0x299: {  	v14 =	vld.idx.msk [tilespmem:v14+s31+$0x0], $0xffff;
	[tilespmem:s12+$0xFFFFFF30] =	vst v1  }
0x29a: {  	[tilespmem:s12+$0xFFFFFF40] =	vst v2;
	v8 =	vld.idx.msk [tilespmem:v8+s31+$0x0], $0xffff  }
0x29b: {  	[tilespmem:s12+$0xFFFFFF50] =	vst v3;
	v0 =	vld.idx.msk [tilespmem:v9+s31+$0x0], $0xffff  }
.Ltmp15:
0x29c: {  	[tilespmem:s12+$0xFFFFFF60] =	vst v4;
	v1 =	vld.idx.msk [tilespmem:v10+s31+$0x0], $0xffff;
	(pc) =	sbr.rel @p0 .LBB2_32-.Ltmp15, $4  }
0x29d: {  	[tilespmem:s12+$0xFFFFFF70] =	vst v5;
	v2 =	vld.idx.msk [tilespmem:v11+s31+$0x0], $0xffff  }
0x29e: {  	[tilespmem:s12+$0xFFFFFF80] =	vst v7;
	v3 =	vld.idx.msk [tilespmem:v12+s31+$0x0], $0xffff  }
0x29f: {  	[tilespmem:s12+$0xFFFFFF10] =	vst v14;
	v4 =	vld.idx.msk [tilespmem:v13+s31+$0x0], $0xffff  }
0x2a0: {  	s17 =	sadd.s32 $0x200, s17;
	[tilespmem:s12+$0xFFFFFF90] =	vst v8;
	v5 =	vld.idx.msk [tilespmem:v6+s31+$0x0], $0xffff  }
0x2a1: {  	[tilespmem:s12+$0xFFFFFFA0] =	vst v0  }
0x2a2: {  	[tilespmem:s12+$0xFFFFFFB0] =	vst v1  }
0x2a3: {  	[tilespmem:s12+$0xFFFFFFC0] =	vst v2  }
0x2a4: {  	[tilespmem:s12+$0xFFFFFFD0] =	vst v3  }
0x2a5: {  	[tilespmem:s12+$0xFFFFFFE0] =	vst v4  }
0x2a6: {  	[tilespmem:s12+$0xFFFFFFF0] =	vst v5  }
0x2a7: {  	s12 =	rddreg [dreg:$0xd]  }
0x2a8: {  	[hbm4b:s12+s29] =	stream.strided.scatter [tilespmem:s4], [sflag:$0x2], $0x4000, s30, s29, $0x38;
	[tilespmem:$0x1E700] =	vst v63  }
0x2a9: {  	s16 =	simm.s32 $0x10;
	s21 =	rddreg [dreg:$0xe]  }
0x2aa: {  	[tilespmem:s31], [sflag:$0x1] =	stream.strided.gather [hbm4b:s21+s29], $0x18700, s30, s29, $0x38;
	[tilespmem:$0x1E700] =	vst v63  }
0x2ab: {  	s17 =	simm.s32 $0x100;
	s12 =	simm.s32 $0x0;
	s21 =	sadd.s32 $0x0, s3  }
.LBB2_34:
0x2ac: {  	[tilespmem:s12], [sflag:$0x1] =	stream.linear.gather [hbm4b:s21+s6], $0x80, $0x38;
	[tilespmem:$0x1E700] =	vst v63  }
0x2ad: {  	s21 =	smov.u32 s16;
	s12 =	smov.u32 s17;
	p0 =	sne.s32 s16, $0x1F0  }
.Ltmp16:
0x2ae: {  	s16 =	sadd.s32 $0x10, s16;
	(pc) =	sbr.rel @p0 .LBB2_34-.Ltmp16, $2  }
0x2af: {  	_ =	sdelay $0x2  }
0x2b0: {  	s17 =	sadd.s32 $0x100, s17;
	s21 =	sadd.s32 s21, s3  }
0x2b1: {  	[tilespmem:s12], [sflag:$0x1] =	stream.linear.gather [hbm4b:s21+s6], $0x80, $0x38;
	[tilespmem:$0x1E700] =	vst v63  }
0x2b2: {  	_ =	swait.ge [sflag:s0], $0x18700  }
0x2b3: {  	[sflag:s0] =	ssyncset.done $0x0  }
0x2b4: {  	[sflag:s0] =	ssyncadd.s32 $0xFFFE7900  }
0x2b5: {  	_ =	swait.ge [sflag:s7], $0x4000  }
0x2b6: {  	s12 =	simm.s32 $0x80;
	s16 =	simm.s32 $0x10;
	[sflag:s7] =	ssyncset.done $0x0  }
0x2b7: {  	s21 =	sadd.s32 $0x0, s18;
	s17 =	simm.s32 $0x180;
	[sflag:s7] =	ssyncadd.s32 $0xFFFFC000  }
.LBB2_36:
0x2b8: {  	[tilespmem:s12], [sflag:$0x1] =	stream.linear.gather [hbm4b:s21+s6], $0x80, $0x38;
	[tilespmem:$0x1E700] =	vst v63  }
0x2b9: {  	s21 =	smov.u32 s16;
	s12 =	smov.u32 s17;
	p0 =	sne.s32 s16, $0x1F0  }
.Ltmp17:
0x2ba: {  	s16 =	sadd.s32 $0x10, s16;
	(pc) =	sbr.rel @p0 .LBB2_36-.Ltmp17, $2  }
0x2bb: {  	_ =	sdelay $0x2  }
0x2bc: {  	s17 =	sadd.s32 $0x100, s17;
	s21 =	sadd.s32 s21, s18  }
0x2bd: {  	[tilespmem:s12], [sflag:$0x1] =	stream.linear.gather [hbm4b:s21+s6], $0x80, $0x38;
	[tilespmem:$0x1E700] =	vst v63  }
0x2be: {  	_ =	swait.ge [sflag:s0], $0x1000  }
0x2bf: {  	[sflag:s0] =	ssyncset.done $0x0  }
0x2c0: {  	s21 =	simm.s32 $0x100;
	[sflag:s0] =	ssyncadd.s32 $0xFFFFF000  }
0x2c1: {  	v0 =	vld [tilespmem:s21+$0x70]  }
0x2c2: {  	v1 =	vld [tilespmem:s21+$0xFFFFFF10]  }
0x2c3: {  	v2 =	vld [tilespmem:s21+$0xFFFFFF20]  }
0x2c4: {  	v3 =	vld [tilespmem:s21+$0xFFFFFF30]  }
0x2c5: {  	v4 =	vld [tilespmem:s21+$0xFFFFFF40]  }
0x2c6: {  	v5 =	vld [tilespmem:s21+$0xFFFFFF50]  }
0x2c7: {  	v6 =	vld [tilespmem:s21+$0xFFFFFF60]  }
0x2c8: {  	v7 =	vld [tilespmem:s21+$0xFFFFFF70]  }
0x2c9: {  	v8 =	vld [tilespmem:s21+$0x0]  }
0x2ca: {  	v9 =	vld [tilespmem:s21+$0x10]  }
0x2cb: {  	v10 =	vld [tilespmem:s21+$0x20]  }
0x2cc: {  	v11 =	vld [tilespmem:s21+$0x30]  }
0x2cd: {  	v12 =	vld [tilespmem:s21+$0x40]  }
0x2ce: {  	v13 =	vld [tilespmem:s21+$0x50]  }
0x2cf: {  	v14 =	vld [tilespmem:s21+$0x60]  }
0x2d0: {  	v15 =	vld [tilespmem:s21+$0xFFFFFF00]  }
0x2d1: {  	v0 =	vld.idx.msk [tilespmem:v0+s31+$0x0], $0xffff  }
0x2d2: {  	v1 =	vld.idx.msk [tilespmem:v1+s31+$0x0], $0xffff  }
0x2d3: {  	v2 =	vld.idx.msk [tilespmem:v2+s31+$0x0], $0xffff  }
0x2d4: {  	v3 =	vld.idx.msk [tilespmem:v3+s31+$0x0], $0xffff  }
0x2d5: {  	v4 =	vld.idx.msk [tilespmem:v4+s31+$0x0], $0xffff  }
0x2d6: {  	s12 =	simm.s32 $0x1A780;
	v5 =	vld.idx.msk [tilespmem:v5+s31+$0x0], $0xffff  }
0x2d7: {  	v6 =	vld.idx.msk [tilespmem:v6+s31+$0x0], $0xffff;
	[tilespmem:s12+$0x70] =	vst v0  }
0x2d8: {  	v7 =	vld.idx.msk [tilespmem:v7+s31+$0x0], $0xffff;
	[tilespmem:s12+$0xFFFFFF90] =	vst v1  }
0x2d9: {  	v15 =	vld.idx.msk [tilespmem:v15+s31+$0x0], $0xffff;
	[tilespmem:s12+$0xFFFFFFA0] =	vst v2  }
0x2da: {  	v8 =	vld.idx.msk [tilespmem:v8+s31+$0x0], $0xffff;
	[tilespmem:s12+$0xFFFFFFB0] =	vst v3  }
0x2db: {  	[tilespmem:s12+$0xFFFFFFC0] =	vst v4;
	v0 =	vld.idx.msk [tilespmem:v9+s31+$0x0], $0xffff  }
0x2dc: {  	[tilespmem:s12+$0xFFFFFFD0] =	vst v5;
	v1 =	vld.idx.msk [tilespmem:v10+s31+$0x0], $0xffff  }
0x2dd: {  	[tilespmem:s12+$0xFFFFFFE0] =	vst v6;
	v2 =	vld.idx.msk [tilespmem:v11+s31+$0x0], $0xffff  }
0x2de: {  	[tilespmem:s12+$0xFFFFFFF0] =	vst v7;
	v3 =	vld.idx.msk [tilespmem:v12+s31+$0x0], $0xffff  }
0x2df: {  	[tilespmem:s12+$0xFFFFFF80] =	vst v15;
	v4 =	vld.idx.msk [tilespmem:v13+s31+$0x0], $0xffff  }
0x2e0: {  	s16 =	simm.s32 $0x0;
	s17 =	simm.s32 $0x300;
	[tilespmem:s12+$0x0] =	vst v8;
	v5 =	vld.idx.msk [tilespmem:v14+s31+$0x0], $0xffff  }
.LBB2_38:
0x2e1: {  	v6 =	vld [tilespmem:s17+$0x70];
	s16 =	sadd.s32 $0x10, s16;
	[tilespmem:s12+$0x10] =	vst v0  }
0x2e2: {  	v0 =	vld [tilespmem:s17+$0xFFFFFF10];
	p0 =	slt.u32 s16, $0xF0;
	[tilespmem:s12+$0x20] =	vst v1  }
0x2e3: {  	v1 =	vld [tilespmem:s17+$0xFFFFFF20];
	[tilespmem:s12+$0x30] =	vst v2  }
0x2e4: {  	v2 =	vld [tilespmem:s17+$0xFFFFFF30];
	[tilespmem:s12+$0x40] =	vst v3  }
0x2e5: {  	v3 =	vld [tilespmem:s17+$0xFFFFFF40];
	[tilespmem:s12+$0x50] =	vst v4  }
0x2e6: {  	v4 =	vld [tilespmem:s17+$0xFFFFFF50];
	[tilespmem:s12+$0x60] =	vst v5  }
0x2e7: {  	v5 =	vld [tilespmem:s17+$0xFFFFFF60]  }
0x2e8: {  	v7 =	vld [tilespmem:s17+$0xFFFFFF70]  }
0x2e9: {  	v6 =	vld.idx.msk [tilespmem:v6+s31+$0x0], $0xffff  }
0x2ea: {  	v8 =	vld [tilespmem:s17+$0x0]  }
0x2eb: {  	v9 =	vld [tilespmem:s17+$0x10]  }
0x2ec: {  	v10 =	vld [tilespmem:s17+$0x20]  }
0x2ed: {  	v11 =	vld [tilespmem:s17+$0x30]  }
0x2ee: {  	s12 =	sadd.s32 $0x100, s12;
	v12 =	vld [tilespmem:s17+$0x40]  }
0x2ef: {  	v13 =	vld [tilespmem:s17+$0x50];
	[tilespmem:s12+$0x70] =	vst v6  }
0x2f0: {  	v6 =	vld [tilespmem:s17+$0x60]  }
0x2f1: {  	v14 =	vld [tilespmem:s17+$0xFFFFFF00]  }
0x2f2: {  	v0 =	vld.idx.msk [tilespmem:v0+s31+$0x0], $0xffff  }
0x2f3: {  	v1 =	vld.idx.msk [tilespmem:v1+s31+$0x0], $0xffff  }
0x2f4: {  	v2 =	vld.idx.msk [tilespmem:v2+s31+$0x0], $0xffff  }
0x2f5: {  	v3 =	vld.idx.msk [tilespmem:v3+s31+$0x0], $0xffff  }
0x2f6: {  	v4 =	vld.idx.msk [tilespmem:v4+s31+$0x0], $0xffff  }
0x2f7: {  	v5 =	vld.idx.msk [tilespmem:v5+s31+$0x0], $0xffff  }
0x2f8: {  	[tilespmem:s12+$0xFFFFFF90] =	vst v0;
	v7 =	vld.idx.msk [tilespmem:v7+s31+$0x0], $0xffff  }
0x2f9: {  	v14 =	vld.idx.msk [tilespmem:v14+s31+$0x0], $0xffff;
	[tilespmem:s12+$0xFFFFFFA0] =	vst v1  }
0x2fa: {  	[tilespmem:s12+$0xFFFFFFB0] =	vst v2;
	v8 =	vld.idx.msk [tilespmem:v8+s31+$0x0], $0xffff  }
0x2fb: {  	[tilespmem:s12+$0xFFFFFFC0] =	vst v3;
	v0 =	vld.idx.msk [tilespmem:v9+s31+$0x0], $0xffff  }
.Ltmp18:
0x2fc: {  	[tilespmem:s12+$0xFFFFFFD0] =	vst v4;
	v1 =	vld.idx.msk [tilespmem:v10+s31+$0x0], $0xffff;
	(pc) =	sbr.rel @p0 .LBB2_38-.Ltmp18, $4  }
0x2fd: {  	[tilespmem:s12+$0xFFFFFFE0] =	vst v5;
	v2 =	vld.idx.msk [tilespmem:v11+s31+$0x0], $0xffff  }
0x2fe: {  	[tilespmem:s12+$0xFFFFFFF0] =	vst v7;
	v3 =	vld.idx.msk [tilespmem:v12+s31+$0x0], $0xffff  }
0x2ff: {  	[tilespmem:s12+$0xFFFFFF80] =	vst v14;
	v4 =	vld.idx.msk [tilespmem:v13+s31+$0x0], $0xffff  }
0x300: {  	s17 =	sadd.s32 $0x200, s17;
	[tilespmem:s12+$0x0] =	vst v8;
	v5 =	vld.idx.msk [tilespmem:v6+s31+$0x0], $0xffff  }
0x301: {  	[tilespmem:s12+$0x10] =	vst v0  }
0x302: {  	[tilespmem:s12+$0x20] =	vst v1  }
0x303: {  	[tilespmem:s12+$0x30] =	vst v2  }
0x304: {  	[tilespmem:s12+$0x40] =	vst v3  }
0x305: {  	s16 =	simm.s32 $0x0;
	[tilespmem:s12+$0x50] =	vst v4  }
0x306: {  	s21 =	sadd.s32 $0x0, s19;
	s17 =	simm.s32 $0x100;
	[tilespmem:s12+$0x60] =	vst v5;
	s12 =	simm.s32 $0x10  }
.LBB2_40:
0x307: {  	[tilespmem:s16], [sflag:$0x1] =	stream.linear.gather [hbm4b:s21+s6], $0x80, $0x38;
	[tilespmem:$0x1E700] =	vst v63  }
0x308: {  	s21 =	smov.u32 s12;
	s16 =	smov.u32 s17;
	p0 =	sne.s32 s12, $0x1F0  }
.Ltmp19:
0x309: {  	s12 =	sadd.s32 $0x10, s12;
	(pc) =	sbr.rel @p0 .LBB2_40-.Ltmp19, $2  }
0x30a: {  	_ =	sdelay $0x2  }
0x30b: {  	s17 =	sadd.s32 $0x100, s17;
	s21 =	sadd.s32 s21, s19  }
0x30c: {  	[tilespmem:s16], [sflag:$0x1] =	stream.linear.gather [hbm4b:s21+s6], $0x80, $0x38;
	[tilespmem:$0x1E700] =	vst v63  }
0x30d: {  	_ =	swait.ge [sflag:s0], $0x1000  }
0x30e: {  	[sflag:s0] =	ssyncset.done $0x0  }
0x30f: {  	s12 =	simm.s32 $0x180;
	[sflag:s0] =	ssyncadd.s32 $0xFFFFF000  }
0x310: {  	v0 =	vld [tilespmem:s12+$0x70]  }
0x311: {  	v1 =	vld [tilespmem:s12+$0xFFFFFF10]  }
0x312: {  	v2 =	vld [tilespmem:s12+$0xFFFFFF20]  }
0x313: {  	v3 =	vld [tilespmem:s12+$0xFFFFFF30]  }
0x314: {  	v4 =	vld [tilespmem:s12+$0xFFFFFF40]  }
0x315: {  	v5 =	vld [tilespmem:s12+$0xFFFFFF50]  }
0x316: {  	v6 =	vld [tilespmem:s12+$0xFFFFFF60]  }
0x317: {  	v7 =	vld [tilespmem:s12+$0xFFFFFF70]  }
0x318: {  	v8 =	vld [tilespmem:s12+$0x0]  }
0x319: {  	v9 =	vld [tilespmem:s12+$0x10]  }
0x31a: {  	v10 =	vld [tilespmem:s12+$0x20]  }
0x31b: {  	v11 =	vld [tilespmem:s12+$0x30]  }
0x31c: {  	v12 =	vld [tilespmem:s12+$0x40]  }
0x31d: {  	v13 =	vld [tilespmem:s12+$0x50]  }
0x31e: {  	v14 =	vld [tilespmem:s12+$0x60]  }
0x31f: {  	v15 =	vld [tilespmem:s12+$0xFFFFFF00]  }
0x320: {  	v0 =	vld.idx.msk [tilespmem:v0+s31+$0x0], $0xffff  }
0x321: {  	v1 =	vld.idx.msk [tilespmem:v1+s31+$0x0], $0xffff  }
0x322: {  	v2 =	vld.idx.msk [tilespmem:v2+s31+$0x0], $0xffff  }
0x323: {  	v3 =	vld.idx.msk [tilespmem:v3+s31+$0x0], $0xffff  }
0x324: {  	v4 =	vld.idx.msk [tilespmem:v4+s31+$0x0], $0xffff  }
0x325: {  	s12 =	simm.s32 $0x1B7F0;
	v5 =	vld.idx.msk [tilespmem:v5+s31+$0x0], $0xffff  }
0x326: {  	v6 =	vld.idx.msk [tilespmem:v6+s31+$0x0], $0xffff;
	[tilespmem:s12+$0x0] =	vst v0  }
0x327: {  	v7 =	vld.idx.msk [tilespmem:v7+s31+$0x0], $0xffff;
	[tilespmem:s12+$0xFFFFFF20] =	vst v1  }
0x328: {  	v15 =	vld.idx.msk [tilespmem:v15+s31+$0x0], $0xffff;
	[tilespmem:s12+$0xFFFFFF30] =	vst v2  }
0x329: {  	v8 =	vld.idx.msk [tilespmem:v8+s31+$0x0], $0xffff;
	[tilespmem:s12+$0xFFFFFF40] =	vst v3  }
0x32a: {  	[tilespmem:s12+$0xFFFFFF50] =	vst v4;
	v0 =	vld.idx.msk [tilespmem:v9+s31+$0x0], $0xffff  }
0x32b: {  	[tilespmem:s12+$0xFFFFFF60] =	vst v5;
	v1 =	vld.idx.msk [tilespmem:v10+s31+$0x0], $0xffff  }
0x32c: {  	[tilespmem:s12+$0xFFFFFF70] =	vst v6;
	v2 =	vld.idx.msk [tilespmem:v11+s31+$0x0], $0xffff  }
0x32d: {  	[tilespmem:s12+$0xFFFFFF80] =	vst v7;
	v3 =	vld.idx.msk [tilespmem:v12+s31+$0x0], $0xffff  }
0x32e: {  	[tilespmem:s12+$0xFFFFFF10] =	vst v15;
	v4 =	vld.idx.msk [tilespmem:v13+s31+$0x0], $0xffff  }
0x32f: {  	s16 =	simm.s32 $0x0;
	s17 =	simm.s32 $0x380;
	[tilespmem:s12+$0xFFFFFF90] =	vst v8;
	v5 =	vld.idx.msk [tilespmem:v14+s31+$0x0], $0xffff  }
.LBB2_42:
0x330: {  	v6 =	vld [tilespmem:s17+$0x70];
	s16 =	sadd.s32 $0x10, s16;
	[tilespmem:s12+$0xFFFFFFA0] =	vst v0  }
0x331: {  	v0 =	vld [tilespmem:s17+$0xFFFFFF10];
	p0 =	slt.u32 s16, $0xF0;
	[tilespmem:s12+$0xFFFFFFB0] =	vst v1  }
0x332: {  	v1 =	vld [tilespmem:s17+$0xFFFFFF20];
	[tilespmem:s12+$0xFFFFFFC0] =	vst v2  }
0x333: {  	v2 =	vld [tilespmem:s17+$0xFFFFFF30];
	[tilespmem:s12+$0xFFFFFFD0] =	vst v3  }
0x334: {  	v3 =	vld [tilespmem:s17+$0xFFFFFF40];
	[tilespmem:s12+$0xFFFFFFE0] =	vst v4  }
0x335: {  	v4 =	vld [tilespmem:s17+$0xFFFFFF50];
	[tilespmem:s12+$0xFFFFFFF0] =	vst v5  }
0x336: {  	v5 =	vld [tilespmem:s17+$0xFFFFFF60]  }
0x337: {  	v7 =	vld [tilespmem:s17+$0xFFFFFF70]  }
0x338: {  	v6 =	vld.idx.msk [tilespmem:v6+s31+$0x0], $0xffff  }
0x339: {  	v8 =	vld [tilespmem:s17+$0x0]  }
0x33a: {  	v9 =	vld [tilespmem:s17+$0x10]  }
0x33b: {  	v10 =	vld [tilespmem:s17+$0x20]  }
0x33c: {  	v11 =	vld [tilespmem:s17+$0x30]  }
0x33d: {  	s12 =	sadd.s32 $0x100, s12;
	v12 =	vld [tilespmem:s17+$0x40]  }
0x33e: {  	v13 =	vld [tilespmem:s17+$0x50];
	[tilespmem:s12+$0x0] =	vst v6  }
0x33f: {  	v6 =	vld [tilespmem:s17+$0x60]  }
0x340: {  	v14 =	vld [tilespmem:s17+$0xFFFFFF00]  }
0x341: {  	v0 =	vld.idx.msk [tilespmem:v0+s31+$0x0], $0xffff  }
0x342: {  	v1 =	vld.idx.msk [tilespmem:v1+s31+$0x0], $0xffff  }
0x343: {  	v2 =	vld.idx.msk [tilespmem:v2+s31+$0x0], $0xffff  }
0x344: {  	v3 =	vld.idx.msk [tilespmem:v3+s31+$0x0], $0xffff  }
0x345: {  	v4 =	vld.idx.msk [tilespmem:v4+s31+$0x0], $0xffff  }
0x346: {  	v5 =	vld.idx.msk [tilespmem:v5+s31+$0x0], $0xffff  }
0x347: {  	[tilespmem:s12+$0xFFFFFF20] =	vst v0;
	v7 =	vld.idx.msk [tilespmem:v7+s31+$0x0], $0xffff  }
0x348: {  	v14 =	vld.idx.msk [tilespmem:v14+s31+$0x0], $0xffff;
	[tilespmem:s12+$0xFFFFFF30] =	vst v1  }
0x349: {  	[tilespmem:s12+$0xFFFFFF40] =	vst v2;
	v8 =	vld.idx.msk [tilespmem:v8+s31+$0x0], $0xffff  }
0x34a: {  	[tilespmem:s12+$0xFFFFFF50] =	vst v3;
	v0 =	vld.idx.msk [tilespmem:v9+s31+$0x0], $0xffff  }
.Ltmp20:
0x34b: {  	[tilespmem:s12+$0xFFFFFF60] =	vst v4;
	v1 =	vld.idx.msk [tilespmem:v10+s31+$0x0], $0xffff;
	(pc) =	sbr.rel @p0 .LBB2_42-.Ltmp20, $4  }
0x34c: {  	[tilespmem:s12+$0xFFFFFF70] =	vst v5;
	v2 =	vld.idx.msk [tilespmem:v11+s31+$0x0], $0xffff  }
0x34d: {  	[tilespmem:s12+$0xFFFFFF80] =	vst v7;
	v3 =	vld.idx.msk [tilespmem:v12+s31+$0x0], $0xffff  }
0x34e: {  	[tilespmem:s12+$0xFFFFFF10] =	vst v14;
	v4 =	vld.idx.msk [tilespmem:v13+s31+$0x0], $0xffff  }
0x34f: {  	s17 =	sadd.s32 $0x200, s17;
	[tilespmem:s12+$0xFFFFFF90] =	vst v8;
	v5 =	vld.idx.msk [tilespmem:v6+s31+$0x0], $0xffff  }
0x350: {  	[tilespmem:s12+$0xFFFFFFA0] =	vst v0  }
0x351: {  	[tilespmem:s12+$0xFFFFFFB0] =	vst v1  }
0x352: {  	[tilespmem:s12+$0xFFFFFFC0] =	vst v2  }
0x353: {  	[tilespmem:s12+$0xFFFFFFD0] =	vst v3  }
0x354: {  	s16 =	simm.s32 $0x80;
	[tilespmem:s12+$0xFFFFFFE0] =	vst v4  }
0x355: {  	s21 =	sadd.s32 $0x0, s20;
	s17 =	simm.s32 $0x180;
	[tilespmem:s12+$0xFFFFFFF0] =	vst v5;
	s12 =	simm.s32 $0x10  }
.LBB2_44:
0x356: {  	[tilespmem:s16], [sflag:$0x1] =	stream.linear.gather [hbm4b:s21+s6], $0x80, $0x38;
	[tilespmem:$0x1E700] =	vst v63  }
0x357: {  	s21 =	smov.u32 s12;
	s16 =	smov.u32 s17;
	p0 =	sne.s32 s12, $0x1F0  }
.Ltmp21:
0x358: {  	s12 =	sadd.s32 $0x10, s12;
	(pc) =	sbr.rel @p0 .LBB2_44-.Ltmp21, $2  }
0x359: {  	_ =	sdelay $0x2  }
0x35a: {  	s17 =	sadd.s32 $0x100, s17;
	s21 =	sadd.s32 s21, s20  }
0x35b: {  	[tilespmem:s16], [sflag:$0x1] =	stream.linear.gather [hbm4b:s21+s6], $0x80, $0x38;
	[tilespmem:$0x1E700] =	vst v63  }
0x35c: {  	_ =	swait.ge [sflag:s0], $0x1000  }
0x35d: {  	[sflag:s0] =	ssyncset.done $0x0  }
0x35e: {  	s12 =	simm.s32 $0x100;
	[sflag:s0] =	ssyncadd.s32 $0xFFFFF000  }
0x35f: {  	v0 =	vld [tilespmem:s12+$0x70]  }
0x360: {  	v1 =	vld [tilespmem:s12+$0xFFFFFF10]  }
0x361: {  	v2 =	vld [tilespmem:s12+$0xFFFFFF20]  }
0x362: {  	v3 =	vld [tilespmem:s12+$0xFFFFFF30]  }
0x363: {  	v4 =	vld [tilespmem:s12+$0xFFFFFF40]  }
0x364: {  	v5 =	vld [tilespmem:s12+$0xFFFFFF50]  }
0x365: {  	v6 =	vld [tilespmem:s12+$0xFFFFFF60]  }
0x366: {  	v7 =	vld [tilespmem:s12+$0xFFFFFF70]  }
0x367: {  	v8 =	vld [tilespmem:s12+$0x0]  }
0x368: {  	v9 =	vld [tilespmem:s12+$0x10]  }
0x369: {  	v10 =	vld [tilespmem:s12+$0x20]  }
0x36a: {  	v11 =	vld [tilespmem:s12+$0x30]  }
0x36b: {  	v12 =	vld [tilespmem:s12+$0x40]  }
0x36c: {  	v13 =	vld [tilespmem:s12+$0x50]  }
0x36d: {  	v14 =	vld [tilespmem:s12+$0x60]  }
0x36e: {  	v15 =	vld [tilespmem:s12+$0xFFFFFF00]  }
0x36f: {  	v0 =	vld.idx.msk [tilespmem:v0+s31+$0x0], $0xffff  }
0x370: {  	v1 =	vld.idx.msk [tilespmem:v1+s31+$0x0], $0xffff  }
0x371: {  	v2 =	vld.idx.msk [tilespmem:v2+s31+$0x0], $0xffff  }
0x372: {  	v3 =	vld.idx.msk [tilespmem:v3+s31+$0x0], $0xffff  }
0x373: {  	v4 =	vld.idx.msk [tilespmem:v4+s31+$0x0], $0xffff  }
0x374: {  	s12 =	simm.s32 $0x1C7F0;
	v5 =	vld.idx.msk [tilespmem:v5+s31+$0x0], $0xffff  }
0x375: {  	v6 =	vld.idx.msk [tilespmem:v6+s31+$0x0], $0xffff;
	[tilespmem:s12+$0x0] =	vst v0  }
0x376: {  	v7 =	vld.idx.msk [tilespmem:v7+s31+$0x0], $0xffff;
	[tilespmem:s12+$0xFFFFFF20] =	vst v1  }
0x377: {  	v15 =	vld.idx.msk [tilespmem:v15+s31+$0x0], $0xffff;
	[tilespmem:s12+$0xFFFFFF30] =	vst v2  }
0x378: {  	v8 =	vld.idx.msk [tilespmem:v8+s31+$0x0], $0xffff;
	[tilespmem:s12+$0xFFFFFF40] =	vst v3  }
0x379: {  	[tilespmem:s12+$0xFFFFFF50] =	vst v4;
	v0 =	vld.idx.msk [tilespmem:v9+s31+$0x0], $0xffff  }
0x37a: {  	[tilespmem:s12+$0xFFFFFF60] =	vst v5;
	v1 =	vld.idx.msk [tilespmem:v10+s31+$0x0], $0xffff  }
0x37b: {  	[tilespmem:s12+$0xFFFFFF70] =	vst v6;
	v2 =	vld.idx.msk [tilespmem:v11+s31+$0x0], $0xffff  }
0x37c: {  	[tilespmem:s12+$0xFFFFFF80] =	vst v7;
	v3 =	vld.idx.msk [tilespmem:v12+s31+$0x0], $0xffff  }
0x37d: {  	[tilespmem:s12+$0xFFFFFF10] =	vst v15;
	v4 =	vld.idx.msk [tilespmem:v13+s31+$0x0], $0xffff  }
0x37e: {  	s16 =	simm.s32 $0x0;
	s17 =	simm.s32 $0x300;
	[tilespmem:s12+$0xFFFFFF90] =	vst v8;
	v5 =	vld.idx.msk [tilespmem:v14+s31+$0x0], $0xffff  }
.LBB2_46:
0x37f: {  	v6 =	vld [tilespmem:s17+$0x70];
	s16 =	sadd.s32 $0x10, s16;
	[tilespmem:s12+$0xFFFFFFA0] =	vst v0  }
0x380: {  	v0 =	vld [tilespmem:s17+$0xFFFFFF10];
	p0 =	slt.u32 s16, $0xF0;
	[tilespmem:s12+$0xFFFFFFB0] =	vst v1  }
0x381: {  	v1 =	vld [tilespmem:s17+$0xFFFFFF20];
	[tilespmem:s12+$0xFFFFFFC0] =	vst v2  }
0x382: {  	v2 =	vld [tilespmem:s17+$0xFFFFFF30];
	[tilespmem:s12+$0xFFFFFFD0] =	vst v3  }
0x383: {  	v3 =	vld [tilespmem:s17+$0xFFFFFF40];
	[tilespmem:s12+$0xFFFFFFE0] =	vst v4  }
0x384: {  	v4 =	vld [tilespmem:s17+$0xFFFFFF50];
	[tilespmem:s12+$0xFFFFFFF0] =	vst v5  }
0x385: {  	v5 =	vld [tilespmem:s17+$0xFFFFFF60]  }
0x386: {  	v7 =	vld [tilespmem:s17+$0xFFFFFF70]  }
0x387: {  	v6 =	vld.idx.msk [tilespmem:v6+s31+$0x0], $0xffff  }
0x388: {  	v8 =	vld [tilespmem:s17+$0x0]  }
0x389: {  	v9 =	vld [tilespmem:s17+$0x10]  }
0x38a: {  	v10 =	vld [tilespmem:s17+$0x20]  }
0x38b: {  	v11 =	vld [tilespmem:s17+$0x30]  }
0x38c: {  	s12 =	sadd.s32 $0x100, s12;
	v12 =	vld [tilespmem:s17+$0x40]  }
0x38d: {  	v13 =	vld [tilespmem:s17+$0x50];
	[tilespmem:s12+$0x0] =	vst v6  }
0x38e: {  	v6 =	vld [tilespmem:s17+$0x60]  }
0x38f: {  	v14 =	vld [tilespmem:s17+$0xFFFFFF00]  }
0x390: {  	v0 =	vld.idx.msk [tilespmem:v0+s31+$0x0], $0xffff  }
0x391: {  	v1 =	vld.idx.msk [tilespmem:v1+s31+$0x0], $0xffff  }
0x392: {  	v2 =	vld.idx.msk [tilespmem:v2+s31+$0x0], $0xffff  }
0x393: {  	v3 =	vld.idx.msk [tilespmem:v3+s31+$0x0], $0xffff  }
0x394: {  	v4 =	vld.idx.msk [tilespmem:v4+s31+$0x0], $0xffff  }
0x395: {  	v5 =	vld.idx.msk [tilespmem:v5+s31+$0x0], $0xffff  }
0x396: {  	[tilespmem:s12+$0xFFFFFF20] =	vst v0;
	v7 =	vld.idx.msk [tilespmem:v7+s31+$0x0], $0xffff  }
0x397: {  	v14 =	vld.idx.msk [tilespmem:v14+s31+$0x0], $0xffff;
	[tilespmem:s12+$0xFFFFFF30] =	vst v1  }
0x398: {  	[tilespmem:s12+$0xFFFFFF40] =	vst v2;
	v8 =	vld.idx.msk [tilespmem:v8+s31+$0x0], $0xffff  }
0x399: {  	[tilespmem:s12+$0xFFFFFF50] =	vst v3;
	v0 =	vld.idx.msk [tilespmem:v9+s31+$0x0], $0xffff  }
.Ltmp22:
0x39a: {  	[tilespmem:s12+$0xFFFFFF60] =	vst v4;
	v1 =	vld.idx.msk [tilespmem:v10+s31+$0x0], $0xffff;
	(pc) =	sbr.rel @p0 .LBB2_46-.Ltmp22, $4  }
0x39b: {  	[tilespmem:s12+$0xFFFFFF70] =	vst v5;
	v2 =	vld.idx.msk [tilespmem:v11+s31+$0x0], $0xffff  }
0x39c: {  	[tilespmem:s12+$0xFFFFFF80] =	vst v7;
	v3 =	vld.idx.msk [tilespmem:v12+s31+$0x0], $0xffff  }
0x39d: {  	[tilespmem:s12+$0xFFFFFF10] =	vst v14;
	v4 =	vld.idx.msk [tilespmem:v13+s31+$0x0], $0xffff  }
0x39e: {  	s17 =	sadd.s32 $0x200, s17;
	[tilespmem:s12+$0xFFFFFF90] =	vst v8;
	v5 =	vld.idx.msk [tilespmem:v6+s31+$0x0], $0xffff  }
0x39f: {  	[tilespmem:s12+$0xFFFFFFA0] =	vst v0  }
0x3a0: {  	[tilespmem:s12+$0xFFFFFFB0] =	vst v1  }
0x3a1: {  	[tilespmem:s12+$0xFFFFFFC0] =	vst v2  }
0x3a2: {  	[tilespmem:s12+$0xFFFFFFD0] =	vst v3  }
0x3a3: {  	[tilespmem:s12+$0xFFFFFFE0] =	vst v4  }
0x3a4: {  	[tilespmem:s12+$0xFFFFFFF0] =	vst v5  }
0x3a5: {  	_ =	swait.ge [sflag:s0], $0x1000  }
0x3a6: {  	[sflag:s0] =	ssyncset.done $0x0  }
0x3a7: {  	s21 =	simm.s32 $0x180;
	[sflag:s0] =	ssyncadd.s32 $0xFFFFF000  }
0x3a8: {  	v0 =	vld [tilespmem:s21+$0x70]  }
0x3a9: {  	v1 =	vld [tilespmem:s21+$0xFFFFFF10]  }
0x3aa: {  	v2 =	vld [tilespmem:s21+$0xFFFFFF20]  }
0x3ab: {  	v3 =	vld [tilespmem:s21+$0xFFFFFF30]  }
0x3ac: {  	v4 =	vld [tilespmem:s21+$0xFFFFFF40]  }
0x3ad: {  	v5 =	vld [tilespmem:s21+$0xFFFFFF50]  }
0x3ae: {  	v6 =	vld [tilespmem:s21+$0xFFFFFF60]  }
0x3af: {  	v7 =	vld [tilespmem:s21+$0xFFFFFF70]  }
0x3b0: {  	v8 =	vld [tilespmem:s21+$0x0]  }
0x3b1: {  	v9 =	vld [tilespmem:s21+$0x10]  }
0x3b2: {  	v10 =	vld [tilespmem:s21+$0x20]  }
0x3b3: {  	v11 =	vld [tilespmem:s21+$0x30]  }
0x3b4: {  	v12 =	vld [tilespmem:s21+$0x40]  }
0x3b5: {  	v13 =	vld [tilespmem:s21+$0x50]  }
0x3b6: {  	v14 =	vld [tilespmem:s21+$0x60]  }
0x3b7: {  	v15 =	vld [tilespmem:s21+$0xFFFFFF00]  }
0x3b8: {  	v0 =	vld.idx.msk [tilespmem:v0+s31+$0x0], $0xffff  }
0x3b9: {  	v1 =	vld.idx.msk [tilespmem:v1+s31+$0x0], $0xffff  }
0x3ba: {  	v2 =	vld.idx.msk [tilespmem:v2+s31+$0x0], $0xffff  }
0x3bb: {  	v3 =	vld.idx.msk [tilespmem:v3+s31+$0x0], $0xffff  }
0x3bc: {  	v4 =	vld.idx.msk [tilespmem:v4+s31+$0x0], $0xffff  }
0x3bd: {  	s12 =	simm.s32 $0x1D7F0;
	v5 =	vld.idx.msk [tilespmem:v5+s31+$0x0], $0xffff  }
0x3be: {  	v6 =	vld.idx.msk [tilespmem:v6+s31+$0x0], $0xffff;
	[tilespmem:s12+$0x0] =	vst v0  }
0x3bf: {  	v7 =	vld.idx.msk [tilespmem:v7+s31+$0x0], $0xffff;
	[tilespmem:s12+$0xFFFFFF20] =	vst v1  }
0x3c0: {  	v15 =	vld.idx.msk [tilespmem:v15+s31+$0x0], $0xffff;
	[tilespmem:s12+$0xFFFFFF30] =	vst v2  }
0x3c1: {  	v8 =	vld.idx.msk [tilespmem:v8+s31+$0x0], $0xffff;
	[tilespmem:s12+$0xFFFFFF40] =	vst v3  }
0x3c2: {  	[tilespmem:s12+$0xFFFFFF50] =	vst v4;
	v0 =	vld.idx.msk [tilespmem:v9+s31+$0x0], $0xffff  }
0x3c3: {  	[tilespmem:s12+$0xFFFFFF60] =	vst v5;
	v1 =	vld.idx.msk [tilespmem:v10+s31+$0x0], $0xffff  }
0x3c4: {  	[tilespmem:s12+$0xFFFFFF70] =	vst v6;
	v2 =	vld.idx.msk [tilespmem:v11+s31+$0x0], $0xffff  }
0x3c5: {  	[tilespmem:s12+$0xFFFFFF80] =	vst v7;
	v3 =	vld.idx.msk [tilespmem:v12+s31+$0x0], $0xffff  }
0x3c6: {  	[tilespmem:s12+$0xFFFFFF10] =	vst v15;
	v4 =	vld.idx.msk [tilespmem:v13+s31+$0x0], $0xffff  }
0x3c7: {  	s16 =	simm.s32 $0x0;
	s17 =	simm.s32 $0x380;
	[tilespmem:s12+$0xFFFFFF90] =	vst v8;
	v5 =	vld.idx.msk [tilespmem:v14+s31+$0x0], $0xffff  }
.LBB2_48:
0x3c8: {  	v6 =	vld [tilespmem:s17+$0x70];
	s16 =	sadd.s32 $0x10, s16;
	[tilespmem:s12+$0xFFFFFFA0] =	vst v0  }
0x3c9: {  	v0 =	vld [tilespmem:s17+$0xFFFFFF10];
	p0 =	slt.u32 s16, $0xF0;
	[tilespmem:s12+$0xFFFFFFB0] =	vst v1  }
0x3ca: {  	v1 =	vld [tilespmem:s17+$0xFFFFFF20];
	[tilespmem:s12+$0xFFFFFFC0] =	vst v2  }
0x3cb: {  	v2 =	vld [tilespmem:s17+$0xFFFFFF30];
	[tilespmem:s12+$0xFFFFFFD0] =	vst v3  }
0x3cc: {  	v3 =	vld [tilespmem:s17+$0xFFFFFF40];
	[tilespmem:s12+$0xFFFFFFE0] =	vst v4  }
0x3cd: {  	v4 =	vld [tilespmem:s17+$0xFFFFFF50];
	[tilespmem:s12+$0xFFFFFFF0] =	vst v5  }
0x3ce: {  	v5 =	vld [tilespmem:s17+$0xFFFFFF60]  }
0x3cf: {  	v7 =	vld [tilespmem:s17+$0xFFFFFF70]  }
0x3d0: {  	v6 =	vld.idx.msk [tilespmem:v6+s31+$0x0], $0xffff  }
0x3d1: {  	v8 =	vld [tilespmem:s17+$0x0]  }
0x3d2: {  	v9 =	vld [tilespmem:s17+$0x10]  }
0x3d3: {  	v10 =	vld [tilespmem:s17+$0x20]  }
0x3d4: {  	v11 =	vld [tilespmem:s17+$0x30]  }
0x3d5: {  	s12 =	sadd.s32 $0x100, s12;
	v12 =	vld [tilespmem:s17+$0x40]  }
0x3d6: {  	v13 =	vld [tilespmem:s17+$0x50];
	[tilespmem:s12+$0x0] =	vst v6  }
0x3d7: {  	v6 =	vld [tilespmem:s17+$0x60]  }
0x3d8: {  	v14 =	vld [tilespmem:s17+$0xFFFFFF00]  }
0x3d9: {  	v0 =	vld.idx.msk [tilespmem:v0+s31+$0x0], $0xffff  }
0x3da: {  	v1 =	vld.idx.msk [tilespmem:v1+s31+$0x0], $0xffff  }
0x3db: {  	v2 =	vld.idx.msk [tilespmem:v2+s31+$0x0], $0xffff  }
0x3dc: {  	v3 =	vld.idx.msk [tilespmem:v3+s31+$0x0], $0xffff  }
0x3dd: {  	v4 =	vld.idx.msk [tilespmem:v4+s31+$0x0], $0xffff  }
0x3de: {  	v5 =	vld.idx.msk [tilespmem:v5+s31+$0x0], $0xffff  }
0x3df: {  	[tilespmem:s12+$0xFFFFFF20] =	vst v0;
	v7 =	vld.idx.msk [tilespmem:v7+s31+$0x0], $0xffff  }
0x3e0: {  	v14 =	vld.idx.msk [tilespmem:v14+s31+$0x0], $0xffff;
	[tilespmem:s12+$0xFFFFFF30] =	vst v1  }
0x3e1: {  	[tilespmem:s12+$0xFFFFFF40] =	vst v2;
	v8 =	vld.idx.msk [tilespmem:v8+s31+$0x0], $0xffff  }
0x3e2: {  	[tilespmem:s12+$0xFFFFFF50] =	vst v3;
	v0 =	vld.idx.msk [tilespmem:v9+s31+$0x0], $0xffff  }
.Ltmp23:
0x3e3: {  	[tilespmem:s12+$0xFFFFFF60] =	vst v4;
	v1 =	vld.idx.msk [tilespmem:v10+s31+$0x0], $0xffff;
	(pc) =	sbr.rel @p0 .LBB2_48-.Ltmp23, $4  }
0x3e4: {  	[tilespmem:s12+$0xFFFFFF70] =	vst v5;
	v2 =	vld.idx.msk [tilespmem:v11+s31+$0x0], $0xffff  }
0x3e5: {  	[tilespmem:s12+$0xFFFFFF80] =	vst v7;
	v3 =	vld.idx.msk [tilespmem:v12+s31+$0x0], $0xffff  }
0x3e6: {  	[tilespmem:s12+$0xFFFFFF10] =	vst v14;
	v4 =	vld.idx.msk [tilespmem:v13+s31+$0x0], $0xffff  }
0x3e7: {  	s17 =	sadd.s32 $0x200, s17;
	[tilespmem:s12+$0xFFFFFF90] =	vst v8;
	v5 =	vld.idx.msk [tilespmem:v6+s31+$0x0], $0xffff  }
0x3e8: {  	[tilespmem:s12+$0xFFFFFFA0] =	vst v0  }
0x3e9: {  	[tilespmem:s12+$0xFFFFFFB0] =	vst v1  }
0x3ea: {  	[tilespmem:s12+$0xFFFFFFC0] =	vst v2  }
0x3eb: {  	[tilespmem:s12+$0xFFFFFFD0] =	vst v3  }
0x3ec: {  	[tilespmem:s12+$0xFFFFFFE0] =	vst v4  }
0x3ed: {  	[tilespmem:s12+$0xFFFFFFF0] =	vst v5  }
0x3ee: {  	s16 =	simm.s32 $0x10;
	s12 =	rddreg [dreg:$0xf]  }
0x3ef: {  	[hbm4b:s12+s29] =	stream.strided.scatter [tilespmem:s4], [sflag:$0x2], $0x4000, s30, s29, $0x38;
	[tilespmem:$0x1E700] =	vst v63  }
0x3f0: {  	s21 =	sadd.s32 $0x0, s5;
	s17 =	simm.s32 $0x100;
	s12 =	simm.s32 $0x0  }
0x3f1: {  	[tilespmem:s31], [sflag:$0x1] =	stream.strided.gather [hbm4b:s22+s29], $0x18700, s30, s29, $0x38;
	[tilespmem:$0x1E700] =	vst v63  }
.LBB2_50:
0x3f2: {  	[tilespmem:s12], [sflag:$0x1] =	stream.linear.gather [hbm4b:s21+s6], $0x80, $0x38;
	[tilespmem:$0x1E700] =	vst v63  }
0x3f3: {  	s21 =	smov.u32 s16;
	s12 =	smov.u32 s17;
	p0 =	sne.s32 s16, $0x1F0  }
.Ltmp24:
0x3f4: {  	s16 =	sadd.s32 $0x10, s16;
	(pc) =	sbr.rel @p0 .LBB2_50-.Ltmp24, $2  }
0x3f5: {  	_ =	sdelay $0x2  }
0x3f6: {  	s17 =	sadd.s32 $0x100, s17;
	s21 =	sadd.s32 s21, s5  }
0x3f7: {  	[tilespmem:s12], [sflag:$0x1] =	stream.linear.gather [hbm4b:s21+s6], $0x80, $0x38;
	[tilespmem:$0x1E700] =	vst v63  }
0x3f8: {  	_ =	swait.ge [sflag:s0], $0x18700  }
0x3f9: {  	[sflag:s0] =	ssyncset.done $0x0  }
0x3fa: {  	[sflag:s0] =	ssyncadd.s32 $0xFFFE7900  }
0x3fb: {  	_ =	swait.ge [sflag:s7], $0x4000  }
0x3fc: {  	s12 =	simm.s32 $0x80;
	s16 =	simm.s32 $0x10;
	[sflag:s7] =	ssyncset.done $0x0  }
0x3fd: {  	s21 =	sadd.s32 $0x0, s23;
	s17 =	simm.s32 $0x180;
	[sflag:s7] =	ssyncadd.s32 $0xFFFFC000  }
.LBB2_52:
0x3fe: {  	[tilespmem:s12], [sflag:$0x1] =	stream.linear.gather [hbm4b:s21+s6], $0x80, $0x38;
	[tilespmem:$0x1E700] =	vst v63  }
0x3ff: {  	s21 =	smov.u32 s16;
	s12 =	smov.u32 s17;
	p0 =	sne.s32 s16, $0x1F0  }
.Ltmp25:
0x400: {  	s16 =	sadd.s32 $0x10, s16;
	(pc) =	sbr.rel @p0 .LBB2_52-.Ltmp25, $2  }
0x401: {  	_ =	sdelay $0x2  }
0x402: {  	s17 =	sadd.s32 $0x100, s17;
	s21 =	sadd.s32 s21, s23  }
0x403: {  	[tilespmem:s12], [sflag:$0x1] =	stream.linear.gather [hbm4b:s21+s6], $0x80, $0x38;
	[tilespmem:$0x1E700] =	vst v63  }
0x404: {  	_ =	swait.ge [sflag:s0], $0x1000  }
0x405: {  	[sflag:s0] =	ssyncset.done $0x0  }
0x406: {  	s21 =	simm.s32 $0x100;
	[sflag:s0] =	ssyncadd.s32 $0xFFFFF000  }
0x407: {  	v0 =	vld [tilespmem:s21+$0x70]  }
0x408: {  	v1 =	vld [tilespmem:s21+$0xFFFFFF10]  }
0x409: {  	v2 =	vld [tilespmem:s21+$0xFFFFFF20]  }
0x40a: {  	v3 =	vld [tilespmem:s21+$0xFFFFFF30]  }
0x40b: {  	v4 =	vld [tilespmem:s21+$0xFFFFFF40]  }
0x40c: {  	v5 =	vld [tilespmem:s21+$0xFFFFFF50]  }
0x40d: {  	v6 =	vld [tilespmem:s21+$0xFFFFFF60]  }
0x40e: {  	v7 =	vld [tilespmem:s21+$0xFFFFFF70]  }
0x40f: {  	v8 =	vld [tilespmem:s21+$0x0]  }
0x410: {  	v9 =	vld [tilespmem:s21+$0x10]  }
0x411: {  	v10 =	vld [tilespmem:s21+$0x20]  }
0x412: {  	v11 =	vld [tilespmem:s21+$0x30]  }
0x413: {  	v12 =	vld [tilespmem:s21+$0x40]  }
0x414: {  	v13 =	vld [tilespmem:s21+$0x50]  }
0x415: {  	v14 =	vld [tilespmem:s21+$0x60]  }
0x416: {  	v15 =	vld [tilespmem:s21+$0xFFFFFF00]  }
0x417: {  	v0 =	vld.idx.msk [tilespmem:v0+s31+$0x0], $0xffff  }
0x418: {  	v1 =	vld.idx.msk [tilespmem:v1+s31+$0x0], $0xffff  }
0x419: {  	v2 =	vld.idx.msk [tilespmem:v2+s31+$0x0], $0xffff  }
0x41a: {  	v3 =	vld.idx.msk [tilespmem:v3+s31+$0x0], $0xffff  }
0x41b: {  	v4 =	vld.idx.msk [tilespmem:v4+s31+$0x0], $0xffff  }
0x41c: {  	s12 =	simm.s32 $0x1A780;
	v5 =	vld.idx.msk [tilespmem:v5+s31+$0x0], $0xffff  }
0x41d: {  	v6 =	vld.idx.msk [tilespmem:v6+s31+$0x0], $0xffff;
	[tilespmem:s12+$0x70] =	vst v0  }
0x41e: {  	v7 =	vld.idx.msk [tilespmem:v7+s31+$0x0], $0xffff;
	[tilespmem:s12+$0xFFFFFF90] =	vst v1  }
0x41f: {  	v15 =	vld.idx.msk [tilespmem:v15+s31+$0x0], $0xffff;
	[tilespmem:s12+$0xFFFFFFA0] =	vst v2  }
0x420: {  	v8 =	vld.idx.msk [tilespmem:v8+s31+$0x0], $0xffff;
	[tilespmem:s12+$0xFFFFFFB0] =	vst v3  }
0x421: {  	[tilespmem:s12+$0xFFFFFFC0] =	vst v4;
	v0 =	vld.idx.msk [tilespmem:v9+s31+$0x0], $0xffff  }
0x422: {  	[tilespmem:s12+$0xFFFFFFD0] =	vst v5;
	v1 =	vld.idx.msk [tilespmem:v10+s31+$0x0], $0xffff  }
0x423: {  	[tilespmem:s12+$0xFFFFFFE0] =	vst v6;
	v2 =	vld.idx.msk [tilespmem:v11+s31+$0x0], $0xffff  }
0x424: {  	[tilespmem:s12+$0xFFFFFFF0] =	vst v7;
	v3 =	vld.idx.msk [tilespmem:v12+s31+$0x0], $0xffff  }
0x425: {  	[tilespmem:s12+$0xFFFFFF80] =	vst v15;
	v4 =	vld.idx.msk [tilespmem:v13+s31+$0x0], $0xffff  }
0x426: {  	s16 =	simm.s32 $0x0;
	s17 =	simm.s32 $0x300;
	[tilespmem:s12+$0x0] =	vst v8;
	v5 =	vld.idx.msk [tilespmem:v14+s31+$0x0], $0xffff  }
.LBB2_54:
0x427: {  	v6 =	vld [tilespmem:s17+$0x70];
	s16 =	sadd.s32 $0x10, s16;
	[tilespmem:s12+$0x10] =	vst v0  }
0x428: {  	v0 =	vld [tilespmem:s17+$0xFFFFFF10];
	p0 =	slt.u32 s16, $0xF0;
	[tilespmem:s12+$0x20] =	vst v1  }
0x429: {  	v1 =	vld [tilespmem:s17+$0xFFFFFF20];
	[tilespmem:s12+$0x30] =	vst v2  }
0x42a: {  	v2 =	vld [tilespmem:s17+$0xFFFFFF30];
	[tilespmem:s12+$0x40] =	vst v3  }
0x42b: {  	v3 =	vld [tilespmem:s17+$0xFFFFFF40];
	[tilespmem:s12+$0x50] =	vst v4  }
0x42c: {  	v4 =	vld [tilespmem:s17+$0xFFFFFF50];
	[tilespmem:s12+$0x60] =	vst v5  }
0x42d: {  	v5 =	vld [tilespmem:s17+$0xFFFFFF60]  }
0x42e: {  	v7 =	vld [tilespmem:s17+$0xFFFFFF70]  }
0x42f: {  	v6 =	vld.idx.msk [tilespmem:v6+s31+$0x0], $0xffff  }
0x430: {  	v8 =	vld [tilespmem:s17+$0x0]  }
0x431: {  	v9 =	vld [tilespmem:s17+$0x10]  }
0x432: {  	v10 =	vld [tilespmem:s17+$0x20]  }
0x433: {  	v11 =	vld [tilespmem:s17+$0x30]  }
0x434: {  	s12 =	sadd.s32 $0x100, s12;
	v12 =	vld [tilespmem:s17+$0x40]  }
0x435: {  	v13 =	vld [tilespmem:s17+$0x50];
	[tilespmem:s12+$0x70] =	vst v6  }
0x436: {  	v6 =	vld [tilespmem:s17+$0x60]  }
0x437: {  	v14 =	vld [tilespmem:s17+$0xFFFFFF00]  }
0x438: {  	v0 =	vld.idx.msk [tilespmem:v0+s31+$0x0], $0xffff  }
0x439: {  	v1 =	vld.idx.msk [tilespmem:v1+s31+$0x0], $0xffff  }
0x43a: {  	v2 =	vld.idx.msk [tilespmem:v2+s31+$0x0], $0xffff  }
0x43b: {  	v3 =	vld.idx.msk [tilespmem:v3+s31+$0x0], $0xffff  }
0x43c: {  	v4 =	vld.idx.msk [tilespmem:v4+s31+$0x0], $0xffff  }
0x43d: {  	v5 =	vld.idx.msk [tilespmem:v5+s31+$0x0], $0xffff  }
0x43e: {  	[tilespmem:s12+$0xFFFFFF90] =	vst v0;
	v7 =	vld.idx.msk [tilespmem:v7+s31+$0x0], $0xffff  }
0x43f: {  	v14 =	vld.idx.msk [tilespmem:v14+s31+$0x0], $0xffff;
	[tilespmem:s12+$0xFFFFFFA0] =	vst v1  }
0x440: {  	[tilespmem:s12+$0xFFFFFFB0] =	vst v2;
	v8 =	vld.idx.msk [tilespmem:v8+s31+$0x0], $0xffff  }
0x441: {  	[tilespmem:s12+$0xFFFFFFC0] =	vst v3;
	v0 =	vld.idx.msk [tilespmem:v9+s31+$0x0], $0xffff  }
.Ltmp26:
0x442: {  	[tilespmem:s12+$0xFFFFFFD0] =	vst v4;
	v1 =	vld.idx.msk [tilespmem:v10+s31+$0x0], $0xffff;
	(pc) =	sbr.rel @p0 .LBB2_54-.Ltmp26, $4  }
0x443: {  	[tilespmem:s12+$0xFFFFFFE0] =	vst v5;
	v2 =	vld.idx.msk [tilespmem:v11+s31+$0x0], $0xffff  }
0x444: {  	[tilespmem:s12+$0xFFFFFFF0] =	vst v7;
	v3 =	vld.idx.msk [tilespmem:v12+s31+$0x0], $0xffff  }
0x445: {  	[tilespmem:s12+$0xFFFFFF80] =	vst v14;
	v4 =	vld.idx.msk [tilespmem:v13+s31+$0x0], $0xffff  }
0x446: {  	s17 =	sadd.s32 $0x200, s17;
	[tilespmem:s12+$0x0] =	vst v8;
	v5 =	vld.idx.msk [tilespmem:v6+s31+$0x0], $0xffff  }
0x447: {  	[tilespmem:s12+$0x10] =	vst v0  }
0x448: {  	[tilespmem:s12+$0x20] =	vst v1  }
0x449: {  	[tilespmem:s12+$0x30] =	vst v2  }
0x44a: {  	[tilespmem:s12+$0x40] =	vst v3  }
0x44b: {  	s16 =	simm.s32 $0x0;
	[tilespmem:s12+$0x50] =	vst v4  }
0x44c: {  	s21 =	sadd.s32 $0x0, s26;
	s17 =	simm.s32 $0x100;
	[tilespmem:s12+$0x60] =	vst v5;
	s12 =	simm.s32 $0x10  }
.LBB2_56:
0x44d: {  	[tilespmem:s16], [sflag:$0x1] =	stream.linear.gather [hbm4b:s21+s6], $0x80, $0x38;
	[tilespmem:$0x1E700] =	vst v63  }
0x44e: {  	s21 =	smov.u32 s12;
	s16 =	smov.u32 s17;
	p0 =	sne.s32 s12, $0x1F0  }
.Ltmp27:
0x44f: {  	s12 =	sadd.s32 $0x10, s12;
	(pc) =	sbr.rel @p0 .LBB2_56-.Ltmp27, $2  }
0x450: {  	_ =	sdelay $0x2  }
0x451: {  	s17 =	sadd.s32 $0x100, s17;
	s21 =	sadd.s32 s21, s26  }
0x452: {  	[tilespmem:s16], [sflag:$0x1] =	stream.linear.gather [hbm4b:s21+s6], $0x80, $0x38;
	[tilespmem:$0x1E700] =	vst v63  }
0x453: {  	_ =	swait.ge [sflag:s0], $0x1000  }
0x454: {  	[sflag:s0] =	ssyncset.done $0x0  }
0x455: {  	s12 =	simm.s32 $0x180;
	[sflag:s0] =	ssyncadd.s32 $0xFFFFF000  }
0x456: {  	v0 =	vld [tilespmem:s12+$0x70]  }
0x457: {  	v1 =	vld [tilespmem:s12+$0xFFFFFF10]  }
0x458: {  	v2 =	vld [tilespmem:s12+$0xFFFFFF20]  }
0x459: {  	v3 =	vld [tilespmem:s12+$0xFFFFFF30]  }
0x45a: {  	v4 =	vld [tilespmem:s12+$0xFFFFFF40]  }
0x45b: {  	v5 =	vld [tilespmem:s12+$0xFFFFFF50]  }
0x45c: {  	v6 =	vld [tilespmem:s12+$0xFFFFFF60]  }
0x45d: {  	v7 =	vld [tilespmem:s12+$0xFFFFFF70]  }
0x45e: {  	v8 =	vld [tilespmem:s12+$0x0]  }
0x45f: {  	v9 =	vld [tilespmem:s12+$0x10]  }
0x460: {  	v10 =	vld [tilespmem:s12+$0x20]  }
0x461: {  	v11 =	vld [tilespmem:s12+$0x30]  }
0x462: {  	v12 =	vld [tilespmem:s12+$0x40]  }
0x463: {  	v13 =	vld [tilespmem:s12+$0x50]  }
0x464: {  	v14 =	vld [tilespmem:s12+$0x60]  }
0x465: {  	v15 =	vld [tilespmem:s12+$0xFFFFFF00]  }
0x466: {  	v0 =	vld.idx.msk [tilespmem:v0+s31+$0x0], $0xffff  }
0x467: {  	v1 =	vld.idx.msk [tilespmem:v1+s31+$0x0], $0xffff  }
0x468: {  	v2 =	vld.idx.msk [tilespmem:v2+s31+$0x0], $0xffff  }
0x469: {  	v3 =	vld.idx.msk [tilespmem:v3+s31+$0x0], $0xffff  }
0x46a: {  	v4 =	vld.idx.msk [tilespmem:v4+s31+$0x0], $0xffff  }
0x46b: {  	s12 =	simm.s32 $0x1B7F0;
	v5 =	vld.idx.msk [tilespmem:v5+s31+$0x0], $0xffff  }
0x46c: {  	v6 =	vld.idx.msk [tilespmem:v6+s31+$0x0], $0xffff;
	[tilespmem:s12+$0x0] =	vst v0  }
0x46d: {  	v7 =	vld.idx.msk [tilespmem:v7+s31+$0x0], $0xffff;
	[tilespmem:s12+$0xFFFFFF20] =	vst v1  }
0x46e: {  	v15 =	vld.idx.msk [tilespmem:v15+s31+$0x0], $0xffff;
	[tilespmem:s12+$0xFFFFFF30] =	vst v2  }
0x46f: {  	v8 =	vld.idx.msk [tilespmem:v8+s31+$0x0], $0xffff;
	[tilespmem:s12+$0xFFFFFF40] =	vst v3  }
0x470: {  	[tilespmem:s12+$0xFFFFFF50] =	vst v4;
	v0 =	vld.idx.msk [tilespmem:v9+s31+$0x0], $0xffff  }
0x471: {  	[tilespmem:s12+$0xFFFFFF60] =	vst v5;
	v1 =	vld.idx.msk [tilespmem:v10+s31+$0x0], $0xffff  }
0x472: {  	[tilespmem:s12+$0xFFFFFF70] =	vst v6;
	v2 =	vld.idx.msk [tilespmem:v11+s31+$0x0], $0xffff  }
0x473: {  	[tilespmem:s12+$0xFFFFFF80] =	vst v7;
	v3 =	vld.idx.msk [tilespmem:v12+s31+$0x0], $0xffff  }
0x474: {  	[tilespmem:s12+$0xFFFFFF10] =	vst v15;
	v4 =	vld.idx.msk [tilespmem:v13+s31+$0x0], $0xffff  }
0x475: {  	s16 =	simm.s32 $0x0;
	s17 =	simm.s32 $0x380;
	[tilespmem:s12+$0xFFFFFF90] =	vst v8;
	v5 =	vld.idx.msk [tilespmem:v14+s31+$0x0], $0xffff  }
.LBB2_58:
0x476: {  	v6 =	vld [tilespmem:s17+$0x70];
	s16 =	sadd.s32 $0x10, s16;
	[tilespmem:s12+$0xFFFFFFA0] =	vst v0  }
0x477: {  	v0 =	vld [tilespmem:s17+$0xFFFFFF10];
	p0 =	slt.u32 s16, $0xF0;
	[tilespmem:s12+$0xFFFFFFB0] =	vst v1  }
0x478: {  	v1 =	vld [tilespmem:s17+$0xFFFFFF20];
	[tilespmem:s12+$0xFFFFFFC0] =	vst v2  }
0x479: {  	v2 =	vld [tilespmem:s17+$0xFFFFFF30];
	[tilespmem:s12+$0xFFFFFFD0] =	vst v3  }
0x47a: {  	v3 =	vld [tilespmem:s17+$0xFFFFFF40];
	[tilespmem:s12+$0xFFFFFFE0] =	vst v4  }
0x47b: {  	v4 =	vld [tilespmem:s17+$0xFFFFFF50];
	[tilespmem:s12+$0xFFFFFFF0] =	vst v5  }
0x47c: {  	v5 =	vld [tilespmem:s17+$0xFFFFFF60]  }
0x47d: {  	v7 =	vld [tilespmem:s17+$0xFFFFFF70]  }
0x47e: {  	v6 =	vld.idx.msk [tilespmem:v6+s31+$0x0], $0xffff  }
0x47f: {  	v8 =	vld [tilespmem:s17+$0x0]  }
0x480: {  	v9 =	vld [tilespmem:s17+$0x10]  }
0x481: {  	v10 =	vld [tilespmem:s17+$0x20]  }
0x482: {  	v11 =	vld [tilespmem:s17+$0x30]  }
0x483: {  	s12 =	sadd.s32 $0x100, s12;
	v12 =	vld [tilespmem:s17+$0x40]  }
0x484: {  	v13 =	vld [tilespmem:s17+$0x50];
	[tilespmem:s12+$0x0] =	vst v6  }
0x485: {  	v6 =	vld [tilespmem:s17+$0x60]  }
0x486: {  	v14 =	vld [tilespmem:s17+$0xFFFFFF00]  }
0x487: {  	v0 =	vld.idx.msk [tilespmem:v0+s31+$0x0], $0xffff  }
0x488: {  	v1 =	vld.idx.msk [tilespmem:v1+s31+$0x0], $0xffff  }
0x489: {  	v2 =	vld.idx.msk [tilespmem:v2+s31+$0x0], $0xffff  }
0x48a: {  	v3 =	vld.idx.msk [tilespmem:v3+s31+$0x0], $0xffff  }
0x48b: {  	v4 =	vld.idx.msk [tilespmem:v4+s31+$0x0], $0xffff  }
0x48c: {  	v5 =	vld.idx.msk [tilespmem:v5+s31+$0x0], $0xffff  }
0x48d: {  	[tilespmem:s12+$0xFFFFFF20] =	vst v0;
	v7 =	vld.idx.msk [tilespmem:v7+s31+$0x0], $0xffff  }
0x48e: {  	v14 =	vld.idx.msk [tilespmem:v14+s31+$0x0], $0xffff;
	[tilespmem:s12+$0xFFFFFF30] =	vst v1  }
0x48f: {  	[tilespmem:s12+$0xFFFFFF40] =	vst v2;
	v8 =	vld.idx.msk [tilespmem:v8+s31+$0x0], $0xffff  }
0x490: {  	[tilespmem:s12+$0xFFFFFF50] =	vst v3;
	v0 =	vld.idx.msk [tilespmem:v9+s31+$0x0], $0xffff  }
.Ltmp28:
0x491: {  	[tilespmem:s12+$0xFFFFFF60] =	vst v4;
	v1 =	vld.idx.msk [tilespmem:v10+s31+$0x0], $0xffff;
	(pc) =	sbr.rel @p0 .LBB2_58-.Ltmp28, $4  }
0x492: {  	[tilespmem:s12+$0xFFFFFF70] =	vst v5;
	v2 =	vld.idx.msk [tilespmem:v11+s31+$0x0], $0xffff  }
0x493: {  	[tilespmem:s12+$0xFFFFFF80] =	vst v7;
	v3 =	vld.idx.msk [tilespmem:v12+s31+$0x0], $0xffff  }
0x494: {  	[tilespmem:s12+$0xFFFFFF10] =	vst v14;
	v4 =	vld.idx.msk [tilespmem:v13+s31+$0x0], $0xffff  }
0x495: {  	s17 =	sadd.s32 $0x200, s17;
	[tilespmem:s12+$0xFFFFFF90] =	vst v8;
	v5 =	vld.idx.msk [tilespmem:v6+s31+$0x0], $0xffff  }
0x496: {  	[tilespmem:s12+$0xFFFFFFA0] =	vst v0  }
0x497: {  	[tilespmem:s12+$0xFFFFFFB0] =	vst v1  }
0x498: {  	[tilespmem:s12+$0xFFFFFFC0] =	vst v2  }
0x499: {  	[tilespmem:s12+$0xFFFFFFD0] =	vst v3  }
0x49a: {  	s16 =	simm.s32 $0x80;
	[tilespmem:s12+$0xFFFFFFE0] =	vst v4  }
0x49b: {  	s21 =	sadd.s32 $0x0, s28;
	s17 =	simm.s32 $0x180;
	[tilespmem:s12+$0xFFFFFFF0] =	vst v5;
	s12 =	simm.s32 $0x10  }
.LBB2_60:
0x49c: {  	[tilespmem:s16], [sflag:$0x1] =	stream.linear.gather [hbm4b:s21+s6], $0x80, $0x38;
	[tilespmem:$0x1E700] =	vst v63  }
0x49d: {  	s21 =	smov.u32 s12;
	s16 =	smov.u32 s17;
	p0 =	sne.s32 s12, $0x1F0  }
.Ltmp29:
0x49e: {  	s12 =	sadd.s32 $0x10, s12;
	(pc) =	sbr.rel @p0 .LBB2_60-.Ltmp29, $2  }
0x49f: {  	_ =	sdelay $0x2  }
0x4a0: {  	s17 =	sadd.s32 $0x100, s17;
	s21 =	sadd.s32 s21, s28  }
0x4a1: {  	[tilespmem:s16], [sflag:$0x1] =	stream.linear.gather [hbm4b:s21+s6], $0x80, $0x38;
	[tilespmem:$0x1E700] =	vst v63  }
0x4a2: {  	_ =	swait.ge [sflag:s0], $0x1000  }
0x4a3: {  	[sflag:s0] =	ssyncset.done $0x0  }
0x4a4: {  	s12 =	simm.s32 $0x100;
	[sflag:s0] =	ssyncadd.s32 $0xFFFFF000  }
0x4a5: {  	v0 =	vld [tilespmem:s12+$0x70]  }
0x4a6: {  	v1 =	vld [tilespmem:s12+$0xFFFFFF10]  }
0x4a7: {  	v2 =	vld [tilespmem:s12+$0xFFFFFF20]  }
0x4a8: {  	v3 =	vld [tilespmem:s12+$0xFFFFFF30]  }
0x4a9: {  	v4 =	vld [tilespmem:s12+$0xFFFFFF40]  }
0x4aa: {  	v5 =	vld [tilespmem:s12+$0xFFFFFF50]  }
0x4ab: {  	v6 =	vld [tilespmem:s12+$0xFFFFFF60]  }
0x4ac: {  	v7 =	vld [tilespmem:s12+$0xFFFFFF70]  }
0x4ad: {  	v8 =	vld [tilespmem:s12+$0x0]  }
0x4ae: {  	v9 =	vld [tilespmem:s12+$0x10]  }
0x4af: {  	v10 =	vld [tilespmem:s12+$0x20]  }
0x4b0: {  	v11 =	vld [tilespmem:s12+$0x30]  }
0x4b1: {  	v12 =	vld [tilespmem:s12+$0x40]  }
0x4b2: {  	v13 =	vld [tilespmem:s12+$0x50]  }
0x4b3: {  	v14 =	vld [tilespmem:s12+$0x60]  }
0x4b4: {  	v15 =	vld [tilespmem:s12+$0xFFFFFF00]  }
0x4b5: {  	v0 =	vld.idx.msk [tilespmem:v0+s31+$0x0], $0xffff  }
0x4b6: {  	v1 =	vld.idx.msk [tilespmem:v1+s31+$0x0], $0xffff  }
0x4b7: {  	v2 =	vld.idx.msk [tilespmem:v2+s31+$0x0], $0xffff  }
0x4b8: {  	v3 =	vld.idx.msk [tilespmem:v3+s31+$0x0], $0xffff  }
0x4b9: {  	v4 =	vld.idx.msk [tilespmem:v4+s31+$0x0], $0xffff  }
0x4ba: {  	s12 =	simm.s32 $0x1C7F0;
	v5 =	vld.idx.msk [tilespmem:v5+s31+$0x0], $0xffff  }
0x4bb: {  	v6 =	vld.idx.msk [tilespmem:v6+s31+$0x0], $0xffff;
	[tilespmem:s12+$0x0] =	vst v0  }
0x4bc: {  	v7 =	vld.idx.msk [tilespmem:v7+s31+$0x0], $0xffff;
	[tilespmem:s12+$0xFFFFFF20] =	vst v1  }
0x4bd: {  	v15 =	vld.idx.msk [tilespmem:v15+s31+$0x0], $0xffff;
	[tilespmem:s12+$0xFFFFFF30] =	vst v2  }
0x4be: {  	v8 =	vld.idx.msk [tilespmem:v8+s31+$0x0], $0xffff;
	[tilespmem:s12+$0xFFFFFF40] =	vst v3  }
0x4bf: {  	[tilespmem:s12+$0xFFFFFF50] =	vst v4;
	v0 =	vld.idx.msk [tilespmem:v9+s31+$0x0], $0xffff  }
0x4c0: {  	[tilespmem:s12+$0xFFFFFF60] =	vst v5;
	v1 =	vld.idx.msk [tilespmem:v10+s31+$0x0], $0xffff  }
0x4c1: {  	[tilespmem:s12+$0xFFFFFF70] =	vst v6;
	v2 =	vld.idx.msk [tilespmem:v11+s31+$0x0], $0xffff  }
0x4c2: {  	[tilespmem:s12+$0xFFFFFF80] =	vst v7;
	v3 =	vld.idx.msk [tilespmem:v12+s31+$0x0], $0xffff  }
0x4c3: {  	[tilespmem:s12+$0xFFFFFF10] =	vst v15;
	v4 =	vld.idx.msk [tilespmem:v13+s31+$0x0], $0xffff  }
0x4c4: {  	s16 =	simm.s32 $0x0;
	s17 =	simm.s32 $0x300;
	[tilespmem:s12+$0xFFFFFF90] =	vst v8;
	v5 =	vld.idx.msk [tilespmem:v14+s31+$0x0], $0xffff  }
.LBB2_62:
0x4c5: {  	v6 =	vld [tilespmem:s17+$0x70];
	s16 =	sadd.s32 $0x10, s16;
	[tilespmem:s12+$0xFFFFFFA0] =	vst v0  }
0x4c6: {  	v0 =	vld [tilespmem:s17+$0xFFFFFF10];
	p0 =	slt.u32 s16, $0xF0;
	[tilespmem:s12+$0xFFFFFFB0] =	vst v1  }
0x4c7: {  	v1 =	vld [tilespmem:s17+$0xFFFFFF20];
	[tilespmem:s12+$0xFFFFFFC0] =	vst v2  }
0x4c8: {  	v2 =	vld [tilespmem:s17+$0xFFFFFF30];
	[tilespmem:s12+$0xFFFFFFD0] =	vst v3  }
0x4c9: {  	v3 =	vld [tilespmem:s17+$0xFFFFFF40];
	[tilespmem:s12+$0xFFFFFFE0] =	vst v4  }
0x4ca: {  	v4 =	vld [tilespmem:s17+$0xFFFFFF50];
	[tilespmem:s12+$0xFFFFFFF0] =	vst v5  }
0x4cb: {  	v5 =	vld [tilespmem:s17+$0xFFFFFF60]  }
0x4cc: {  	v7 =	vld [tilespmem:s17+$0xFFFFFF70]  }
0x4cd: {  	v6 =	vld.idx.msk [tilespmem:v6+s31+$0x0], $0xffff  }
0x4ce: {  	v8 =	vld [tilespmem:s17+$0x0]  }
0x4cf: {  	v9 =	vld [tilespmem:s17+$0x10]  }
0x4d0: {  	v10 =	vld [tilespmem:s17+$0x20]  }
0x4d1: {  	v11 =	vld [tilespmem:s17+$0x30]  }
0x4d2: {  	s12 =	sadd.s32 $0x100, s12;
	v12 =	vld [tilespmem:s17+$0x40]  }
0x4d3: {  	v13 =	vld [tilespmem:s17+$0x50];
	[tilespmem:s12+$0x0] =	vst v6  }
0x4d4: {  	v6 =	vld [tilespmem:s17+$0x60]  }
0x4d5: {  	v14 =	vld [tilespmem:s17+$0xFFFFFF00]  }
0x4d6: {  	v0 =	vld.idx.msk [tilespmem:v0+s31+$0x0], $0xffff  }
0x4d7: {  	v1 =	vld.idx.msk [tilespmem:v1+s31+$0x0], $0xffff  }
0x4d8: {  	v2 =	vld.idx.msk [tilespmem:v2+s31+$0x0], $0xffff  }
0x4d9: {  	v3 =	vld.idx.msk [tilespmem:v3+s31+$0x0], $0xffff  }
0x4da: {  	v4 =	vld.idx.msk [tilespmem:v4+s31+$0x0], $0xffff  }
0x4db: {  	v5 =	vld.idx.msk [tilespmem:v5+s31+$0x0], $0xffff  }
0x4dc: {  	[tilespmem:s12+$0xFFFFFF20] =	vst v0;
	v7 =	vld.idx.msk [tilespmem:v7+s31+$0x0], $0xffff  }
0x4dd: {  	v14 =	vld.idx.msk [tilespmem:v14+s31+$0x0], $0xffff;
	[tilespmem:s12+$0xFFFFFF30] =	vst v1  }
0x4de: {  	[tilespmem:s12+$0xFFFFFF40] =	vst v2;
	v8 =	vld.idx.msk [tilespmem:v8+s31+$0x0], $0xffff  }
0x4df: {  	[tilespmem:s12+$0xFFFFFF50] =	vst v3;
	v0 =	vld.idx.msk [tilespmem:v9+s31+$0x0], $0xffff  }
.Ltmp30:
0x4e0: {  	[tilespmem:s12+$0xFFFFFF60] =	vst v4;
	v1 =	vld.idx.msk [tilespmem:v10+s31+$0x0], $0xffff;
	(pc) =	sbr.rel @p0 .LBB2_62-.Ltmp30, $4  }
0x4e1: {  	[tilespmem:s12+$0xFFFFFF70] =	vst v5;
	v2 =	vld.idx.msk [tilespmem:v11+s31+$0x0], $0xffff  }
0x4e2: {  	[tilespmem:s12+$0xFFFFFF80] =	vst v7;
	v3 =	vld.idx.msk [tilespmem:v12+s31+$0x0], $0xffff  }
0x4e3: {  	[tilespmem:s12+$0xFFFFFF10] =	vst v14;
	v4 =	vld.idx.msk [tilespmem:v13+s31+$0x0], $0xffff  }
0x4e4: {  	s17 =	sadd.s32 $0x200, s17;
	[tilespmem:s12+$0xFFFFFF90] =	vst v8;
	v5 =	vld.idx.msk [tilespmem:v6+s31+$0x0], $0xffff  }
0x4e5: {  	[tilespmem:s12+$0xFFFFFFA0] =	vst v0  }
0x4e6: {  	[tilespmem:s12+$0xFFFFFFB0] =	vst v1  }
0x4e7: {  	[tilespmem:s12+$0xFFFFFFC0] =	vst v2  }
0x4e8: {  	[tilespmem:s12+$0xFFFFFFD0] =	vst v3  }
0x4e9: {  	[tilespmem:s12+$0xFFFFFFE0] =	vst v4  }
0x4ea: {  	[tilespmem:s12+$0xFFFFFFF0] =	vst v5  }
0x4eb: {  	_ =	swait.ge [sflag:s0], $0x1000  }
0x4ec: {  	[sflag:s0] =	ssyncset.done $0x0  }
0x4ed: {  	s21 =	simm.s32 $0x180;
	[sflag:s0] =	ssyncadd.s32 $0xFFFFF000  }
0x4ee: {  	v0 =	vld [tilespmem:s21+$0x70]  }
0x4ef: {  	v1 =	vld [tilespmem:s21+$0xFFFFFF10]  }
0x4f0: {  	v2 =	vld [tilespmem:s21+$0xFFFFFF20]  }
0x4f1: {  	v3 =	vld [tilespmem:s21+$0xFFFFFF30]  }
0x4f2: {  	v4 =	vld [tilespmem:s21+$0xFFFFFF40]  }
0x4f3: {  	v5 =	vld [tilespmem:s21+$0xFFFFFF50]  }
0x4f4: {  	v6 =	vld [tilespmem:s21+$0xFFFFFF60]  }
0x4f5: {  	v7 =	vld [tilespmem:s21+$0xFFFFFF70]  }
0x4f6: {  	v8 =	vld [tilespmem:s21+$0x0]  }
0x4f7: {  	v9 =	vld [tilespmem:s21+$0x10]  }
0x4f8: {  	v10 =	vld [tilespmem:s21+$0x20]  }
0x4f9: {  	v11 =	vld [tilespmem:s21+$0x30]  }
0x4fa: {  	v12 =	vld [tilespmem:s21+$0x40]  }
0x4fb: {  	v13 =	vld [tilespmem:s21+$0x50]  }
0x4fc: {  	v14 =	vld [tilespmem:s21+$0x60]  }
0x4fd: {  	v15 =	vld [tilespmem:s21+$0xFFFFFF00]  }
0x4fe: {  	v0 =	vld.idx.msk [tilespmem:v0+s31+$0x0], $0xffff  }
0x4ff: {  	v1 =	vld.idx.msk [tilespmem:v1+s31+$0x0], $0xffff  }
0x500: {  	v2 =	vld.idx.msk [tilespmem:v2+s31+$0x0], $0xffff  }
0x501: {  	v3 =	vld.idx.msk [tilespmem:v3+s31+$0x0], $0xffff  }
0x502: {  	v4 =	vld.idx.msk [tilespmem:v4+s31+$0x0], $0xffff  }
0x503: {  	s12 =	simm.s32 $0x1D7F0;
	v5 =	vld.idx.msk [tilespmem:v5+s31+$0x0], $0xffff  }
0x504: {  	v6 =	vld.idx.msk [tilespmem:v6+s31+$0x0], $0xffff;
	[tilespmem:s12+$0x0] =	vst v0  }
0x505: {  	v7 =	vld.idx.msk [tilespmem:v7+s31+$0x0], $0xffff;
	[tilespmem:s12+$0xFFFFFF20] =	vst v1  }
0x506: {  	v15 =	vld.idx.msk [tilespmem:v15+s31+$0x0], $0xffff;
	[tilespmem:s12+$0xFFFFFF30] =	vst v2  }
0x507: {  	v8 =	vld.idx.msk [tilespmem:v8+s31+$0x0], $0xffff;
	[tilespmem:s12+$0xFFFFFF40] =	vst v3  }
0x508: {  	[tilespmem:s12+$0xFFFFFF50] =	vst v4;
	v0 =	vld.idx.msk [tilespmem:v9+s31+$0x0], $0xffff  }
0x509: {  	[tilespmem:s12+$0xFFFFFF60] =	vst v5;
	v1 =	vld.idx.msk [tilespmem:v10+s31+$0x0], $0xffff  }
0x50a: {  	[tilespmem:s12+$0xFFFFFF70] =	vst v6;
	v2 =	vld.idx.msk [tilespmem:v11+s31+$0x0], $0xffff  }
0x50b: {  	[tilespmem:s12+$0xFFFFFF80] =	vst v7;
	v3 =	vld.idx.msk [tilespmem:v12+s31+$0x0], $0xffff  }
0x50c: {  	[tilespmem:s12+$0xFFFFFF10] =	vst v15;
	v4 =	vld.idx.msk [tilespmem:v13+s31+$0x0], $0xffff  }
0x50d: {  	s16 =	simm.s32 $0x0;
	s17 =	simm.s32 $0x380;
	[tilespmem:s12+$0xFFFFFF90] =	vst v8;
	v5 =	vld.idx.msk [tilespmem:v14+s31+$0x0], $0xffff  }
.LBB2_64:
0x50e: {  	v6 =	vld [tilespmem:s17+$0x70];
	s16 =	sadd.s32 $0x10, s16;
	[tilespmem:s12+$0xFFFFFFA0] =	vst v0  }
0x50f: {  	v0 =	vld [tilespmem:s17+$0xFFFFFF10];
	p0 =	slt.u32 s16, $0xF0;
	[tilespmem:s12+$0xFFFFFFB0] =	vst v1  }
0x510: {  	v1 =	vld [tilespmem:s17+$0xFFFFFF20];
	[tilespmem:s12+$0xFFFFFFC0] =	vst v2  }
0x511: {  	v2 =	vld [tilespmem:s17+$0xFFFFFF30];
	[tilespmem:s12+$0xFFFFFFD0] =	vst v3  }
0x512: {  	v3 =	vld [tilespmem:s17+$0xFFFFFF40];
	[tilespmem:s12+$0xFFFFFFE0] =	vst v4  }
0x513: {  	v4 =	vld [tilespmem:s17+$0xFFFFFF50];
	[tilespmem:s12+$0xFFFFFFF0] =	vst v5  }
0x514: {  	v5 =	vld [tilespmem:s17+$0xFFFFFF60]  }
0x515: {  	v7 =	vld [tilespmem:s17+$0xFFFFFF70]  }
0x516: {  	v6 =	vld.idx.msk [tilespmem:v6+s31+$0x0], $0xffff  }
0x517: {  	v8 =	vld [tilespmem:s17+$0x0]  }
0x518: {  	v9 =	vld [tilespmem:s17+$0x10]  }
0x519: {  	v10 =	vld [tilespmem:s17+$0x20]  }
0x51a: {  	v11 =	vld [tilespmem:s17+$0x30]  }
0x51b: {  	s12 =	sadd.s32 $0x100, s12;
	v12 =	vld [tilespmem:s17+$0x40]  }
0x51c: {  	v13 =	vld [tilespmem:s17+$0x50];
	[tilespmem:s12+$0x0] =	vst v6  }
0x51d: {  	v6 =	vld [tilespmem:s17+$0x60]  }
0x51e: {  	v14 =	vld [tilespmem:s17+$0xFFFFFF00]  }
0x51f: {  	v0 =	vld.idx.msk [tilespmem:v0+s31+$0x0], $0xffff  }
0x520: {  	v1 =	vld.idx.msk [tilespmem:v1+s31+$0x0], $0xffff  }
0x521: {  	v2 =	vld.idx.msk [tilespmem:v2+s31+$0x0], $0xffff  }
0x522: {  	v3 =	vld.idx.msk [tilespmem:v3+s31+$0x0], $0xffff  }
0x523: {  	v4 =	vld.idx.msk [tilespmem:v4+s31+$0x0], $0xffff  }
0x524: {  	v5 =	vld.idx.msk [tilespmem:v5+s31+$0x0], $0xffff  }
0x525: {  	[tilespmem:s12+$0xFFFFFF20] =	vst v0;
	v7 =	vld.idx.msk [tilespmem:v7+s31+$0x0], $0xffff  }
0x526: {  	v14 =	vld.idx.msk [tilespmem:v14+s31+$0x0], $0xffff;
	[tilespmem:s12+$0xFFFFFF30] =	vst v1  }
0x527: {  	[tilespmem:s12+$0xFFFFFF40] =	vst v2;
	v8 =	vld.idx.msk [tilespmem:v8+s31+$0x0], $0xffff  }
0x528: {  	[tilespmem:s12+$0xFFFFFF50] =	vst v3;
	v0 =	vld.idx.msk [tilespmem:v9+s31+$0x0], $0xffff  }
.Ltmp31:
0x529: {  	[tilespmem:s12+$0xFFFFFF60] =	vst v4;
	v1 =	vld.idx.msk [tilespmem:v10+s31+$0x0], $0xffff;
	(pc) =	sbr.rel @p0 .LBB2_64-.Ltmp31, $4  }
0x52a: {  	[tilespmem:s12+$0xFFFFFF70] =	vst v5;
	v2 =	vld.idx.msk [tilespmem:v11+s31+$0x0], $0xffff  }
0x52b: {  	[tilespmem:s12+$0xFFFFFF80] =	vst v7;
	v3 =	vld.idx.msk [tilespmem:v12+s31+$0x0], $0xffff  }
0x52c: {  	[tilespmem:s12+$0xFFFFFF10] =	vst v14;
	v4 =	vld.idx.msk [tilespmem:v13+s31+$0x0], $0xffff  }
0x52d: {  	s17 =	sadd.s32 $0x200, s17;
	[tilespmem:s12+$0xFFFFFF90] =	vst v8;
	v5 =	vld.idx.msk [tilespmem:v6+s31+$0x0], $0xffff  }
0x52e: {  	[tilespmem:s12+$0xFFFFFFA0] =	vst v0  }
0x52f: {  	[tilespmem:s12+$0xFFFFFFB0] =	vst v1  }
0x530: {  	[tilespmem:s12+$0xFFFFFFC0] =	vst v2  }
0x531: {  	s11 =	sadd.s32 $0x1, s11;
	[tilespmem:s12+$0xFFFFFFD0] =	vst v3  }
0x532: {  	p0 =	sne.s32 s11, s25;
	[tilespmem:s12+$0xFFFFFFE0] =	vst v4  }
.Ltmp32:
0x533: {  	[tilespmem:s12+$0xFFFFFFF0] =	vst v5;
	(pc) =	sbr.rel @p0 .LBB2_1-.Ltmp32, $4  }
0x534: {  	[hbm4b:s24+s29] =	stream.strided.scatter [tilespmem:s4], [sflag:$0x2], $0x4000, s30, s29, $0x38;
	[tilespmem:$0x1E700] =	vst v63  }
0x535: {  	_ =	swait.ge [sflag:s7], $0x4000  }
0x536: {  	[sflag:s7] =	ssyncset.done $0x0  }
0x537: {  	[sflag:s7] =	ssyncadd.s32 $0xFFFFC000  }
0x538: {  	_ =	sfence.sel $0x180000  }
0x539: {  	[bflag:$0x0] =	sbarrier.arrive $0xFFFF  }
0x53a: {  	_ =	strace $0x90000047  }
0x53b: {  	s0 =	stileid.u32;
	[bflag:$0x2] =	sbarrier.arrive $0xFFFF  }
0x53c: {  	p0 =	sne.s32 s0, $0x0;
	s0 =	rddreg [dreg:$0x9]  }
0x53d: {  	s0 =	sadd.s32 @!p0 $0x100000, s0  }
0x53e: {  	[sflag:s0] =	ssyncadd.tile.s32 @!p0 $0x1;
	_ =	shalt  }
.Lfunc_end2:
_tile_overlayer_lowered:
.L_overlay_start_2:
0x53f: {  	(tag) =	ssettag $0x2  }
0x540: {  	s0 =	rddreg [dreg:$0x0];
	s2 =	stileid.u32  }
0x541: {  	s1 =	rddreg [dreg:$0x1];
	p0 =	sne.s32 s2, $0x0  }
0x542: {  	s3 =	rddreg [dreg:$0x2];
	[bflag:$0x3] =	sbarrier.arrive $0xFFFF;
	s2 =	simm.s32 @!p0 $0x1C03  }
0x543: {  	[timem:s3], [sflag:s2] =	dma.local @!p0 [hbm:s0], s1  }
0x544: {  	s0 =	simm.s32 @!p0 $0x3  }
0x545: {  	_ =	swait.ge @!p0 [sflag:s0], s1  }
0x546: {  	s1 =	ssub.s32 @!p0 $0x0, s1;
	[sflag:s0] =	ssyncset.done @!p0 $0x0  }
0x547: {  	[sflag:s0] =	ssyncadd.s32 @!p0 s1  }
0x548: {  	[bflag:$0x3] =	sbarrier.arrive $0xFFFF  }
0x549: {  	_ =	shalt  }

</sc_bundles>
